<compile_context>
chip_gen: v7x
topology: tpu7x:2x2x1
jax: 0.10.2.dev20260603
libtpu: 0.0.44.dev20260713+nightly
codegen_flags: <defaults>
</compile_context>

<pallas_src>
import functools

import jax
import jax.numpy as jnp
from jax import lax
from jax.experimental import pallas as pl
from jax.experimental.pallas import tpu as pltpu
from jax.experimental.pallas import tpu_sc as plsc

_TQ = 1024
_TN = 2048
_SC_LANES = 16


def _argmin_body(n_keys, kc, q_ref, k_ref, fprev_ref, idx_ref, psum_ref):
    j = pl.program_id(1)
    qx = jnp.transpose(q_ref[0, :, 0:1])
    qy = jnp.transpose(q_ref[0, :, 1:2])
    tq = qx.shape[1]
    ii = lax.broadcasted_iota(jnp.int32, (kc, tq), 0)
    rmin = jnp.full((kc, tq), jnp.inf, jnp.float32)
    ridx = jnp.zeros((kc, tq), jnp.int32)
    for k in range(n_keys // kc):
        kx = k_ref[0, k * kc:(k + 1) * kc, 0:1]
        ky = k_ref[0, k * kc:(k + 1) * kc, 1:2]
        dc = jnp.abs(kx - qx) + jnp.abs(ky - qy)
        m = dc < rmin
        rmin = jnp.where(m, dc, rmin)
        ridx = jnp.where(m, ii + (k * kc), ridx)
    dmin = jnp.min(rmin, axis=0, keepdims=True)
    sel = jnp.where(rmin == dmin, ridx, n_keys)
    idx_ref[0, 0, :] = jnp.min(sel, axis=0)

    @pl.when(j == 0)
    def _():
        psum_ref[...] = jnp.zeros_like(psum_ref)

    psum_ref[0, :, :] += jnp.sum(fprev_ref[0], axis=0, keepdims=True)


def _nn_indices_and_prev_sum(pos_org, pos_shuffled, feat_prev):
    B, N, _ = pos_org.shape
    C = feat_prev.shape[2]
    grid = (B, N // _TQ)
    idx, psum = pl.pallas_call(
        functools.partial(_argmin_body, N, 16),
        grid=grid,
        in_specs=[
            pl.BlockSpec((1, _TQ, 2), lambda b, j: (b, j, 0)),
            pl.BlockSpec((1, N, 2), lambda b, j: (b, 0, 0)),
            pl.BlockSpec((1, _TQ, C), lambda b, j: (b, j, 0)),
        ],
        out_specs=[
            pl.BlockSpec((1, 1, _TQ), lambda b, j: (b, 0, j)),
            pl.BlockSpec((1, 1, C), lambda b, j: (b, 0, 0)),
        ],
        out_shape=[
            jax.ShapeDtypeStruct((B, 1, N), jnp.int32),
            jax.ShapeDtypeStruct((B, 1, C), jnp.float32),
        ],
        compiler_params=pltpu.CompilerParams(
            dimension_semantics=("parallel", "arbitrary"),
        ),
    )(pos_org, pos_shuffled, feat_prev)
    return idx.reshape(B, N), psum


def _sc_hist_body(n_bins, n_batches, idx_hbm, cnt_hbm, idx_v, cnt_v):
    wid = lax.axis_index("s") * 2 + lax.axis_index("c")

    @pl.when(wid < n_batches)
    def _():
        pltpu.sync_copy(idx_hbm.at[wid], idx_v)
        zeros = jnp.zeros((_SC_LANES,), jnp.float32)
        ones = jnp.ones((_SC_LANES,), jnp.float32)

        def zero_body(i, carry):
            cnt_v[pl.ds(i * _SC_LANES, _SC_LANES)] = zeros
            return carry

        lax.fori_loop(0, n_bins // _SC_LANES, zero_body, 0)

        def add_body(i, carry):
            iv = idx_v[pl.ds(i * _SC_LANES, _SC_LANES)]
            plsc.addupdate_scatter(cnt_v, [iv], ones)
            return carry

        lax.fori_loop(0, n_bins // _SC_LANES, add_body, 0)
        pltpu.sync_copy(cnt_v, cnt_hbm.at[wid])


def _index_histogram(idx):
    B, N = idx.shape
    mesh = plsc.VectorSubcoreMesh(core_axis_name="c", subcore_axis_name="s")
    hist = pl.kernel(
        functools.partial(_sc_hist_body, N, B),
        mesh=mesh,
        out_type=jax.ShapeDtypeStruct((B, N), jnp.float32),
        scratch_types=[
            pltpu.VMEM((N,), jnp.int32),
            pltpu.VMEM((N,), jnp.float32),
        ],
        compiler_params=pltpu.CompilerParams(needs_layout_passes=False),
    )
    return hist(idx)


def _proj_mlp_body(B, N, C, feat_ref, w_ref, bp_ref, g_ref, b_ref,
                   cnt_ref, psum_ref, w1_ref, b1_ref, w2_ref, b2_ref,
                   w3_ref, b3_ref, o_ref, acc_ref):
    b = pl.program_id(0)
    j = pl.program_id(1)
    nj = pl.num_programs(1)

    @pl.when((b == 0) & (j == 0))
    def _():
        acc_ref[...] = jnp.zeros_like(acc_ref)

    x = feat_ref[0]
    proj = jnp.dot(x, w_ref[...], preferred_element_type=jnp.float32)
    proj = proj + bp_ref[0:1, :]
    mu = jnp.mean(proj, axis=1, keepdims=True)
    var = jnp.mean((proj - mu) ** 2, axis=1, keepdims=True)
    ln = (proj - mu) / jnp.sqrt(var + 1e-5) * g_ref[0:1, :] + b_ref[0:1, :]
    c = cnt_ref[0, :, :]
    wsum = jnp.dot(c, ln, preferred_element_type=jnp.float32)
    row = lax.broadcasted_iota(jnp.int32, (B, 1), 0)
    acc_ref[...] += jnp.where(row == b, wsum * (1.0 / N), 0.0)

    @pl.when((b == B - 1) & (j == nj - 1))
    def _():
        prev_mean = psum_ref[:, 0, :] * (1.0 / N)
        fused_mean = acc_ref[...] + prev_mean
        pooled = jnp.concatenate([fused_mean, prev_mean], axis=1)
        h = jnp.dot(pooled, w1_ref[...], preferred_element_type=jnp.float32)
        h = jnp.maximum(h + b1_ref[0:1, :], 0.0)
        h = jnp.dot(h, w2_ref[...], preferred_element_type=jnp.float32)
        h = jnp.maximum(h + b2_ref[0:1, :], 0.0)
        o = jnp.dot(h, w3_ref[...], preferred_element_type=jnp.float32)
        o_ref[...] = o + b3_ref[0:1, :]


def _proj_mlp(feat, counts, prev_sums, W_proj, b_proj, ln_g, ln_b,
              W1, b1, W2, b2, W3, b3):
    B, N, C = feat.shape
    NC = W3.shape[1]
    grid = (B, N // _TN)
    const = lambda b, j: (0, 0)
    const3 = lambda b, j: (0, 0, 0)
    return pl.pallas_call(
        functools.partial(_proj_mlp_body, B, N, C),
        grid=grid,
        in_specs=[
            pl.BlockSpec((1, _TN, C), lambda b, j: (b, j, 0)),
            pl.BlockSpec((C, C), const),
            pl.BlockSpec((1, C), const),
            pl.BlockSpec((1, C), const),
            pl.BlockSpec((1, C), const),
            pl.BlockSpec((1, 1, _TN), lambda b, j: (b, 0, j)),
            pl.BlockSpec((B, 1, C), const3),
            pl.BlockSpec((2 * C, C), const),
            pl.BlockSpec((1, C), const),
            pl.BlockSpec((C, C), const),
            pl.BlockSpec((1, C), const),
            pl.BlockSpec((C, NC), const),
            pl.BlockSpec((1, NC), const),
        ],
        out_specs=pl.BlockSpec((B, NC), const),
        out_shape=jax.ShapeDtypeStruct((B, NC), jnp.float32),
        scratch_shapes=[pltpu.VMEM((B, C), jnp.float32)],
        compiler_params=pltpu.CompilerParams(
            dimension_semantics=("arbitrary", "arbitrary"),
        ),
    )(feat, W_proj, b_proj.reshape(1, C), ln_g.reshape(1, C),
      ln_b.reshape(1, C), counts.reshape(B, 1, N), prev_sums,
      W1, b1.reshape(1, C), W2, b2.reshape(1, C), W3, b3.reshape(1, NC))


def kernel(pos_org, pos_shuffled, feat, feat_prev, W_proj, b_proj, ln_g, ln_b,
           W1, b1, W2, b2, W3, b3):
    idx, prev_sums = _nn_indices_and_prev_sum(pos_org, pos_shuffled, feat_prev)
    counts = _index_histogram(idx)
    return _proj_mlp(feat, counts, prev_sums, W_proj, b_proj, ln_g, ln_b,
                     W1, b1, W2, b2, W3, b3)

# --- scband reference (transcript-rebuilt; emitter-appended) ---
"""Pipeline reference for scband-oracle-teacher-backbone-39745627357480 (READ-ONLY COPY).

The authoritative reference and input builder live on the scoring server;
editing this copy changes nothing except your own understanding.
"""

import jax, jax.numpy as jnp
import numpy as np


def _layernorm(x, g, b, eps=1e-5):
    mu = jnp.mean(x, axis=-1, keepdims=True)
    var = jnp.mean((x - mu) ** 2, axis=-1, keepdims=True)
    return (x - mu) / jnp.sqrt(var + eps) * g + b


def setup_inputs(seed: int = 0) -> dict:
    key = jax.random.key(seed)
    ks = jax.random.split(key, 10)
    B, N, P, C, NC = 4, 2048, 2, 768, 1000
    inp = {}
    inp["pos_org"] = jax.random.normal(ks[0], (B, N, P), dtype=jnp.float32)
    inp["pos_shuffled"] = jax.random.normal(ks[1], (B, N, P), dtype=jnp.float32)
    inp["feat"] = jax.random.normal(ks[2], (B, N, C), dtype=jnp.float32)
    inp["feat_prev"] = jax.random.normal(ks[3], (B, N, C), dtype=jnp.float32)
    inp["W_proj"] = jax.random.normal(ks[4], (C, C), dtype=jnp.float32) * 0.02
    inp["b_proj"] = jnp.zeros((C,), dtype=jnp.float32)
    inp["ln_g"] = jnp.ones((C,), dtype=jnp.float32)
    inp["ln_b"] = jnp.zeros((C,), dtype=jnp.float32)
    inp["W1"] = jax.random.normal(ks[5], (2 * C, C), dtype=jnp.float32) * 0.02
    inp["b1"] = jnp.zeros((C,), dtype=jnp.float32)
    inp["W2"] = jax.random.normal(ks[6], (C, C), dtype=jnp.float32) * 0.02
    inp["b2"] = jnp.zeros((C,), dtype=jnp.float32)
    inp["W3"] = jax.random.normal(ks[7], (C, NC), dtype=jnp.float32) * 0.02
    inp["b3"] = jnp.zeros((NC,), dtype=jnp.float32)
    return inp


def reference(pos_org, pos_shuffled, feat, feat_prev, W_proj, b_proj, ln_g, ln_b, W1, b1, W2, b2, W3, b3):
    # find_pos_org_order: pairwise L1 cdist + argmin (1-NN retrieval of token ordering)
    dists = jnp.sum(jnp.abs(pos_org[:, :, None, :] - pos_shuffled[:, None, :, :]), axis=-1)  # [B, N, N]
    pos_indices = jnp.argmin(dists, axis=2)  # [B, N]
    # gather features into original order: feat[b_, pos_indices]
    feat_ord = jnp.take_along_axis(feat, pos_indices[:, :, None], axis=1)  # [B, N, C]
    # outs[f] = outs[f] + feat_norm(feat_proj(feat))
    proj = feat_ord @ W_proj + b_proj
    fused = feat_prev + _layernorm(proj, ln_g, ln_b)
    # per-out-feature mean pooling, concat, then 3-layer MLP head
    pooled = jnp.concatenate([fused.mean(axis=1), feat_prev.mean(axis=1)], axis=1)  # [B, 2C]
    h = jax.nn.relu(pooled @ W1 + b1)
    h = jax.nn.relu(h @ W2 + b2)
    out = h @ W3 + b3
    return out

if __name__ == "__main__":
    import jax
    _d = setup_inputs()
    print(jax.jit(kernel)(*tuple(_d.values())))

</pallas_src>

<mosaic_0001>
#map = affine_map<(d0, d1) -> (0, 0)>
module attributes {stable_mosaic.version = 14 : i64} {
  func.func @_sc_hist_body(%arg0: i32, %arg1: i32, %arg2: memref<4x2048xi32, #tpu.memory_space<hbm>>, %arg3: memref<4x2048xf32, #tpu.memory_space<hbm>>, %arg4: memref<2048xi32, #tpu.memory_space<vmem>>, %arg5: memref<2048xf32, #tpu.memory_space<vmem>>) attributes {dimension_semantics = [#tpu.dimension_semantics<core_parallel>, #tpu.dimension_semantics<subcore_parallel>], iteration_bounds = array<i64: 2, 16>, scalar_prefetch = 0 : i64, scratch_operands = 2 : i64, tpu.core_type = #tpu.core_type<sc_vector_subcore>, window_params = [{transform_indices = #map}, {transform_indices = #map}]} {
    %mul3A = arith.constant 2 : i32
    %mul3A_0 = arith.muli %arg1, %mul3A : i32
    %add3A = arith.addi %mul3A_0, %arg0 : i32
    %lt3A = arith.constant 4 : i32
    %lt3A_1 = arith.cmpi slt, %add3A, %lt3A : i32
    %convert_element_type3A = arith.extui %lt3A_1 : i1 to i32
    %cond3A = arith.constant 0 : i32
    %cond3A_2 = arith.cmpi ne, %convert_element_type3A, %cond3A : i32
    scf.if %cond3A_2 {
      "tpu.region"() ({
        %run_scoped3A = tpu.sem_alloc : memref<!tpu.dma_semaphore, #tpu.memory_space<semaphore_mem>>
        %dma_start3A = arith.constant 0 : i32
        %dma_start3A_17 = tpu.memref_slice %arg2[%add3A, %dma_start3A] : memref<4x2048xi32, #tpu.memory_space<hbm>> -> memref<1x2048xi32, #tpu.memory_space<hbm>>
        %dma_start3A_18 = tpu.memref_squeeze %dma_start3A_17 : memref<1x2048xi32, #tpu.memory_space<hbm>> -> memref<2048xi32, #tpu.memory_space<hbm>>
        %dma_start3A_19 = arith.constant 0 : i32
        %dma_start3A_20 = tpu.memref_slice %arg2[%add3A, %dma_start3A_19] : memref<4x2048xi32, #tpu.memory_space<hbm>> -> memref<1x2048xi32, #tpu.memory_space<hbm>>
        %dma_start3A_21 = tpu.memref_squeeze %dma_start3A_20 : memref<1x2048xi32, #tpu.memory_space<hbm>> -> memref<2048xi32, #tpu.memory_space<hbm>>
        tpu.enqueue_dma source(%dma_start3A_21 : memref<2048xi32, #tpu.memory_space<hbm>>) target(%arg4 : memref<2048xi32, #tpu.memory_space<vmem>>) target_semaphore(%run_scoped3A : memref<!tpu.dma_semaphore, #tpu.memory_space<semaphore_mem>>)
        %dma_wait3A = arith.constant 0 : i32
        %dma_wait3A_22 = tpu.memref_slice %arg2[%add3A, %dma_wait3A] : memref<4x2048xi32, #tpu.memory_space<hbm>> -> memref<1x2048xi32, #tpu.memory_space<hbm>>
        %dma_wait3A_23 = tpu.memref_squeeze %dma_wait3A_22 : memref<1x2048xi32, #tpu.memory_space<hbm>> -> memref<2048xi32, #tpu.memory_space<hbm>>
        %dma_wait3A_24 = arith.constant 0 : i32
        %dma_wait3A_25 = tpu.memref_slice %arg2[%add3A, %dma_wait3A_24] : memref<4x2048xi32, #tpu.memory_space<hbm>> -> memref<1x2048xi32, #tpu.memory_space<hbm>>
        %dma_wait3A_26 = tpu.memref_squeeze %dma_wait3A_25 : memref<1x2048xi32, #tpu.memory_space<hbm>> -> memref<2048xi32, #tpu.memory_space<hbm>>
        tpu.wait_dma2 semaphore(%run_scoped3A : memref<!tpu.dma_semaphore, #tpu.memory_space<semaphore_mem>>) src(%dma_wait3A_26 : memref<2048xi32, #tpu.memory_space<hbm>>) dst(%arg4 : memref<2048xi32, #tpu.memory_space<vmem>>)
        tpu.yield
      }) : () -> ()
      %broadcast_in_dim3A = arith.constant 0.000000e+00 : f32
      %broadcast_in_dim3A_3 = vector.broadcast %broadcast_in_dim3A : f32 to vector<16xf32>
      %broadcast_in_dim3A_4 = arith.constant 1.000000e+00 : f32
      %broadcast_in_dim3A_5 = vector.broadcast %broadcast_in_dim3A_4 : f32 to vector<16xf32>
      %scan3A = arith.constant 0 : i32
      %scan3A_6 = arith.constant 0 : i32
      %scan3A_7 = arith.constant 128 : i32
      %scan3A_8 = arith.addi %scan3A_6, %scan3A_7 : i32
      %scan3A_9 = arith.constant 1 : i32
      scf.for %scan3A_17 = %scan3A_6 to %scan3A_8 step %scan3A_9  : i32 {
        %mul3A_18 = arith.constant 16 : i32
        %mul3A_19 = arith.muli %scan3A_17, %mul3A_18 : i32
        %swap3A = arith.index_cast %mul3A_19 : i32 to index
        %swap3A_20 = tpu.vector_load %arg5[%swap3A] {strides = array<i32>} : memref<2048xf32, #tpu.memory_space<vmem>>, vector<16xf32>,
        tpu.vector_store %arg5[%swap3A], %broadcast_in_dim3A_3 {strides = array<i32>} : memref<2048xf32, #tpu.memory_space<vmem>>, vector<16xf32>,
      }
      %scan3A_10 = arith.constant 128 : i32
      %scan3A_11 = arith.constant 0 : i32
      %scan3A_12 = arith.constant 0 : i32
      %scan3A_13 = arith.constant 128 : i32
      %scan3A_14 = arith.addi %scan3A_12, %scan3A_13 : i32
      %scan3A_15 = arith.constant 1 : i32
      scf.for %scan3A_17 = %scan3A_12 to %scan3A_14 step %scan3A_15  : i32 {
        %mul3A_18 = arith.constant 16 : i32
        %mul3A_19 = arith.muli %scan3A_17, %mul3A_18 : i32
        %get3A = arith.index_cast %mul3A_19 : i32 to index
        %get3A_20 = tpu.vector_load %arg4[%get3A] {strides = array<i32>} : memref<2048xi32, #tpu.memory_space<vmem>>, vector<16xi32>,
        tpu.vector_store_idx %arg5[%get3A_20], %broadcast_in_dim3A_5 {add = true} : memref<2048xf32, #tpu.memory_space<vmem>>[vector<16xi32>], vector<16xf32>,
      }
      %scan3A_16 = arith.constant 128 : i32
      "tpu.region"() ({
        %run_scoped3A = tpu.sem_alloc : memref<!tpu.dma_semaphore, #tpu.memory_space<semaphore_mem>>
        %dma_start3A = arith.constant 0 : i32
        %dma_start3A_17 = tpu.memref_slice %arg3[%add3A, %dma_start3A] : memref<4x2048xf32, #tpu.memory_space<hbm>> -> memref<1x2048xf32, #tpu.memory_space<hbm>>
        %dma_start3A_18 = tpu.memref_squeeze %dma_start3A_17 : memref<1x2048xf32, #tpu.memory_space<hbm>> -> memref<2048xf32, #tpu.memory_space<hbm>>
        %dma_start3A_19 = arith.constant 0 : i32
        %dma_start3A_20 = tpu.memref_slice %arg3[%add3A, %dma_start3A_19] : memref<4x2048xf32, #tpu.memory_space<hbm>> -> memref<1x2048xf32, #tpu.memory_space<hbm>>
        %dma_start3A_21 = tpu.memref_squeeze %dma_start3A_20 : memref<1x2048xf32, #tpu.memory_space<hbm>> -> memref<2048xf32, #tpu.memory_space<hbm>>
        tpu.enqueue_dma source(%arg5 : memref<2048xf32, #tpu.memory_space<vmem>>) target(%dma_start3A_21 : memref<2048xf32, #tpu.memory_space<hbm>>) target_semaphore(%run_scoped3A : memref<!tpu.dma_semaphore, #tpu.memory_space<semaphore_mem>>)
        %dma_wait3A = arith.constant 0 : i32
        %dma_wait3A_22 = tpu.memref_slice %arg3[%add3A, %dma_wait3A] : memref<4x2048xf32, #tpu.memory_space<hbm>> -> memref<1x2048xf32, #tpu.memory_space<hbm>>
        %dma_wait3A_23 = tpu.memref_squeeze %dma_wait3A_22 : memref<1x2048xf32, #tpu.memory_space<hbm>> -> memref<2048xf32, #tpu.memory_space<hbm>>
        %dma_wait3A_24 = arith.constant 0 : i32
        %dma_wait3A_25 = tpu.memref_slice %arg3[%add3A, %dma_wait3A_24] : memref<4x2048xf32, #tpu.memory_space<hbm>> -> memref<1x2048xf32, #tpu.memory_space<hbm>>
        %dma_wait3A_26 = tpu.memref_squeeze %dma_wait3A_25 : memref<1x2048xf32, #tpu.memory_space<hbm>> -> memref<2048xf32, #tpu.memory_space<hbm>>
        tpu.wait_dma2 semaphore(%run_scoped3A : memref<!tpu.dma_semaphore, #tpu.memory_space<semaphore_mem>>) src(%arg5 : memref<2048xf32, #tpu.memory_space<vmem>>) dst(%dma_wait3A_26 : memref<2048xf32, #tpu.memory_space<hbm>>)
        tpu.yield
      }) : () -> ()
    } else {
    }
    return
  }
}

module attributes {stable_mosaic.version = 14 : i64} {
  func.func @_argmin_body(%arg0: i32, %arg1: i32, %arg2: memref<1x1024x2xf32, #tpu.memory_space<vmem>>, %arg3: memref<1x2048x2xf32, #tpu.memory_space<vmem>>, %arg4: memref<1x1024x768xf32, #tpu.memory_space<vmem>>, %arg5: memref<1x1x1024xi32, #tpu.memory_space<vmem>>, %arg6: memref<1x1x768xf32, #tpu.memory_space<vmem>>) attributes {dimension_semantics = [#tpu.dimension_semantics<parallel>, #tpu.dimension_semantics<arbitrary>], iteration_bounds = array<i64: 4, 2>, scalar_prefetch = 0 : i64, scratch_operands = 0 : i64, tpu.core_type = #tpu.core_type<tc>, window_params = [{transform_indices = @transform_0, window_bounds = array<i64: 1, 1024, 2>}, {transform_indices = @transform_1, window_bounds = array<i64: 1, 2048, 2>}, {transform_indices = @transform_2, window_bounds = array<i64: 1, 1024, 768>}, {transform_indices = @transform_3, window_bounds = array<i64: 1, 1, 1024>}, {transform_indices = @transform_4, window_bounds = array<i64: 1, 1, 768>}]} {
    %get3A = arith.constant 0 : index
    %get3A_0 = arith.constant 0 : index
    %get3A_1 = arith.constant 0 : index
    %get3A_2 = vector.load %arg2[%get3A, %get3A_0, %get3A_1] : memref<1x1024x2xf32, #tpu.memory_space<vmem>>, vector<1x1024x1xf32>
    %get3A_3 = vector.shape_cast %get3A_2 : vector<1x1024x1xf32> to vector<1024x1xf32>
    %transpose3A = tpu.transpose %get3A_3, [1, 0] : vector<1024x1xf32> -> vector<1x1024xf32>
    %get3A_4 = arith.constant 0 : index
    %get3A_5 = arith.constant 0 : index
    %get3A_6 = arith.constant 1 : index
    %get3A_7 = vector.load %arg2[%get3A_4, %get3A_5, %get3A_6] : memref<1x1024x2xf32, #tpu.memory_space<vmem>>, vector<1x1024x1xf32>
    %get3A_8 = vector.shape_cast %get3A_7 : vector<1x1024x1xf32> to vector<1024x1xf32>
    %transpose3A_9 = tpu.transpose %get3A_8, [1, 0] : vector<1024x1xf32> -> vector<1x1024xf32>
    %iota3A = tpu.iota {dimensions = array<i32: 0>} : vector<16x1024xi32>
    %broadcast_in_dim3A = arith.constant 0x7F800000 : f32
    %broadcast_in_dim3A_10 = vector.broadcast %broadcast_in_dim3A : f32 to vector<16x1024xf32>
    %broadcast_in_dim3A_11 = arith.constant 0 : i32
    %broadcast_in_dim3A_12 = vector.broadcast %broadcast_in_dim3A_11 : i32 to vector<16x1024xi32>
    %get3A_13 = arith.constant 0 : index
    %get3A_14 = arith.constant 0 : index
    %get3A_15 = arith.constant 0 : index
    %get3A_16 = vector.load %arg3[%get3A_13, %get3A_14, %get3A_15] : memref<1x2048x2xf32, #tpu.memory_space<vmem>>, vector<1x16x1xf32>
    %get3A_17 = vector.shape_cast %get3A_16 : vector<1x16x1xf32> to vector<16x1xf32>
    %get3A_18 = arith.constant 0 : index
    %get3A_19 = arith.constant 0 : index
    %get3A_20 = arith.constant 1 : index
    %get3A_21 = vector.load %arg3[%get3A_18, %get3A_19, %get3A_20] : memref<1x2048x2xf32, #tpu.memory_space<vmem>>, vector<1x16x1xf32>
    %get3A_22 = vector.shape_cast %get3A_21 : vector<1x16x1xf32> to vector<16x1xf32>
    %sub3A = vector.broadcast %get3A_17 : vector<16x1xf32> to vector<16x1024xf32>
    %sub3A_23 = vector.broadcast %transpose3A : vector<1x1024xf32> to vector<16x1024xf32>
    %sub3A_24 = arith.subf %sub3A, %sub3A_23 : vector<16x1024xf32>
    %abs3A = math.absf %sub3A_24 : vector<16x1024xf32>
    %sub3A_25 = vector.broadcast %get3A_22 : vector<16x1xf32> to vector<16x1024xf32>
    %sub3A_26 = vector.broadcast %transpose3A_9 : vector<1x1024xf32> to vector<16x1024xf32>
    %sub3A_27 = arith.subf %sub3A_25, %sub3A_26 : vector<16x1024xf32>
    %abs3A_28 = math.absf %sub3A_27 : vector<16x1024xf32>
    %add3A = arith.addf %abs3A, %abs3A_28 : vector<16x1024xf32>
    %lt3A = arith.cmpf olt, %add3A, %broadcast_in_dim3A_10 : vector<16x1024xf32>
    %select_n3A = arith.select %lt3A, %add3A, %broadcast_in_dim3A_10 : vector<16x1024xi1>, vector<16x1024xf32>
    %add3A_29 = arith.constant 0 : i32
    %add3A_30 = vector.broadcast %add3A_29 : i32 to vector<16x1024xi32>
    %add3A_31 = arith.addi %iota3A, %add3A_30 : vector<16x1024xi32>
    %select_n3A_32 = arith.select %lt3A, %add3A_31, %broadcast_in_dim3A_12 : vector<16x1024xi1>, vector<16x1024xi32>
    %get3A_33 = arith.constant 0 : index
    %get3A_34 = arith.constant 16 : index
    %get3A_35 = arith.constant 0 : index
    %get3A_36 = vector.load %arg3[%get3A_33, %get3A_34, %get3A_35] : memref<1x2048x2xf32, #tpu.memory_space<vmem>>, vector<1x16x1xf32>
    %get3A_37 = vector.shape_cast %get3A_36 : vector<1x16x1xf32> to vector<16x1xf32>
    %get3A_38 = arith.constant 0 : index
    %get3A_39 = arith.constant 16 : index
    %get3A_40 = arith.constant 1 : index
    %get3A_41 = vector.load %arg3[%get3A_38, %get3A_39, %get3A_40] : memref<1x2048x2xf32, #tpu.memory_space<vmem>>, vector<1x16x1xf32>
    %get3A_42 = vector.shape_cast %get3A_41 : vector<1x16x1xf32> to vector<16x1xf32>
    %sub3A_43 = vector.broadcast %get3A_37 : vector<16x1xf32> to vector<16x1024xf32>
    %sub3A_44 = vector.broadcast %transpose3A : vector<1x1024xf32> to vector<16x1024xf32>
    %sub3A_45 = arith.subf %sub3A_43, %sub3A_44 : vector<16x1024xf32>
    %abs3A_46 = math.absf %sub3A_45 : vector<16x1024xf32>
    %sub3A_47 = vector.broadcast %get3A_42 : vector<16x1xf32> to vector<16x1024xf32>
    %sub3A_48 = vector.broadcast %transpose3A_9 : vector<1x1024xf32> to vector<16x1024xf32>
    %sub3A_49 = arith.subf %sub3A_47, %sub3A_48 : vector<16x1024xf32>
    %abs3A_50 = math.absf %sub3A_49 : vector<16x1024xf32>
    %add3A_51 = arith.addf %abs3A_46, %abs3A_50 : vector<16x1024xf32>
    %lt3A_52 = arith.cmpf olt, %add3A_51, %select_n3A : vector<16x1024xf32>
    %select_n3A_53 = arith.select %lt3A_52, %add3A_51, %select_n3A : vector<16x1024xi1>, vector<16x1024xf32>
    %add3A_54 = arith.constant 16 : i32
    %add3A_55 = vector.broadcast %add3A_54 : i32 to vector<16x1024xi32>
    %add3A_56 = arith.addi %iota3A, %add3A_55 : vector<16x1024xi32>
    %select_n3A_57 = arith.select %lt3A_52, %add3A_56, %select_n3A_32 : vector<16x1024xi1>, vector<16x1024xi32>
    %get3A_58 = arith.constant 0 : index
    %get3A_59 = arith.constant 32 : index
    %get3A_60 = arith.constant 0 : index
    %get3A_61 = vector.load %arg3[%get3A_58, %get3A_59, %get3A_60] : memref<1x2048x2xf32, #tpu.memory_space<vmem>>, vector<1x16x1xf32>
    %get3A_62 = vector.shape_cast %get3A_61 : vector<1x16x1xf32> to vector<16x1xf32>
    %get3A_63 = arith.constant 0 : index
    %get3A_64 = arith.constant 32 : index
    %get3A_65 = arith.constant 1 : index
    %get3A_66 = vector.load %arg3[%get3A_63, %get3A_64, %get3A_65] : memref<1x2048x2xf32, #tpu.memory_space<vmem>>, vector<1x16x1xf32>
    %get3A_67 = vector.shape_cast %get3A_66 : vector<1x16x1xf32> to vector<16x1xf32>
    %sub3A_68 = vector.broadcast %get3A_62 : vector<16x1xf32> to vector<16x1024xf32>
    %sub3A_69 = vector.broadcast %transpose3A : vector<1x1024xf32> to vector<16x1024xf32>
    %sub3A_70 = arith.subf %sub3A_68, %sub3A_69 : vector<16x1024xf32>
    %abs3A_71 = math.absf %sub3A_70 : vector<16x1024xf32>
    %sub3A_72 = vector.broadcast %get3A_67 : vector<16x1xf32> to vector<16x1024xf32>
    %sub3A_73 = vector.broadcast %transpose3A_9 : vector<1x1024xf32> to vector<16x1024xf32>
    %sub3A_74 = arith.subf %sub3A_72, %sub3A_73 : vector<16x1024xf32>
    %abs3A_75 = math.absf %sub3A_74 : vector<16x1024xf32>
    %add3A_76 = arith.addf %abs3A_71, %abs3A_75 : vector<16x1024xf32>
    %lt3A_77 = arith.cmpf olt, %add3A_76, %select_n3A_53 : vector<16x1024xf32>
    %select_n3A_78 = arith.select %lt3A_77, %add3A_76, %select_n3A_53 : vector<16x1024xi1>, vector<16x1024xf32>
    %add3A_79 = arith.constant 32 : i32
    %add3A_80 = vector.broadcast %add3A_79 : i32 to vector<16x1024xi32>
    %add3A_81 = arith.addi %iota3A, %add3A_80 : vector<16x1024xi32>
    %select_n3A_82 = arith.select %lt3A_77, %add3A_81, %select_n3A_57 : vector<16x1024xi1>, vector<16x1024xi32>
    %get3A_83 = arith.constant 0 : index
    %get3A_84 = arith.constant 48 : index
    %get3A_85 = arith.constant 0 : index
    %get3A_86 = vector.load %arg3[%get3A_83, %get3A_84, %get3A_85] : memref<1x2048x2xf32, #tpu.memory_space<vmem>>, vector<1x16x1xf32>
    %get3A_87 = vector.shape_cast %get3A_86 : vector<1x16x1xf32> to vector<16x1xf32>
    %get3A_88 = arith.constant 0 : index
    %get3A_89 = arith.constant 48 : index
    %get3A_90 = arith.constant 1 : index
    %get3A_91 = vector.load %arg3[%get3A_88, %get3A_89, %get3A_90] : memref<1x2048x2xf32, #tpu.memory_space<vmem>>, vector<1x16x1xf32>
    %get3A_92 = vector.shape_cast %get3A_91 : vector<1x16x1xf32> to vector<16x1xf32>
    %sub3A_93 = vector.broadcast %get3A_87 : vector<16x1xf32> to vector<16x1024xf32>
    %sub3A_94 = vector.broadcast %transpose3A : vector<1x1024xf32> to vector<16x1024xf32>
    %sub3A_95 = arith.subf %sub3A_93, %sub3A_94 : vector<16x1024xf32>
    %abs3A_96 = math.absf %sub3A_95 : vector<16x1024xf32>
    %sub3A_97 = vector.broadcast %get3A_92 : vector<16x1xf32> to vector<16x1024xf32>
    %sub3A_98 = vector.broadcast %transpose3A_9 : vector<1x1024xf32> to vector<16x1024xf32>
    %sub3A_99 = arith.subf %sub3A_97, %sub3A_98 : vector<16x1024xf32>
    %abs3A_100 = math.absf %sub3A_99 : vector<16x1024xf32>
    %add3A_101 = arith.addf %abs3A_96, %abs3A_100 : vector<16x1024xf32>
    %lt3A_102 = arith.cmpf olt, %add3A_101, %select_n3A_78 : vector<16x1024xf32>
    %select_n3A_103 = arith.select %lt3A_102, %add3A_101, %select_n3A_78 : vector<16x1024xi1>, vector<16x1024xf32>
    %add3A_104 = arith.constant 48 : i32
    %add3A_105 = vector.broadcast %add3A_104 : i32 to vector<16x1024xi32>
    %add3A_106 = arith.addi %iota3A, %add3A_105 : vector<16x1024xi32>
    %select_n3A_107 = arith.select %lt3A_102, %add3A_106, %select_n3A_82 : vector<16x1024xi1>, vector<16x1024xi32>
    %get3A_108 = arith.constant 0 : index
    %get3A_109 = arith.constant 64 : index
    %get3A_110 = arith.constant 0 : index
    %get3A_111 = vector.load %arg3[%get3A_108, %get3A_109, %get3A_110] : memref<1x2048x2xf32, #tpu.memory_space<vmem>>, vector<1x16x1xf32>
    %get3A_112 = vector.shape_cast %get3A_111 : vector<1x16x1xf32> to vector<16x1xf32>
    %get3A_113 = arith.constant 0 : index
    %get3A_114 = arith.constant 64 : index
    %get3A_115 = arith.constant 1 : index
    %get3A_116 = vector.load %arg3[%get3A_113, %get3A_114, %get3A_115] : memref<1x2048x2xf32, #tpu.memory_space<vmem>>, vector<1x16x1xf32>
    %get3A_117 = vector.shape_cast %get3A_116 : vector<1x16x1xf32> to vector<16x1xf32>
    %sub3A_118 = vector.broadcast %get3A_112 : vector<16x1xf32> to vector<16x1024xf32>
    %sub3A_119 = vector.broadcast %transpose3A : vector<1x1024xf32> to vector<16x1024xf32>
    %sub3A_120 = arith.subf %sub3A_118, %sub3A_119 : vector<16x1024xf32>
    %abs3A_121 = math.absf %sub3A_120 : vector<16x1024xf32>
    %sub3A_122 = vector.broadcast %get3A_117 : vector<16x1xf32> to vector<16x1024xf32>
    %sub3A_123 = vector.broadcast %transpose3A_9 : vector<1x1024xf32> to vector<16x1024xf32>
    %sub3A_124 = arith.subf %sub3A_122, %sub3A_123 : vector<16x1024xf32>
    %abs3A_125 = math.absf %sub3A_124 : vector<16x1024xf32>
    %add3A_126 = arith.addf %abs3A_121, %abs3A_125 : vector<16x1024xf32>
    %lt3A_127 = arith.cmpf olt, %add3A_126, %select_n3A_103 : vector<16x1024xf32>
    %select_n3A_128 = arith.select %lt3A_127, %add3A_126, %select_n3A_103 : vector<16x1024xi1>, vector<16x1024xf32>
    %add3A_129 = arith.constant 64 : i32
    %add3A_130 = vector.broadcast %add3A_129 : i32 to vector<16x1024xi32>
    %add3A_131 = arith.addi %iota3A, %add3A_130 : vector<16x1024xi32>
    %select_n3A_132 = arith.select %lt3A_127, %add3A_131, %select_n3A_107 : vector<16x1024xi1>, vector<16x1024xi32>
    %get3A_133 = arith.constant 0 : index
    %get3A_134 = arith.constant 80 : index
    %get3A_135 = arith.constant 0 : index
    %get3A_136 = vector.load %arg3[%get3A_133, %get3A_134, %get3A_135] : memref<1x2048x2xf32, #tpu.memory_space<vmem>>, vector<1x16x1xf32>
    %get3A_137 = vector.shape_cast %get3A_136 : vector<1x16x1xf32> to vector<16x1xf32>
    %get3A_138 = arith.constant 0 : index
    %get3A_139 = arith.constant 80 : index
    %get3A_140 = arith.constant 1 : index
    %get3A_141 = vector.load %arg3[%get3A_138, %get3A_139, %get3A_140] : memref<1x2048x2xf32, #tpu.memory_space<vmem>>, vector<1x16x1xf32>
    %get3A_142 = vector.shape_cast %get3A_141 : vector<1x16x1xf32> to vector<16x1xf32>
    %sub3A_143 = vector.broadcast %get3A_137 : vector<16x1xf32> to vector<16x1024xf32>
    %sub3A_144 = vector.broadcast %transpose3A : vector<1x1024xf32> to vector<16x1024xf32>
    %sub3A_145 = arith.subf %sub3A_143, %sub3A_144 : vector<16x1024xf32>
    %abs3A_146 = math.absf %sub3A_145 : vector<16x1024xf32>
    %sub3A_147 = vector.broadcast %get3A_142 : vector<16x1xf32> to vector<16x1024xf32>
    %sub3A_148 = vector.broadcast %transpose3A_9 : vector<1x1024xf32> to vector<16x1024xf32>
    %sub3A_149 = arith.subf %sub3A_147, %sub3A_148 : vector<16x1024xf32>
    %abs3A_150 = math.absf %sub3A_149 : vector<16x1024xf32>
    %add3A_151 = arith.addf %abs3A_146, %abs3A_150 : vector<16x1024xf32>
    %lt3A_152 = arith.cmpf olt, %add3A_151, %select_n3A_128 : vector<16x1024xf32>
    %select_n3A_153 = arith.select %lt3A_152, %add3A_151, %select_n3A_128 : vector<16x1024xi1>, vector<16x1024xf32>
    %add3A_154 = arith.constant 80 : i32
    %add3A_155 = vector.broadcast %add3A_154 : i32 to vector<16x1024xi32>
    %add3A_156 = arith.addi %iota3A, %add3A_155 : vector<16x1024xi32>
    %select_n3A_157 = arith.select %lt3A_152, %add3A_156, %select_n3A_132 : vector<16x1024xi1>, vector<16x1024xi32>
    %get3A_158 = arith.constant 0 : index
    %get3A_159 = arith.constant 96 : index
    %get3A_160 = arith.constant 0 : index
    %get3A_161 = vector.load %arg3[%get3A_158, %get3A_159, %get3A_160] : memref<1x2048x2xf32, #tpu.memory_space<vmem>>, vector<1x16x1xf32>
    %get3A_162 = vector.shape_cast %get3A_161 : vector<1x16x1xf32> to vector<16x1xf32>
    %get3A_163 = arith.constant 0 : index
    %get3A_164 = arith.constant 96 : index
    %get3A_165 = arith.constant 1 : index
    %get3A_166 = vector.load %arg3[%get3A_163, %get3A_164, %get3A_165] : memref<1x2048x2xf32, #tpu.memory_space<vmem>>, vector<1x16x1xf32>
    %get3A_167 = vector.shape_cast %get3A_166 : vector<1x16x1xf32> to vector<16x1xf32>
    %sub3A_168 = vector.broadcast %get3A_162 : vector<16x1xf32> to vector<16x1024xf32>
    %sub3A_169 = vector.broadcast %transpose3A : vector<1x1024xf32> to vector<16x1024xf32>
    %sub3A_170 = arith.subf %sub3A_168, %sub3A_169 : vector<16x1024xf32>
    %abs3A_171 = math.absf %sub3A_170 : vector<16x1024xf32>
    %sub3A_172 = vector.broadcast %get3A_167 : vector<16x1xf32> to vector<16x1024xf32>
    %sub3A_173 = vector.broadcast %transpose3A_9 : vector<1x1024xf32> to vector<16x1024xf32>
    %sub3A_174 = arith.subf %sub3A_172, %sub3A_173 : vector<16x1024xf32>
    %abs3A_175 = math.absf %sub3A_174 : vector<16x1024xf32>
    %add3A_176 = arith.addf %abs3A_171, %abs3A_175 : vector<16x1024xf32>
    %lt3A_177 = arith.cmpf olt, %add3A_176, %select_n3A_153 : vector<16x1024xf32>
    %select_n3A_178 = arith.select %lt3A_177, %add3A_176, %select_n3A_153 : vector<16x1024xi1>, vector<16x1024xf32>
    %add3A_179 = arith.constant 96 : i32
    %add3A_180 = vector.broadcast %add3A_179 : i32 to vector<16x1024xi32>
    %add3A_181 = arith.addi %iota3A, %add3A_180 : vector<16x1024xi32>
    %select_n3A_182 = arith.select %lt3A_177, %add3A_181, %select_n3A_157 : vector<16x1024xi1>, vector<16x1024xi32>
    %get3A_183 = arith.constant 0 : index
    %get3A_184 = arith.constant 112 : index
    %get3A_185 = arith.constant 0 : index
    %get3A_186 = vector.load %arg3[%get3A_183, %get3A_184, %get3A_185] : memref<1x2048x2xf32, #tpu.memory_space<vmem>>, vector<1x16x1xf32>
    %get3A_187 = vector.shape_cast %get3A_186 : vector<1x16x1xf32> to vector<16x1xf32>
    %get3A_188 = arith.constant 0 : index
    %get3A_189 = arith.constant 112 : index
    %get3A_190 = arith.constant 1 : index
    %get3A_191 = vector.load %arg3[%get3A_188, %get3A_189, %get3A_190] : memref<1x2048x2xf32, #tpu.memory_space<vmem>>, vector<1x16x1xf32>
    %get3A_192 = vector.shape_cast %get3A_191 : vector<1x16x1xf32> to vector<16x1xf32>
    %sub3A_193 = vector.broadcast %get3A_187 : vector<16x1xf32> to vector<16x1024xf32>
    %sub3A_194 = vector.broadcast %transpose3A : vector<1x1024xf32> to vector<16x1024xf32>
    %sub3A_195 = arith.subf %sub3A_193, %sub3A_194 : vector<16x1024xf32>
    %abs3A_196 = math.absf %sub3A_195 : vector<16x1024xf32>
    %sub3A_197 = vector.broadcast %get3A_192 : vector<16x1xf32> to vector<16x1024xf32>
    %sub3A_198 = vector.broadcast %transpose3A_9 : vector<1x1024xf32> to vector<16x1024xf32>
    %sub3A_199 = arith.subf %sub3A_197, %sub3A_198 : vector<16x1024xf32>
    %abs3A_200 = math.absf %sub3A_199 : vector<16x1024xf32>
    %add3A_201 = arith.addf %abs3A_196, %abs3A_200 : vector<16x1024xf32>
    %lt3A_202 = arith.cmpf olt, %add3A_201, %select_n3A_178 : vector<16x1024xf32>
    %select_n3A_203 = arith.select %lt3A_202, %add3A_201, %select_n3A_178 : vector<16x1024xi1>, vector<16x1024xf32>
    %add3A_204 = arith.constant 112 : i32
    %add3A_205 = vector.broadcast %add3A_204 : i32 to vector<16x1024xi32>
    %add3A_206 = arith.addi %iota3A, %add3A_205 : vector<16x1024xi32>
    %select_n3A_207 = arith.select %lt3A_202, %add3A_206, %select_n3A_182 : vector<16x1024xi1>, vector<16x1024xi32>
    %get3A_208 = arith.constant 0 : index
    %get3A_209 = arith.constant 128 : index
    %get3A_210 = arith.constant 0 : index
    %get3A_211 = vector.load %arg3[%get3A_208, %get3A_209, %get3A_210] : memref<1x2048x2xf32, #tpu.memory_space<vmem>>, vector<1x16x1xf32>
    %get3A_212 = vector.shape_cast %get3A_211 : vector<1x16x1xf32> to vector<16x1xf32>
    %get3A_213 = arith.constant 0 : index
    %get3A_214 = arith.constant 128 : index
    %get3A_215 = arith.constant 1 : index
    %get3A_216 = vector.load %arg3[%get3A_213, %get3A_214, %get3A_215] : memref<1x2048x2xf32, #tpu.memory_space<vmem>>, vector<1x16x1xf32>
    %get3A_217 = vector.shape_cast %get3A_216 : vector<1x16x1xf32> to vector<16x1xf32>
    %sub3A_218 = vector.broadcast %get3A_212 : vector<16x1xf32> to vector<16x1024xf32>
    %sub3A_219 = vector.broadcast %transpose3A : vector<1x1024xf32> to vector<16x1024xf32>
    %sub3A_220 = arith.subf %sub3A_218, %sub3A_219 : vector<16x1024xf32>
    %abs3A_221 = math.absf %sub3A_220 : vector<16x1024xf32>
    %sub3A_222 = vector.broadcast %get3A_217 : vector<16x1xf32> to vector<16x1024xf32>
    %sub3A_223 = vector.broadcast %transpose3A_9 : vector<1x1024xf32> to vector<16x1024xf32>
    %sub3A_224 = arith.subf %sub3A_222, %sub3A_223 : vector<16x1024xf32>
    %abs3A_225 = math.absf %sub3A_224 : vector<16x1024xf32>
    %add3A_226 = arith.addf %abs3A_221, %abs3A_225 : vector<16x1024xf32>
    %lt3A_227 = arith.cmpf olt, %add3A_226, %select_n3A_203 : vector<16x1024xf32>
    %select_n3A_228 = arith.select %lt3A_227, %add3A_226, %select_n3A_203 : vector<16x1024xi1>, vector<16x1024xf32>
    %add3A_229 = arith.constant 128 : i32
    %add3A_230 = vector.broadcast %add3A_229 : i32 to vector<16x1024xi32>
    %add3A_231 = arith.addi %iota3A, %add3A_230 : vector<16x1024xi32>
    %select_n3A_232 = arith.select %lt3A_227, %add3A_231, %select_n3A_207 : vector<16x1024xi1>, vector<16x1024xi32>
    %get3A_233 = arith.constant 0 : index
    %get3A_234 = arith.constant 144 : index
    %get3A_235 = arith.constant 0 : index
    %get3A_236 = vector.load %arg3[%get3A_233, %get3A_234, %get3A_235] : memref<1x2048x2xf32, #tpu.memory_space<vmem>>, vector<1x16x1xf32>
    %get3A_237 = vector.shape_cast %get3A_236 : vector<1x16x1xf32> to vector<16x1xf32>
    %get3A_238 = arith.constant 0 : index
    %get3A_239 = arith.constant 144 : index
    %get3A_240 = arith.constant 1 : index
    %get3A_241 = vector.load %arg3[%get3A_238, %get3A_239, %get3A_240] : memref<1x2048x2xf32, #tpu.memory_space<vmem>>, vector<1x16x1xf32>
    %get3A_242 = vector.shape_cast %get3A_241 : vector<1x16x1xf32> to vector<16x1xf32>
    %sub3A_243 = vector.broadcast %get3A_237 : vector<16x1xf32> to vector<16x1024xf32>
    %sub3A_244 = vector.broadcast %transpose3A : vector<1x1024xf32> to vector<16x1024xf32>
    %sub3A_245 = arith.subf %sub3A_243, %sub3A_244 : vector<16x1024xf32>
    %abs3A_246 = math.absf %sub3A_245 : vector<16x1024xf32>
    %sub3A_247 = vector.broadcast %get3A_242 : vector<16x1xf32> to vector<16x1024xf32>
    %sub3A_248 = vector.broadcast %transpose3A_9 : vector<1x1024xf32> to vector<16x1024xf32>
    %sub3A_249 = arith.subf %sub3A_247, %sub3A_248 : vector<16x1024xf32>
    %abs3A_250 = math.absf %sub3A_249 : vector<16x1024xf32>
    %add3A_251 = arith.addf %abs3A_246, %abs3A_250 : vector<16x1024xf32>
    %lt3A_252 = arith.cmpf olt, %add3A_251, %select_n3A_228 : vector<16x1024xf32>
    %select_n3A_253 = arith.select %lt3A_252, %add3A_251, %select_n3A_228 : vector<16x1024xi1>, vector<16x1024xf32>
    %add3A_254 = arith.constant 144 : i32
    %add3A_255 = vector.broadcast %add3A_254 : i32 to vector<16x1024xi32>
    %add3A_256 = arith.addi %iota3A, %add3A_255 : vector<16x1024xi32>
    %select_n3A_257 = arith.select %lt3A_252, %add3A_256, %select_n3A_232 : vector<16x1024xi1>, vector<16x1024xi32>
    %get3A_258 = arith.constant 0 : index
    %get3A_259 = arith.constant 160 : index
    %get3A_260 = arith.constant 0 : index
    %get3A_261 = vector.load %arg3[%get3A_258, %get3A_259, %get3A_260] : memref<1x2048x2xf32, #tpu.memory_space<vmem>>, vector<1x16x1xf32>
    %get3A_262 = vector.shape_cast %get3A_261 : vector<1x16x1xf32> to vector<16x1xf32>
    %get3A_263 = arith.constant 0 : index
    %get3A_264 = arith.constant 160 : index
    %get3A_265 = arith.constant 1 : index
    %get3A_266 = vector.load %arg3[%get3A_263, %get3A_264, %get3A_265] : memref<1x2048x2xf32, #tpu.memory_space<vmem>>, vector<1x16x1xf32>
    %get3A_267 = vector.shape_cast %get3A_266 : vector<1x16x1xf32> to vector<16x1xf32>
    %sub3A_268 = vector.broadcast %get3A_262 : vector<16x1xf32> to vector<16x1024xf32>
    %sub3A_269 = vector.broadcast %transpose3A : vector<1x1024xf32> to vector<16x1024xf32>
    %sub3A_270 = arith.subf %sub3A_268, %sub3A_269 : vector<16x1024xf32>
    %abs3A_271 = math.absf %sub3A_270 : vector<16x1024xf32>
    %sub3A_272 = vector.broadcast %get3A_267 : vector<16x1xf32> to vector<16x1024xf32>
    %sub3A_273 = vector.broadcast %transpose3A_9 : vector<1x1024xf32> to vector<16x1024xf32>
    %sub3A_274 = arith.subf %sub3A_272, %sub3A_273 : vector<16x1024xf32>
    %abs3A_275 = math.absf %sub3A_274 : vector<16x1024xf32>
    %add3A_276 = arith.addf %abs3A_271, %abs3A_275 : vector<16x1024xf32>
    %lt3A_277 = arith.cmpf olt, %add3A_276, %select_n3A_253 : vector<16x1024xf32>
    %select_n3A_278 = arith.select %lt3A_277, %add3A_276, %select_n3A_253 : vector<16x1024xi1>, vector<16x1024xf32>
    %add3A_279 = arith.constant 160 : i32
    %add3A_280 = vector.broadcast %add3A_279 : i32 to vector<16x1024xi32>
    %add3A_281 = arith.addi %iota3A, %add3A_280 : vector<16x1024xi32>
    %select_n3A_282 = arith.select %lt3A_277, %add3A_281, %select_n3A_257 : vector<16x1024xi1>, vector<16x1024xi32>
    %get3A_283 = arith.constant 0 : index
    %get3A_284 = arith.constant 176 : index
    %get3A_285 = arith.constant 0 : index
    %get3A_286 = vector.load %arg3[%get3A_283, %get3A_284, %get3A_285] : memref<1x2048x2xf32, #tpu.memory_space<vmem>>, vector<1x16x1xf32>
    %get3A_287 = vector.shape_cast %get3A_286 : vector<1x16x1xf32> to vector<16x1xf32>
    %get3A_288 = arith.constant 0 : index
    %get3A_289 = arith.constant 176 : index
    %get3A_290 = arith.constant 1 : index
    %get3A_291 = vector.load %arg3[%get3A_288, %get3A_289, %get3A_290] : memref<1x2048x2xf32, #tpu.memory_space<vmem>>, vector<1x16x1xf32>
    %get3A_292 = vector.shape_cast %get3A_291 : vector<1x16x1xf32> to vector<16x1xf32>
    %sub3A_293 = vector.broadcast %get3A_287 : vector<16x1xf32> to vector<16x1024xf32>
    %sub3A_294 = vector.broadcast %transpose3A : vector<1x1024xf32> to vector<16x1024xf32>
    %sub3A_295 = arith.subf %sub3A_293, %sub3A_294 : vector<16x1024xf32>
    %abs3A_296 = math.absf %sub3A_295 : vector<16x1024xf32>
    %sub3A_297 = vector.broadcast %get3A_292 : vector<16x1xf32> to vector<16x1024xf32>
    %sub3A_298 = vector.broadcast %transpose3A_9 : vector<1x1024xf32> to vector<16x1024xf32>
    %sub3A_299 = arith.subf %sub3A_297, %sub3A_298 : vector<16x1024xf32>
    %abs3A_300 = math.absf %sub3A_299 : vector<16x1024xf32>
    %add3A_301 = arith.addf %abs3A_296, %abs3A_300 : vector<16x1024xf32>
    %lt3A_302 = arith.cmpf olt, %add3A_301, %select_n3A_278 : vector<16x1024xf32>
    %select_n3A_303 = arith.select %lt3A_302, %add3A_301, %select_n3A_278 : vector<16x1024xi1>, vector<16x1024xf32>
    %add3A_304 = arith.constant 176 : i32
    %add3A_305 = vector.broadcast %add3A_304 : i32 to vector<16x1024xi32>
    %add3A_306 = arith.addi %iota3A, %add3A_305 : vector<16x1024xi32>
    %select_n3A_307 = arith.select %lt3A_302, %add3A_306, %select_n3A_282 : vector<16x1024xi1>, vector<16x1024xi32>
    %get3A_308 = arith.constant 0 : index
    %get3A_309 = arith.constant 192 : index
    %get3A_310 = arith.constant 0 : index
    %get3A_311 = vector.load %arg3[%get3A_308, %get3A_309, %get3A_310] : memref<1x2048x2xf32, #tpu.memory_space<vmem>>, vector<1x16x1xf32>
    %get3A_312 = vector.shape_cast %get3A_311 : vector<1x16x1xf32> to vector<16x1xf32>
    %get3A_313 = arith.constant 0 : index
    %get3A_314 = arith.constant 192 : index
    %get3A_315 = arith.constant 1 : index
    %get3A_316 = vector.load %arg3[%get3A_313, %get3A_314, %get3A_315] : memref<1x2048x2xf32, #tpu.memory_space<vmem>>, vector<1x16x1xf32>
    %get3A_317 = vector.shape_cast %get3A_316 : vector<1x16x1xf32> to vector<16x1xf32>
    %sub3A_318 = vector.broadcast %get3A_312 : vector<16x1xf32> to vector<16x1024xf32>
    %sub3A_319 = vector.broadcast %transpose3A : vector<1x1024xf32> to vector<16x1024xf32>
    %sub3A_320 = arith.subf %sub3A_318, %sub3A_319 : vector<16x1024xf32>
    %abs3A_321 = math.absf %sub3A_320 : vector<16x1024xf32>
    %sub3A_322 = vector.broadcast %get3A_317 : vector<16x1xf32> to vector<16x1024xf32>
    %sub3A_323 = vector.broadcast %transpose3A_9 : vector<1x1024xf32> to vector<16x1024xf32>
    %sub3A_324 = arith.subf %sub3A_322, %sub3A_323 : vector<16x1024xf32>
    %abs3A_325 = math.absf %sub3A_324 : vector<16x1024xf32>
    %add3A_326 = arith.addf %abs3A_321, %abs3A_325 : vector<16x1024xf32>
    %lt3A_327 = arith.cmpf olt, %add3A_326, %select_n3A_303 : vector<16x1024xf32>
    %select_n3A_328 = arith.select %lt3A_327, %add3A_326, %select_n3A_303 : vector<16x1024xi1>, vector<16x1024xf32>
    %add3A_329 = arith.constant 192 : i32
    %add3A_330 = vector.broadcast %add3A_329 : i32 to vector<16x1024xi32>
    %add3A_331 = arith.addi %iota3A, %add3A_330 : vector<16x1024xi32>
    %select_n3A_332 = arith.select %lt3A_327, %add3A_331, %select_n3A_307 : vector<16x1024xi1>, vector<16x1024xi32>
    %get3A_333 = arith.constant 0 : index
    %get3A_334 = arith.constant 208 : index
    %get3A_335 = arith.constant 0 : index
    %get3A_336 = vector.load %arg3[%get3A_333, %get3A_334, %get3A_335] : memref<1x2048x2xf32, #tpu.memory_space<vmem>>, vector<1x16x1xf32>
    %get3A_337 = vector.shape_cast %get3A_336 : vector<1x16x1xf32> to vector<16x1xf32>
    %get3A_338 = arith.constant 0 : index
    %get3A_339 = arith.constant 208 : index
    %get3A_340 = arith.constant 1 : index
    %get3A_341 = vector.load %arg3[%get3A_338, %get3A_339, %get3A_340] : memref<1x2048x2xf32, #tpu.memory_space<vmem>>, vector<1x16x1xf32>
    %get3A_342 = vector.shape_cast %get3A_341 : vector<1x16x1xf32> to vector<16x1xf32>
    %sub3A_343 = vector.broadcast %get3A_337 : vector<16x1xf32> to vector<16x1024xf32>
    %sub3A_344 = vector.broadcast %transpose3A : vector<1x1024xf32> to vector<16x1024xf32>
    %sub3A_345 = arith.subf %sub3A_343, %sub3A_344 : vector<16x1024xf32>
    %abs3A_346 = math.absf %sub3A_345 : vector<16x1024xf32>
    %sub3A_347 = vector.broadcast %get3A_342 : vector<16x1xf32> to vector<16x1024xf32>
    %sub3A_348 = vector.broadcast %transpose3A_9 : vector<1x1024xf32> to vector<16x1024xf32>
    %sub3A_349 = arith.subf %sub3A_347, %sub3A_348 : vector<16x1024xf32>
    %abs3A_350 = math.absf %sub3A_349 : vector<16x1024xf32>
    %add3A_351 = arith.addf %abs3A_346, %abs3A_350 : vector<16x1024xf32>
    %lt3A_352 = arith.cmpf olt, %add3A_351, %select_n3A_328 : vector<16x1024xf32>
    %select_n3A_353 = arith.select %lt3A_352, %add3A_351, %select_n3A_328 : vector<16x1024xi1>, vector<16x1024xf32>
    %add3A_354 = arith.constant 208 : i32
    %add3A_355 = vector.broadcast %add3A_354 : i32 to vector<16x1024xi32>
    %add3A_356 = arith.addi %iota3A, %add3A_355 : vector<16x1024xi32>
    %select_n3A_357 = arith.select %lt3A_352, %add3A_356, %select_n3A_332 : vector<16x1024xi1>, vector<16x1024xi32>
    %get3A_358 = arith.constant 0 : index
    %get3A_359 = arith.constant 224 : index
    %get3A_360 = arith.constant 0 : index
    %get3A_361 = vector.load %arg3[%get3A_358, %get3A_359, %get3A_360] : memref<1x2048x2xf32, #tpu.memory_space<vmem>>, vector<1x16x1xf32>
    %get3A_362 = vector.shape_cast %get3A_361 : vector<1x16x1xf32> to vector<16x1xf32>
    %get3A_363 = arith.constant 0 : index
    %get3A_364 = arith.constant 224 : index
    %get3A_365 = arith.constant 1 : index
    %get3A_366 = vector.load %arg3[%get3A_363, %get3A_364, %get3A_365] : memref<1x2048x2xf32, #tpu.memory_space<vmem>>, vector<1x16x1xf32>
    %get3A_367 = vector.shape_cast %get3A_366 : vector<1x16x1xf32> to vector<16x1xf32>
    %sub3A_368 = vector.broadcast %get3A_362 : vector<16x1xf32> to vector<16x1024xf32>
    %sub3A_369 = vector.broadcast %transpose3A : vector<1x1024xf32> to vector<16x1024xf32>
    %sub3A_370 = arith.subf %sub3A_368, %sub3A_369 : vector<16x1024xf32>
    %abs3A_371 = math.absf %sub3A_370 : vector<16x1024xf32>
    %sub3A_372 = vector.broadcast %get3A_367 : vector<16x1xf32> to vector<16x1024xf32>
    %sub3A_373 = vector.broadcast %transpose3A_9 : vector<1x1024xf32> to vector<16x1024xf32>
    %sub3A_374 = arith.subf %sub3A_372, %sub3A_373 : vector<16x1024xf32>
    %abs3A_375 = math.absf %sub3A_374 : vector<16x1024xf32>
    %add3A_376 = arith.addf %abs3A_371, %abs3A_375 : vector<16x1024xf32>
    %lt3A_377 = arith.cmpf olt, %add3A_376, %select_n3A_353 : vector<16x1024xf32>
    %select_n3A_378 = arith.select %lt3A_377, %add3A_376, %select_n3A_353 : vector<16x1024xi1>, vector<16x1024xf32>
    %add3A_379 = arith.constant 224 : i32
    %add3A_380 = vector.broadcast %add3A_379 : i32 to vector<16x1024xi32>
    %add3A_381 = arith.addi %iota3A, %add3A_380 : vector<16x1024xi32>
    %select_n3A_382 = arith.select %lt3A_377, %add3A_381, %select_n3A_357 : vector<16x1024xi1>, vector<16x1024xi32>
    %get3A_383 = arith.constant 0 : index
    %get3A_384 = arith.constant 240 : index
    %get3A_385 = arith.constant 0 : index
    %get3A_386 = vector.load %arg3[%get3A_383, %get3A_384, %get3A_385] : memref<1x2048x2xf32, #tpu.memory_space<vmem>>, vector<1x16x1xf32>
    %get3A_387 = vector.shape_cast %get3A_386 : vector<1x16x1xf32> to vector<16x1xf32>
    %get3A_388 = arith.constant 0 : index
    %get3A_389 = arith.constant 240 : index
    %get3A_390 = arith.constant 1 : index
    %get3A_391 = vector.load %arg3[%get3A_388, %get3A_389, %get3A_390] : memref<1x2048x2xf32, #tpu.memory_space<vmem>>, vector<1x16x1xf32>
    %get3A_392 = vector.shape_cast %get3A_391 : vector<1x16x1xf32> to vector<16x1xf32>
    %sub3A_393 = vector.broadcast %get3A_387 : vector<16x1xf32> to vector<16x1024xf32>
    %sub3A_394 = vector.broadcast %transpose3A : vector<1x1024xf32> to vector<16x1024xf32>
    %sub3A_395 = arith.subf %sub3A_393, %sub3A_394 : vector<16x1024xf32>
    %abs3A_396 = math.absf %sub3A_395 : vector<16x1024xf32>
    %sub3A_397 = vector.broadcast %get3A_392 : vector<16x1xf32> to vector<16x1024xf32>
    %sub3A_398 = vector.broadcast %transpose3A_9 : vector<1x1024xf32> to vector<16x1024xf32>
    %sub3A_399 = arith.subf %sub3A_397, %sub3A_398 : vector<16x1024xf32>
    %abs3A_400 = math.absf %sub3A_399 : vector<16x1024xf32>
    %add3A_401 = arith.addf %abs3A_396, %abs3A_400 : vector<16x1024xf32>
    %lt3A_402 = arith.cmpf olt, %add3A_401, %select_n3A_378 : vector<16x1024xf32>
    %select_n3A_403 = arith.select %lt3A_402, %add3A_401, %select_n3A_378 : vector<16x1024xi1>, vector<16x1024xf32>
    %add3A_404 = arith.constant 240 : i32
    %add3A_405 = vector.broadcast %add3A_404 : i32 to vector<16x1024xi32>
    %add3A_406 = arith.addi %iota3A, %add3A_405 : vector<16x1024xi32>
    %select_n3A_407 = arith.select %lt3A_402, %add3A_406, %select_n3A_382 : vector<16x1024xi1>, vector<16x1024xi32>
    %get3A_408 = arith.constant 0 : index
    %get3A_409 = arith.constant 256 : index
    %get3A_410 = arith.constant 0 : index
    %get3A_411 = vector.load %arg3[%get3A_408, %get3A_409, %get3A_410] : memref<1x2048x2xf32, #tpu.memory_space<vmem>>, vector<1x16x1xf32>
    %get3A_412 = vector.shape_cast %get3A_411 : vector<1x16x1xf32> to vector<16x1xf32>
    %get3A_413 = arith.constant 0 : index
    %get3A_414 = arith.constant 256 : index
    %get3A_415 = arith.constant 1 : index
    %get3A_416 = vector.load %arg3[%get3A_413, %get3A_414, %get3A_415] : memref<1x2048x2xf32, #tpu.memory_space<vmem>>, vector<1x16x1xf32>
    %get3A_417 = vector.shape_cast %get3A_416 : vector<1x16x1xf32> to vector<16x1xf32>
    %sub3A_418 = vector.broadcast %get3A_412 : vector<16x1xf32> to vector<16x1024xf32>
    %sub3A_419 = vector.broadcast %transpose3A : vector<1x1024xf32> to vector<16x1024xf32>
    %sub3A_420 = arith.subf %sub3A_418, %sub3A_419 : vector<16x1024xf32>
    %abs3A_421 = math.absf %sub3A_420 : vector<16x1024xf32>
    %sub3A_422 = vector.broadcast %get3A_417 : vector<16x1xf32> to vector<16x1024xf32>
    %sub3A_423 = vector.broadcast %transpose3A_9 : vector<1x1024xf32> to vector<16x1024xf32>
    %sub3A_424 = arith.subf %sub3A_422, %sub3A_423 : vector<16x1024xf32>
    %abs3A_425 = math.absf %sub3A_424 : vector<16x1024xf32>
    %add3A_426 = arith.addf %abs3A_421, %abs3A_425 : vector<16x1024xf32>
    %lt3A_427 = arith.cmpf olt, %add3A_426, %select_n3A_403 : vector<16x1024xf32>
    %select_n3A_428 = arith.select %lt3A_427, %add3A_426, %select_n3A_403 : vector<16x1024xi1>, vector<16x1024xf32>
    %add3A_429 = arith.constant 256 : i32
    %add3A_430 = vector.broadcast %add3A_429 : i32 to vector<16x1024xi32>
    %add3A_431 = arith.addi %iota3A, %add3A_430 : vector<16x1024xi32>
    %select_n3A_432 = arith.select %lt3A_427, %add3A_431, %select_n3A_407 : vector<16x1024xi1>, vector<16x1024xi32>
    %get3A_433 = arith.constant 0 : index
    %get3A_434 = arith.constant 272 : index
    %get3A_435 = arith.constant 0 : index
    %get3A_436 = vector.load %arg3[%get3A_433, %get3A_434, %get3A_435] : memref<1x2048x2xf32, #tpu.memory_space<vmem>>, vector<1x16x1xf32>
    %get3A_437 = vector.shape_cast %get3A_436 : vector<1x16x1xf32> to vector<16x1xf32>
    %get3A_438 = arith.constant 0 : index
    %get3A_439 = arith.constant 272 : index
    %get3A_440 = arith.constant 1 : index
    %get3A_441 = vector.load %arg3[%get3A_438, %get3A_439, %get3A_440] : memref<1x2048x2xf32, #tpu.memory_space<vmem>>, vector<1x16x1xf32>
    %get3A_442 = vector.shape_cast %get3A_441 : vector<1x16x1xf32> to vector<16x1xf32>
    %sub3A_443 = vector.broadcast %get3A_437 : vector<16x1xf32> to vector<16x1024xf32>
    %sub3A_444 = vector.broadcast %transpose3A : vector<1x1024xf32> to vector<16x1024xf32>
    %sub3A_445 = arith.subf %sub3A_443, %sub3A_444 : vector<16x1024xf32>
    %abs3A_446 = math.absf %sub3A_445 : vector<16x1024xf32>
    %sub3A_447 = vector.broadcast %get3A_442 : vector<16x1xf32> to vector<16x1024xf32>
    %sub3A_448 = vector.broadcast %transpose3A_9 : vector<1x1024xf32> to vector<16x1024xf32>
    %sub3A_449 = arith.subf %sub3A_447, %sub3A_448 : vector<16x1024xf32>
    %abs3A_450 = math.absf %sub3A_449 : vector<16x1024xf32>
    %add3A_451 = arith.addf %abs3A_446, %abs3A_450 : vector<16x1024xf32>
    %lt3A_452 = arith.cmpf olt, %add3A_451, %select_n3A_428 : vector<16x1024xf32>
    %select_n3A_453 = arith.select %lt3A_452, %add3A_451, %select_n3A_428 : vector<16x1024xi1>, vector<16x1024xf32>
    %add3A_454 = arith.constant 272 : i32
    %add3A_455 = vector.broadcast %add3A_454 : i32 to vector<16x1024xi32>
    %add3A_456 = arith.addi %iota3A, %add3A_455 : vector<16x1024xi32>
    %select_n3A_457 = arith.select %lt3A_452, %add3A_456, %select_n3A_432 : vector<16x1024xi1>, vector<16x1024xi32>
    %get3A_458 = arith.constant 0 : index
    %get3A_459 = arith.constant 288 : index
    %get3A_460 = arith.constant 0 : index
    %get3A_461 = vector.load %arg3[%get3A_458, %get3A_459, %get3A_460] : memref<1x2048x2xf32, #tpu.memory_space<vmem>>, vector<1x16x1xf32>
    %get3A_462 = vector.shape_cast %get3A_461 : vector<1x16x1xf32> to vector<16x1xf32>
    %get3A_463 = arith.constant 0 : index
    %get3A_464 = arith.constant 288 : index
    %get3A_465 = arith.constant 1 : index
    %get3A_466 = vector.load %arg3[%get3A_463, %get3A_464, %get3A_465] : memref<1x2048x2xf32, #tpu.memory_space<vmem>>, vector<1x16x1xf32>
    %get3A_467 = vector.shape_cast %get3A_466 : vector<1x16x1xf32> to vector<16x1xf32>
    %sub3A_468 = vector.broadcast %get3A_462 : vector<16x1xf32> to vector<16x1024xf32>
    %sub3A_469 = vector.broadcast %transpose3A : vector<1x1024xf32> to vector<16x1024xf32>
    %sub3A_470 = arith.subf %sub3A_468, %sub3A_469 : vector<16x1024xf32>
    %abs3A_471 = math.absf %sub3A_470 : vector<16x1024xf32>
    %sub3A_472 = vector.broadcast %get3A_467 : vector<16x1xf32> to vector<16x1024xf32>
    %sub3A_473 = vector.broadcast %transpose3A_9 : vector<1x1024xf32> to vector<16x1024xf32>
    %sub3A_474 = arith.subf %sub3A_472, %sub3A_473 : vector<16x1024xf32>
    %abs3A_475 = math.absf %sub3A_474 : vector<16x1024xf32>
    %add3A_476 = arith.addf %abs3A_471, %abs3A_475 : vector<16x1024xf32>
    %lt3A_477 = arith.cmpf olt, %add3A_476, %select_n3A_453 : vector<16x1024xf32>
    %select_n3A_478 = arith.select %lt3A_477, %add3A_476, %select_n3A_453 : vector<16x1024xi1>, vector<16x1024xf32>
    %add3A_479 = arith.constant 288 : i32
    %add3A_480 = vector.broadcast %add3A_479 : i32 to vector<16x1024xi32>
    %add3A_481 = arith.addi %iota3A, %add3A_480 : vector<16x1024xi32>
    %select_n3A_482 = arith.select %lt3A_477, %add3A_481, %select_n3A_457 : vector<16x1024xi1>, vector<16x1024xi32>
    %get3A_483 = arith.constant 0 : index
    %get3A_484 = arith.constant 304 : index
    %get3A_485 = arith.constant 0 : index
    %get3A_486 = vector.load %arg3[%get3A_483, %get3A_484, %get3A_485] : memref<1x2048x2xf32, #tpu.memory_space<vmem>>, vector<1x16x1xf32>
    %get3A_487 = vector.shape_cast %get3A_486 : vector<1x16x1xf32> to vector<16x1xf32>
    %get3A_488 = arith.constant 0 : index
    %get3A_489 = arith.constant 304 : index
    %get3A_490 = arith.constant 1 : index
    %get3A_491 = vector.load %arg3[%get3A_488, %get3A_489, %get3A_490] : memref<1x2048x2xf32, #tpu.memory_space<vmem>>, vector<1x16x1xf32>
    %get3A_492 = vector.shape_cast %get3A_491 : vector<1x16x1xf32> to vector<16x1xf32>
    %sub3A_493 = vector.broadcast %get3A_487 : vector<16x1xf32> to vector<16x1024xf32>
    %sub3A_494 = vector.broadcast %transpose3A : vector<1x1024xf32> to vector<16x1024xf32>
    %sub3A_495 = arith.subf %sub3A_493, %sub3A_494 : vector<16x1024xf32>
    %abs3A_496 = math.absf %sub3A_495 : vector<16x1024xf32>
    %sub3A_497 = vector.broadcast %get3A_492 : vector<16x1xf32> to vector<16x1024xf32>
    %sub3A_498 = vector.broadcast %transpose3A_9 : vector<1x1024xf32> to vector<16x1024xf32>
    %sub3A_499 = arith.subf %sub3A_497, %sub3A_498 : vector<16x1024xf32>
    %abs3A_500 = math.absf %sub3A_499 : vector<16x1024xf32>
    %add3A_501 = arith.addf %abs3A_496, %abs3A_500 : vector<16x1024xf32>
    %lt3A_502 = arith.cmpf olt, %add3A_501, %select_n3A_478 : vector<16x1024xf32>
    %select_n3A_503 = arith.select %lt3A_502, %add3A_501, %select_n3A_478 : vector<16x1024xi1>, vector<16x1024xf32>
    %add3A_504 = arith.constant 304 : i32
    %add3A_505 = vector.broadcast %add3A_504 : i32 to vector<16x1024xi32>
    %add3A_506 = arith.addi %iota3A, %add3A_505 : vector<16x1024xi32>
    %select_n3A_507 = arith.select %lt3A_502, %add3A_506, %select_n3A_482 : vector<16x1024xi1>, vector<16x1024xi32>
    %get3A_508 = arith.constant 0 : index
    %get3A_509 = arith.constant 320 : index
    %get3A_510 = arith.constant 0 : index
    %get3A_511 = vector.load %arg3[%get3A_508, %get3A_509, %get3A_510] : memref<1x2048x2xf32, #tpu.memory_space<vmem>>, vector<1x16x1xf32>
    %get3A_512 = vector.shape_cast %get3A_511 : vector<1x16x1xf32> to vector<16x1xf32>
    %get3A_513 = arith.constant 0 : index
    %get3A_514 = arith.constant 320 : index
    %get3A_515 = arith.constant 1 : index
    %get3A_516 = vector.load %arg3[%get3A_513, %get3A_514, %get3A_515] : memref<1x2048x2xf32, #tpu.memory_space<vmem>>, vector<1x16x1xf32>
    %get3A_517 = vector.shape_cast %get3A_516 : vector<1x16x1xf32> to vector<16x1xf32>
    %sub3A_518 = vector.broadcast %get3A_512 : vector<16x1xf32> to vector<16x1024xf32>
    %sub3A_519 = vector.broadcast %transpose3A : vector<1x1024xf32> to vector<16x1024xf32>
    %sub3A_520 = arith.subf %sub3A_518, %sub3A_519 : vector<16x1024xf32>
    %abs3A_521 = math.absf %sub3A_520 : vector<16x1024xf32>
    %sub3A_522 = vector.broadcast %get3A_517 : vector<16x1xf32> to vector<16x1024xf32>
    %sub3A_523 = vector.broadcast %transpose3A_9 : vector<1x1024xf32> to vector<16x1024xf32>
    %sub3A_524 = arith.subf %sub3A_522, %sub3A_523 : vector<16x1024xf32>
    %abs3A_525 = math.absf %sub3A_524 : vector<16x1024xf32>
    %add3A_526 = arith.addf %abs3A_521, %abs3A_525 : vector<16x1024xf32>
    %lt3A_527 = arith.cmpf olt, %add3A_526, %select_n3A_503 : vector<16x1024xf32>
    %select_n3A_528 = arith.select %lt3A_527, %add3A_526, %select_n3A_503 : vector<16x1024xi1>, vector<16x1024xf32>
    %add3A_529 = arith.constant 320 : i32
    %add3A_530 = vector.broadcast %add3A_529 : i32 to vector<16x1024xi32>
    %add3A_531 = arith.addi %iota3A, %add3A_530 : vector<16x1024xi32>
    %select_n3A_532 = arith.select %lt3A_527, %add3A_531, %select_n3A_507 : vector<16x1024xi1>, vector<16x1024xi32>
    %get3A_533 = arith.constant 0 : index
    %get3A_534 = arith.constant 336 : index
    %get3A_535 = arith.constant 0 : index
    %get3A_536 = vector.load %arg3[%get3A_533, %get3A_534, %get3A_535] : memref<1x2048x2xf32, #tpu.memory_space<vmem>>, vector<1x16x1xf32>
    %get3A_537 = vector.shape_cast %get3A_536 : vector<1x16x1xf32> to vector<16x1xf32>
    %get3A_538 = arith.constant 0 : index
    %get3A_539 = arith.constant 336 : index
    %get3A_540 = arith.constant 1 : index
    %get3A_541 = vector.load %arg3[%get3A_538, %get3A_539, %get3A_540] : memref<1x2048x2xf32, #tpu.memory_space<vmem>>, vector<1x16x1xf32>
    %get3A_542 = vector.shape_cast %get3A_541 : vector<1x16x1xf32> to vector<16x1xf32>
    %sub3A_543 = vector.broadcast %get3A_537 : vector<16x1xf32> to vector<16x1024xf32>
    %sub3A_544 = vector.broadcast %transpose3A : vector<1x1024xf32> to vector<16x1024xf32>
    %sub3A_545 = arith.subf %sub3A_543, %sub3A_544 : vector<16x1024xf32>
    %abs3A_546 = math.absf %sub3A_545 : vector<16x1024xf32>
    %sub3A_547 = vector.broadcast %get3A_542 : vector<16x1xf32> to vector<16x1024xf32>
    %sub3A_548 = vector.broadcast %transpose3A_9 : vector<1x1024xf32> to vector<16x1024xf32>
    %sub3A_549 = arith.subf %sub3A_547, %sub3A_548 : vector<16x1024xf32>
    %abs3A_550 = math.absf %sub3A_549 : vector<16x1024xf32>
    %add3A_551 = arith.addf %abs3A_546, %abs3A_550 : vector<16x1024xf32>
    %lt3A_552 = arith.cmpf olt, %add3A_551, %select_n3A_528 : vector<16x1024xf32>
    %select_n3A_553 = arith.select %lt3A_552, %add3A_551, %select_n3A_528 : vector<16x1024xi1>, vector<16x1024xf32>
    %add3A_554 = arith.constant 336 : i32
    %add3A_555 = vector.broadcast %add3A_554 : i32 to vector<16x1024xi32>
    %add3A_556 = arith.addi %iota3A, %add3A_555 : vector<16x1024xi32>
    %select_n3A_557 = arith.select %lt3A_552, %add3A_556, %select_n3A_532 : vector<16x1024xi1>, vector<16x1024xi32>
    %get3A_558 = arith.constant 0 : index
    %get3A_559 = arith.constant 352 : index
    %get3A_560 = arith.constant 0 : index
    %get3A_561 = vector.load %arg3[%get3A_558, %get3A_559, %get3A_560] : memref<1x2048x2xf32, #tpu.memory_space<vmem>>, vector<1x16x1xf32>
    %get3A_562 = vector.shape_cast %get3A_561 : vector<1x16x1xf32> to vector<16x1xf32>
    %get3A_563 = arith.constant 0 : index
    %get3A_564 = arith.constant 352 : index
    %get3A_565 = arith.constant 1 : index
    %get3A_566 = vector.load %arg3[%get3A_563, %get3A_564, %get3A_565] : memref<1x2048x2xf32, #tpu.memory_space<vmem>>, vector<1x16x1xf32>
    %get3A_567 = vector.shape_cast %get3A_566 : vector<1x16x1xf32> to vector<16x1xf32>
    %sub3A_568 = vector.broadcast %get3A_562 : vector<16x1xf32> to vector<16x1024xf32>
    %sub3A_569 = vector.broadcast %transpose3A : vector<1x1024xf32> to vector<16x1024xf32>
    %sub3A_570 = arith.subf %sub3A_568, %sub3A_569 : vector<16x1024xf32>
    %abs3A_571 = math.absf %sub3A_570 : vector<16x1024xf32>
    %sub3A_572 = vector.broadcast %get3A_567 : vector<16x1xf32> to vector<16x1024xf32>
    %sub3A_573 = vector.broadcast %transpose3A_9 : vector<1x1024xf32> to vector<16x1024xf32>
    %sub3A_574 = arith.subf %sub3A_572, %sub3A_573 : vector<16x1024xf32>
    %abs3A_575 = math.absf %sub3A_574 : vector<16x1024xf32>
    %add3A_576 = arith.addf %abs3A_571, %abs3A_575 : vector<16x1024xf32>
    %lt3A_577 = arith.cmpf olt, %add3A_576, %select_n3A_553 : vector<16x1024xf32>
    %select_n3A_578 = arith.select %lt3A_577, %add3A_576, %select_n3A_553 : vector<16x1024xi1>, vector<16x1024xf32>
    %add3A_579 = arith.constant 352 : i32
    %add3A_580 = vector.broadcast %add3A_579 : i32 to vector<16x1024xi32>
    %add3A_581 = arith.addi %iota3A, %add3A_580 : vector<16x1024xi32>
    %select_n3A_582 = arith.select %lt3A_577, %add3A_581, %select_n3A_557 : vector<16x1024xi1>, vector<16x1024xi32>
    %get3A_583 = arith.constant 0 : index
    %get3A_584 = arith.constant 368 : index
    %get3A_585 = arith.constant 0 : index
    %get3A_586 = vector.load %arg3[%get3A_583, %get3A_584, %get3A_585] : memref<1x2048x2xf32, #tpu.memory_space<vmem>>, vector<1x16x1xf32>
    %get3A_587 = vector.shape_cast %get3A_586 : vector<1x16x1xf32> to vector<16x1xf32>
    %get3A_588 = arith.constant 0 : index
    %get3A_589 = arith.constant 368 : index
    %get3A_590 = arith.constant 1 : index
    %get3A_591 = vector.load %arg3[%get3A_588, %get3A_589, %get3A_590] : memref<1x2048x2xf32, #tpu.memory_space<vmem>>, vector<1x16x1xf32>
    %get3A_592 = vector.shape_cast %get3A_591 : vector<1x16x1xf32> to vector<16x1xf32>
    %sub3A_593 = vector.broadcast %get3A_587 : vector<16x1xf32> to vector<16x1024xf32>
    %sub3A_594 = vector.broadcast %transpose3A : vector<1x1024xf32> to vector<16x1024xf32>
    %sub3A_595 = arith.subf %sub3A_593, %sub3A_594 : vector<16x1024xf32>
    %abs3A_596 = math.absf %sub3A_595 : vector<16x1024xf32>
    %sub3A_597 = vector.broadcast %get3A_592 : vector<16x1xf32> to vector<16x1024xf32>
    %sub3A_598 = vector.broadcast %transpose3A_9 : vector<1x1024xf32> to vector<16x1024xf32>
    %sub3A_599 = arith.subf %sub3A_597, %sub3A_598 : vector<16x1024xf32>
    %abs3A_600 = math.absf %sub3A_599 : vector<16x1024xf32>
    %add3A_601 = arith.addf %abs3A_596, %abs3A_600 : vector<16x1024xf32>
    %lt3A_602 = arith.cmpf olt, %add3A_601, %select_n3A_578 : vector<16x1024xf32>
    %select_n3A_603 = arith.select %lt3A_602, %add3A_601, %select_n3A_578 : vector<16x1024xi1>, vector<16x1024xf32>
    %add3A_604 = arith.constant 368 : i32
    %add3A_605 = vector.broadcast %add3A_604 : i32 to vector<16x1024xi32>
    %add3A_606 = arith.addi %iota3A, %add3A_605 : vector<16x1024xi32>
    %select_n3A_607 = arith.select %lt3A_602, %add3A_606, %select_n3A_582 : vector<16x1024xi1>, vector<16x1024xi32>
    %get3A_608 = arith.constant 0 : index
    %get3A_609 = arith.constant 384 : index
    %get3A_610 = arith.constant 0 : index
    %get3A_611 = vector.load %arg3[%get3A_608, %get3A_609, %get3A_610] : memref<1x2048x2xf32, #tpu.memory_space<vmem>>, vector<1x16x1xf32>
    %get3A_612 = vector.shape_cast %get3A_611 : vector<1x16x1xf32> to vector<16x1xf32>
    %get3A_613 = arith.constant 0 : index
    %get3A_614 = arith.constant 384 : index
    %get3A_615 = arith.constant 1 : index
    %get3A_616 = vector.load %arg3[%get3A_613, %get3A_614, %get3A_615] : memref<1x2048x2xf32, #tpu.memory_space<vmem>>, vector<1x16x1xf32>
    %get3A_617 = vector.shape_cast %get3A_616 : vector<1x16x1xf32> to vector<16x1xf32>
    %sub3A_618 = vector.broadcast %get3A_612 : vector<16x1xf32> to vector<16x1024xf32>
    %sub3A_619 = vector.broadcast %transpose3A : vector<1x1024xf32> to vector<16x1024xf32>
    %sub3A_620 = arith.subf %sub3A_618, %sub3A_619 : vector<16x1024xf32>
    %abs3A_621 = math.absf %sub3A_620 : vector<16x1024xf32>
    %sub3A_622 = vector.broadcast %get3A_617 : vector<16x1xf32> to vector<16x1024xf32>
    %sub3A_623 = vector.broadcast %transpose3A_9 : vector<1x1024xf32> to vector<16x1024xf32>
    %sub3A_624 = arith.subf %sub3A_622, %sub3A_623 : vector<16x1024xf32>
    %abs3A_625 = math.absf %sub3A_624 : vector<16x1024xf32>
    %add3A_626 = arith.addf %abs3A_621, %abs3A_625 : vector<16x1024xf32>
    %lt3A_627 = arith.cmpf olt, %add3A_626, %select_n3A_603 : vector<16x1024xf32>
    %select_n3A_628 = arith.select %lt3A_627, %add3A_626, %select_n3A_603 : vector<16x1024xi1>, vector<16x1024xf32>
    %add3A_629 = arith.constant 384 : i32
    %add3A_630 = vector.broadcast %add3A_629 : i32 to vector<16x1024xi32>
    %add3A_631 = arith.addi %iota3A, %add3A_630 : vector<16x1024xi32>
    %select_n3A_632 = arith.select %lt3A_627, %add3A_631, %select_n3A_607 : vector<16x1024xi1>, vector<16x1024xi32>
    %get3A_633 = arith.constant 0 : index
    %get3A_634 = arith.constant 400 : index
    %get3A_635 = arith.constant 0 : index
    %get3A_636 = vector.load %arg3[%get3A_633, %get3A_634, %get3A_635] : memref<1x2048x2xf32, #tpu.memory_space<vmem>>, vector<1x16x1xf32>
    %get3A_637 = vector.shape_cast %get3A_636 : vector<1x16x1xf32> to vector<16x1xf32>
    %get3A_638 = arith.constant 0 : index
    %get3A_639 = arith.constant 400 : index
    %get3A_640 = arith.constant 1 : index
    %get3A_641 = vector.load %arg3[%get3A_638, %get3A_639, %get3A_640] : memref<1x2048x2xf32, #tpu.memory_space<vmem>>, vector<1x16x1xf32>
    %get3A_642 = vector.shape_cast %get3A_641 : vector<1x16x1xf32> to vector<16x1xf32>
    %sub3A_643 = vector.broadcast %get3A_637 : vector<16x1xf32> to vector<16x1024xf32>
    %sub3A_644 = vector.broadcast %transpose3A : vector<1x1024xf32> to vector<16x1024xf32>
    %sub3A_645 = arith.subf %sub3A_643, %sub3A_644 : vector<16x1024xf32>
    %abs3A_646 = math.absf %sub3A_645 : vector<16x1024xf32>
    %sub3A_647 = vector.broadcast %get3A_642 : vector<16x1xf32> to vector<16x1024xf32>
    %sub3A_648 = vector.broadcast %transpose3A_9 : vector<1x1024xf32> to vector<16x1024xf32>
    %sub3A_649 = arith.subf %sub3A_647, %sub3A_648 : vector<16x1024xf32>
    %abs3A_650 = math.absf %sub3A_649 : vector<16x1024xf32>
    %add3A_651 = arith.addf %abs3A_646, %abs3A_650 : vector<16x1024xf32>
    %lt3A_652 = arith.cmpf olt, %add3A_651, %select_n3A_628 : vector<16x1024xf32>
    %select_n3A_653 = arith.select %lt3A_652, %add3A_651, %select_n3A_628 : vector<16x1024xi1>, vector<16x1024xf32>
    %add3A_654 = arith.constant 400 : i32
    %add3A_655 = vector.broadcast %add3A_654 : i32 to vector<16x1024xi32>
    %add3A_656 = arith.addi %iota3A, %add3A_655 : vector<16x1024xi32>
    %select_n3A_657 = arith.select %lt3A_652, %add3A_656, %select_n3A_632 : vector<16x1024xi1>, vector<16x1024xi32>
    %get3A_658 = arith.constant 0 : index
    %get3A_659 = arith.constant 416 : index
    %get3A_660 = arith.constant 0 : index
    %get3A_661 = vector.load %arg3[%get3A_658, %get3A_659, %get3A_660] : memref<1x2048x2xf32, #tpu.memory_space<vmem>>, vector<1x16x1xf32>
    %get3A_662 = vector.shape_cast %get3A_661 : vector<1x16x1xf32> to vector<16x1xf32>
    %get3A_663 = arith.constant 0 : index
    %get3A_664 = arith.constant 416 : index
    %get3A_665 = arith.constant 1 : index
    %get3A_666 = vector.load %arg3[%get3A_663, %get3A_664, %get3A_665] : memref<1x2048x2xf32, #tpu.memory_space<vmem>>, vector<1x16x1xf32>
    %get3A_667 = vector.shape_cast %get3A_666 : vector<1x16x1xf32> to vector<16x1xf32>
    %sub3A_668 = vector.broadcast %get3A_662 : vector<16x1xf32> to vector<16x1024xf32>
    %sub3A_669 = vector.broadcast %transpose3A : vector<1x1024xf32> to vector<16x1024xf32>
    %sub3A_670 = arith.subf %sub3A_668, %sub3A_669 : vector<16x1024xf32>
    %abs3A_671 = math.absf %sub3A_670 : vector<16x1024xf32>
    %sub3A_672 = vector.broadcast %get3A_667 : vector<16x1xf32> to vector<16x1024xf32>
    %sub3A_673 = vector.broadcast %transpose3A_9 : vector<1x1024xf32> to vector<16x1024xf32>
    %sub3A_674 = arith.subf %sub3A_672, %sub3A_673 : vector<16x1024xf32>
    %abs3A_675 = math.absf %sub3A_674 : vector<16x1024xf32>
    %add3A_676 = arith.addf %abs3A_671, %abs3A_675 : vector<16x1024xf32>
    %lt3A_677 = arith.cmpf olt, %add3A_676, %select_n3A_653 : vector<16x1024xf32>
    %select_n3A_678 = arith.select %lt3A_677, %add3A_676, %select_n3A_653 : vector<16x1024xi1>, vector<16x1024xf32>
    %add3A_679 = arith.constant 416 : i32
    %add3A_680 = vector.broadcast %add3A_679 : i32 to vector<16x1024xi32>
    %add3A_681 = arith.addi %iota3A, %add3A_680 : vector<16x1024xi32>
    %select_n3A_682 = arith.select %lt3A_677, %add3A_681, %select_n3A_657 : vector<16x1024xi1>, vector<16x1024xi32>
    %get3A_683 = arith.constant 0 : index
    %get3A_684 = arith.constant 432 : index
    %get3A_685 = arith.constant 0 : index
    %get3A_686 = vector.load %arg3[%get3A_683, %get3A_684, %get3A_685] : memref<1x2048x2xf32, #tpu.memory_space<vmem>>, vector<1x16x1xf32>
    %get3A_687 = vector.shape_cast %get3A_686 : vector<1x16x1xf32> to vector<16x1xf32>
    %get3A_688 = arith.constant 0 : index
    %get3A_689 = arith.constant 432 : index
    %get3A_690 = arith.constant 1 : index
    %get3A_691 = vector.load %arg3[%get3A_688, %get3A_689, %get3A_690] : memref<1x2048x2xf32, #tpu.memory_space<vmem>>, vector<1x16x1xf32>
    %get3A_692 = vector.shape_cast %get3A_691 : vector<1x16x1xf32> to vector<16x1xf32>
    %sub3A_693 = vector.broadcast %get3A_687 : vector<16x1xf32> to vector<16x1024xf32>
    %sub3A_694 = vector.broadcast %transpose3A : vector<1x1024xf32> to vector<16x1024xf32>
    %sub3A_695 = arith.subf %sub3A_693, %sub3A_694 : vector<16x1024xf32>
    %abs3A_696 = math.absf %sub3A_695 : vector<16x1024xf32>
    %sub3A_697 = vector.broadcast %get3A_692 : vector<16x1xf32> to vector<16x1024xf32>
    %sub3A_698 = vector.broadcast %transpose3A_9 : vector<1x1024xf32> to vector<16x1024xf32>
    %sub3A_699 = arith.subf %sub3A_697, %sub3A_698 : vector<16x1024xf32>
    %abs3A_700 = math.absf %sub3A_699 : vector<16x1024xf32>
    %add3A_701 = arith.addf %abs3A_696, %abs3A_700 : vector<16x1024xf32>
    %lt3A_702 = arith.cmpf olt, %add3A_701, %select_n3A_678 : vector<16x1024xf32>
    %select_n3A_703 = arith.select %lt3A_702, %add3A_701, %select_n3A_678 : vector<16x1024xi1>, vector<16x1024xf32>
    %add3A_704 = arith.constant 432 : i32
    %add3A_705 = vector.broadcast %add3A_704 : i32 to vector<16x1024xi32>
    %add3A_706 = arith.addi %iota3A, %add3A_705 : vector<16x1024xi32>
    %select_n3A_707 = arith.select %lt3A_702, %add3A_706, %select_n3A_682 : vector<16x1024xi1>, vector<16x1024xi32>
    %get3A_708 = arith.constant 0 : index
    %get3A_709 = arith.constant 448 : index
    %get3A_710 = arith.constant 0 : index
    %get3A_711 = vector.load %arg3[%get3A_708, %get3A_709, %get3A_710] : memref<1x2048x2xf32, #tpu.memory_space<vmem>>, vector<1x16x1xf32>
    %get3A_712 = vector.shape_cast %get3A_711 : vector<1x16x1xf32> to vector<16x1xf32>
    %get3A_713 = arith.constant 0 : index
    %get3A_714 = arith.constant 448 : index
    %get3A_715 = arith.constant 1 : index
    %get3A_716 = vector.load %arg3[%get3A_713, %get3A_714, %get3A_715] : memref<1x2048x2xf32, #tpu.memory_space<vmem>>, vector<1x16x1xf32>
    %get3A_717 = vector.shape_cast %get3A_716 : vector<1x16x1xf32> to vector<16x1xf32>
    %sub3A_718 = vector.broadcast %get3A_712 : vector<16x1xf32> to vector<16x1024xf32>
    %sub3A_719 = vector.broadcast %transpose3A : vector<1x1024xf32> to vector<16x1024xf32>
    %sub3A_720 = arith.subf %sub3A_718, %sub3A_719 : vector<16x1024xf32>
    %abs3A_721 = math.absf %sub3A_720 : vector<16x1024xf32>
    %sub3A_722 = vector.broadcast %get3A_717 : vector<16x1xf32> to vector<16x1024xf32>
    %sub3A_723 = vector.broadcast %transpose3A_9 : vector<1x1024xf32> to vector<16x1024xf32>
    %sub3A_724 = arith.subf %sub3A_722, %sub3A_723 : vector<16x1024xf32>
    %abs3A_725 = math.absf %sub3A_724 : vector<16x1024xf32>
    %add3A_726 = arith.addf %abs3A_721, %abs3A_725 : vector<16x1024xf32>
    %lt3A_727 = arith.cmpf olt, %add3A_726, %select_n3A_703 : vector<16x1024xf32>
    %select_n3A_728 = arith.select %lt3A_727, %add3A_726, %select_n3A_703 : vector<16x1024xi1>, vector<16x1024xf32>
    %add3A_729 = arith.constant 448 : i32
    %add3A_730 = vector.broadcast %add3A_729 : i32 to vector<16x1024xi32>
    %add3A_731 = arith.addi %iota3A, %add3A_730 : vector<16x1024xi32>
    %select_n3A_732 = arith.select %lt3A_727, %add3A_731, %select_n3A_707 : vector<16x1024xi1>, vector<16x1024xi32>
    %get3A_733 = arith.constant 0 : index
    %get3A_734 = arith.constant 464 : index
    %get3A_735 = arith.constant 0 : index
    %get3A_736 = vector.load %arg3[%get3A_733, %get3A_734, %get3A_735] : memref<1x2048x2xf32, #tpu.memory_space<vmem>>, vector<1x16x1xf32>
    %get3A_737 = vector.shape_cast %get3A_736 : vector<1x16x1xf32> to vector<16x1xf32>
    %get3A_738 = arith.constant 0 : index
    %get3A_739 = arith.constant 464 : index
    %get3A_740 = arith.constant 1 : index
    %get3A_741 = vector.load %arg3[%get3A_738, %get3A_739, %get3A_740] : memref<1x2048x2xf32, #tpu.memory_space<vmem>>, vector<1x16x1xf32>
    %get3A_742 = vector.shape_cast %get3A_741 : vector<1x16x1xf32> to vector<16x1xf32>
    %sub3A_743 = vector.broadcast %get3A_737 : vector<16x1xf32> to vector<16x1024xf32>
    %sub3A_744 = vector.broadcast %transpose3A : vector<1x1024xf32> to vector<16x1024xf32>
    %sub3A_745 = arith.subf %sub3A_743, %sub3A_744 : vector<16x1024xf32>
    %abs3A_746 = math.absf %sub3A_745 : vector<16x1024xf32>
    %sub3A_747 = vector.broadcast %get3A_742 : vector<16x1xf32> to vector<16x1024xf32>
    %sub3A_748 = vector.broadcast %transpose3A_9 : vector<1x1024xf32> to vector<16x1024xf32>
    %sub3A_749 = arith.subf %sub3A_747, %sub3A_748 : vector<16x1024xf32>
    %abs3A_750 = math.absf %sub3A_749 : vector<16x1024xf32>
    %add3A_751 = arith.addf %abs3A_746, %abs3A_750 : vector<16x1024xf32>
    %lt3A_752 = arith.cmpf olt, %add3A_751, %select_n3A_728 : vector<16x1024xf32>
    %select_n3A_753 = arith.select %lt3A_752, %add3A_751, %select_n3A_728 : vector<16x1024xi1>, vector<16x1024xf32>
    %add3A_754 = arith.constant 464 : i32
    %add3A_755 = vector.broadcast %add3A_754 : i32 to vector<16x1024xi32>
    %add3A_756 = arith.addi %iota3A, %add3A_755 : vector<16x1024xi32>
    %select_n3A_757 = arith.select %lt3A_752, %add3A_756, %select_n3A_732 : vector<16x1024xi1>, vector<16x1024xi32>
    %get3A_758 = arith.constant 0 : index
    %get3A_759 = arith.constant 480 : index
    %get3A_760 = arith.constant 0 : index
    %get3A_761 = vector.load %arg3[%get3A_758, %get3A_759, %get3A_760] : memref<1x2048x2xf32, #tpu.memory_space<vmem>>, vector<1x16x1xf32>
    %get3A_762 = vector.shape_cast %get3A_761 : vector<1x16x1xf32> to vector<16x1xf32>
    %get3A_763 = arith.constant 0 : index
    %get3A_764 = arith.constant 480 : index
    %get3A_765 = arith.constant 1 : index
    %get3A_766 = vector.load %arg3[%get3A_763, %get3A_764, %get3A_765] : memref<1x2048x2xf32, #tpu.memory_space<vmem>>, vector<1x16x1xf32>
    %get3A_767 = vector.shape_cast %get3A_766 : vector<1x16x1xf32> to vector<16x1xf32>
    %sub3A_768 = vector.broadcast %get3A_762 : vector<16x1xf32> to vector<16x1024xf32>
    %sub3A_769 = vector.broadcast %transpose3A : vector<1x1024xf32> to vector<16x1024xf32>
    %sub3A_770 = arith.subf %sub3A_768, %sub3A_769 : vector<16x1024xf32>
    %abs3A_771 = math.absf %sub3A_770 : vector<16x1024xf32>
    %sub3A_772 = vector.broadcast %get3A_767 : vector<16x1xf32> to vector<16x1024xf32>
    %sub3A_773 = vector.broadcast %transpose3A_9 : vector<1x1024xf32> to vector<16x1024xf32>
    %sub3A_774 = arith.subf %sub3A_772, %sub3A_773 : vector<16x1024xf32>
    %abs3A_775 = math.absf %sub3A_774 : vector<16x1024xf32>
    %add3A_776 = arith.addf %abs3A_771, %abs3A_775 : vector<16x1024xf32>
    %lt3A_777 = arith.cmpf olt, %add3A_776, %select_n3A_753 : vector<16x1024xf32>
    %select_n3A_778 = arith.select %lt3A_777, %add3A_776, %select_n3A_753 : vector<16x1024xi1>, vector<16x1024xf32>
    %add3A_779 = arith.constant 480 : i32
    %add3A_780 = vector.broadcast %add3A_779 : i32 to vector<16x1024xi32>
    %add3A_781 = arith.addi %iota3A, %add3A_780 : vector<16x1024xi32>
    %select_n3A_782 = arith.select %lt3A_777, %add3A_781, %select_n3A_757 : vector<16x1024xi1>, vector<16x1024xi32>
    %get3A_783 = arith.constant 0 : index
    %get3A_784 = arith.constant 496 : index
    %get3A_785 = arith.constant 0 : index
    %get3A_786 = vector.load %arg3[%get3A_783, %get3A_784, %get3A_785] : memref<1x2048x2xf32, #tpu.memory_space<vmem>>, vector<1x16x1xf32>
    %get3A_787 = vector.shape_cast %get3A_786 : vector<1x16x1xf32> to vector<16x1xf32>
    %get3A_788 = arith.constant 0 : index
    %get3A_789 = arith.constant 496 : index
    %get3A_790 = arith.constant 1 : index
    %get3A_791 = vector.load %arg3[%get3A_788, %get3A_789, %get3A_790] : memref<1x2048x2xf32, #tpu.memory_space<vmem>>, vector<1x16x1xf32>
    %get3A_792 = vector.shape_cast %get3A_791 : vector<1x16x1xf32> to vector<16x1xf32>
    %sub3A_793 = vector.broadcast %get3A_787 : vector<16x1xf32> to vector<16x1024xf32>
    %sub3A_794 = vector.broadcast %transpose3A : vector<1x1024xf32> to vector<16x1024xf32>
    %sub3A_795 = arith.subf %sub3A_793, %sub3A_794 : vector<16x1024xf32>
    %abs3A_796 = math.absf %sub3A_795 : vector<16x1024xf32>
    %sub3A_797 = vector.broadcast %get3A_792 : vector<16x1xf32> to vector<16x1024xf32>
    %sub3A_798 = vector.broadcast %transpose3A_9 : vector<1x1024xf32> to vector<16x1024xf32>
    %sub3A_799 = arith.subf %sub3A_797, %sub3A_798 : vector<16x1024xf32>
    %abs3A_800 = math.absf %sub3A_799 : vector<16x1024xf32>
    %add3A_801 = arith.addf %abs3A_796, %abs3A_800 : vector<16x1024xf32>
    %lt3A_802 = arith.cmpf olt, %add3A_801, %select_n3A_778 : vector<16x1024xf32>
    %select_n3A_803 = arith.select %lt3A_802, %add3A_801, %select_n3A_778 : vector<16x1024xi1>, vector<16x1024xf32>
    %add3A_804 = arith.constant 496 : i32
    %add3A_805 = vector.broadcast %add3A_804 : i32 to vector<16x1024xi32>
    %add3A_806 = arith.addi %iota3A, %add3A_805 : vector<16x1024xi32>
    %select_n3A_807 = arith.select %lt3A_802, %add3A_806, %select_n3A_782 : vector<16x1024xi1>, vector<16x1024xi32>
    %get3A_808 = arith.constant 0 : index
    %get3A_809 = arith.constant 512 : index
    %get3A_810 = arith.constant 0 : index
    %get3A_811 = vector.load %arg3[%get3A_808, %get3A_809, %get3A_810] : memref<1x2048x2xf32, #tpu.memory_space<vmem>>, vector<1x16x1xf32>
    %get3A_812 = vector.shape_cast %get3A_811 : vector<1x16x1xf32> to vector<16x1xf32>
    %get3A_813 = arith.constant 0 : index
    %get3A_814 = arith.constant 512 : index
    %get3A_815 = arith.constant 1 : index
    %get3A_816 = vector.load %arg3[%get3A_813, %get3A_814, %get3A_815] : memref<1x2048x2xf32, #tpu.memory_space<vmem>>, vector<1x16x1xf32>
    %get3A_817 = vector.shape_cast %get3A_816 : vector<1x16x1xf32> to vector<16x1xf32>
    %sub3A_818 = vector.broadcast %get3A_812 : vector<16x1xf32> to vector<16x1024xf32>
    %sub3A_819 = vector.broadcast %transpose3A : vector<1x1024xf32> to vector<16x1024xf32>
    %sub3A_820 = arith.subf %sub3A_818, %sub3A_819 : vector<16x1024xf32>
    %abs3A_821 = math.absf %sub3A_820 : vector<16x1024xf32>
    %sub3A_822 = vector.broadcast %get3A_817 : vector<16x1xf32> to vector<16x1024xf32>
    %sub3A_823 = vector.broadcast %transpose3A_9 : vector<1x1024xf32> to vector<16x1024xf32>
    %sub3A_824 = arith.subf %sub3A_822, %sub3A_823 : vector<16x1024xf32>
    %abs3A_825 = math.absf %sub3A_824 : vector<16x1024xf32>
    %add3A_826 = arith.addf %abs3A_821, %abs3A_825 : vector<16x1024xf32>
    %lt3A_827 = arith.cmpf olt, %add3A_826, %select_n3A_803 : vector<16x1024xf32>
    %select_n3A_828 = arith.select %lt3A_827, %add3A_826, %select_n3A_803 : vector<16x1024xi1>, vector<16x1024xf32>
    %add3A_829 = arith.constant 512 : i32
    %add3A_830 = vector.broadcast %add3A_829 : i32 to vector<16x1024xi32>
    %add3A_831 = arith.addi %iota3A, %add3A_830 : vector<16x1024xi32>
    %select_n3A_832 = arith.select %lt3A_827, %add3A_831, %select_n3A_807 : vector<16x1024xi1>, vector<16x1024xi32>
    %get3A_833 = arith.constant 0 : index
    %get3A_834 = arith.constant 528 : index
    %get3A_835 = arith.constant 0 : index
    %get3A_836 = vector.load %arg3[%get3A_833, %get3A_834, %get3A_835] : memref<1x2048x2xf32, #tpu.memory_space<vmem>>, vector<1x16x1xf32>
    %get3A_837 = vector.shape_cast %get3A_836 : vector<1x16x1xf32> to vector<16x1xf32>
    %get3A_838 = arith.constant 0 : index
    %get3A_839 = arith.constant 528 : index
    %get3A_840 = arith.constant 1 : index
    %get3A_841 = vector.load %arg3[%get3A_838, %get3A_839, %get3A_840] : memref<1x2048x2xf32, #tpu.memory_space<vmem>>, vector<1x16x1xf32>
    %get3A_842 = vector.shape_cast %get3A_841 : vector<1x16x1xf32> to vector<16x1xf32>
    %sub3A_843 = vector.broadcast %get3A_837 : vector<16x1xf32> to vector<16x1024xf32>
    %sub3A_844 = vector.broadcast %transpose3A : vector<1x1024xf32> to vector<16x1024xf32>
    %sub3A_845 = arith.subf %sub3A_843, %sub3A_844 : vector<16x1024xf32>
    %abs3A_846 = math.absf %sub3A_845 : vector<16x1024xf32>
    %sub3A_847 = vector.broadcast %get3A_842 : vector<16x1xf32> to vector<16x1024xf32>
    %sub3A_848 = vector.broadcast %transpose3A_9 : vector<1x1024xf32> to vector<16x1024xf32>
    %sub3A_849 = arith.subf %sub3A_847, %sub3A_848 : vector<16x1024xf32>
    %abs3A_850 = math.absf %sub3A_849 : vector<16x1024xf32>
    %add3A_851 = arith.addf %abs3A_846, %abs3A_850 : vector<16x1024xf32>
    %lt3A_852 = arith.cmpf olt, %add3A_851, %select_n3A_828 : vector<16x1024xf32>
    %select_n3A_853 = arith.select %lt3A_852, %add3A_851, %select_n3A_828 : vector<16x1024xi1>, vector<16x1024xf32>
    %add3A_854 = arith.constant 528 : i32
    %add3A_855 = vector.broadcast %add3A_854 : i32 to vector<16x1024xi32>
    %add3A_856 = arith.addi %iota3A, %add3A_855 : vector<16x1024xi32>
    %select_n3A_857 = arith.select %lt3A_852, %add3A_856, %select_n3A_832 : vector<16x1024xi1>, vector<16x1024xi32>
    %get3A_858 = arith.constant 0 : index
    %get3A_859 = arith.constant 544 : index
    %get3A_860 = arith.constant 0 : index
    %get3A_861 = vector.load %arg3[%get3A_858, %get3A_859, %get3A_860] : memref<1x2048x2xf32, #tpu.memory_space<vmem>>, vector<1x16x1xf32>
    %get3A_862 = vector.shape_cast %get3A_861 : vector<1x16x1xf32> to vector<16x1xf32>
    %get3A_863 = arith.constant 0 : index
    %get3A_864 = arith.constant 544 : index
    %get3A_865 = arith.constant 1 : index
    %get3A_866 = vector.load %arg3[%get3A_863, %get3A_864, %get3A_865] : memref<1x2048x2xf32, #tpu.memory_space<vmem>>, vector<1x16x1xf32>
    %get3A_867 = vector.shape_cast %get3A_866 : vector<1x16x1xf32> to vector<16x1xf32>
    %sub3A_868 = vector.broadcast %get3A_862 : vector<16x1xf32> to vector<16x1024xf32>
    %sub3A_869 = vector.broadcast %transpose3A : vector<1x1024xf32> to vector<16x1024xf32>
    %sub3A_870 = arith.subf %sub3A_868, %sub3A_869 : vector<16x1024xf32>
    %abs3A_871 = math.absf %sub3A_870 : vector<16x1024xf32>
    %sub3A_872 = vector.broadcast %get3A_867 : vector<16x1xf32> to vector<16x1024xf32>
    %sub3A_873 = vector.broadcast %transpose3A_9 : vector<1x1024xf32> to vector<16x1024xf32>
    %sub3A_874 = arith.subf %sub3A_872, %sub3A_873 : vector<16x1024xf32>
    %abs3A_875 = math.absf %sub3A_874 : vector<16x1024xf32>
    %add3A_876 = arith.addf %abs3A_871, %abs3A_875 : vector<16x1024xf32>
    %lt3A_877 = arith.cmpf olt, %add3A_876, %select_n3A_853 : vector<16x1024xf32>
    %select_n3A_878 = arith.select %lt3A_877, %add3A_876, %select_n3A_853 : vector<16x1024xi1>, vector<16x1024xf32>
    %add3A_879 = arith.constant 544 : i32
    %add3A_880 = vector.broadcast %add3A_879 : i32 to vector<16x1024xi32>
    %add3A_881 = arith.addi %iota3A, %add3A_880 : vector<16x1024xi32>
    %select_n3A_882 = arith.select %lt3A_877, %add3A_881, %select_n3A_857 : vector<16x1024xi1>, vector<16x1024xi32>
    %get3A_883 = arith.constant 0 : index
    %get3A_884 = arith.constant 560 : index
    %get3A_885 = arith.constant 0 : index
    %get3A_886 = vector.load %arg3[%get3A_883, %get3A_884, %get3A_885] : memref<1x2048x2xf32, #tpu.memory_space<vmem>>, vector<1x16x1xf32>
    %get3A_887 = vector.shape_cast %get3A_886 : vector<1x16x1xf32> to vector<16x1xf32>
    %get3A_888 = arith.constant 0 : index
    %get3A_889 = arith.constant 560 : index
    %get3A_890 = arith.constant 1 : index
    %get3A_891 = vector.load %arg3[%get3A_888, %get3A_889, %get3A_890] : memref<1x2048x2xf32, #tpu.memory_space<vmem>>, vector<1x16x1xf32>
    %get3A_892 = vector.shape_cast %get3A_891 : vector<1x16x1xf32> to vector<16x1xf32>
    %sub3A_893 = vector.broadcast %get3A_887 : vector<16x1xf32> to vector<16x1024xf32>
    %sub3A_894 = vector.broadcast %transpose3A : vector<1x1024xf32> to vector<16x1024xf32>
    %sub3A_895 = arith.subf %sub3A_893, %sub3A_894 : vector<16x1024xf32>
    %abs3A_896 = math.absf %sub3A_895 : vector<16x1024xf32>
    %sub3A_897 = vector.broadcast %get3A_892 : vector<16x1xf32> to vector<16x1024xf32>
    %sub3A_898 = vector.broadcast %transpose3A_9 : vector<1x1024xf32> to vector<16x1024xf32>
    %sub3A_899 = arith.subf %sub3A_897, %sub3A_898 : vector<16x1024xf32>
    %abs3A_900 = math.absf %sub3A_899 : vector<16x1024xf32>
    %add3A_901 = arith.addf %abs3A_896, %abs3A_900 : vector<16x1024xf32>
    %lt3A_902 = arith.cmpf olt, %add3A_901, %select_n3A_878 : vector<16x1024xf32>
    %select_n3A_903 = arith.select %lt3A_902, %add3A_901, %select_n3A_878 : vector<16x1024xi1>, vector<16x1024xf32>
    %add3A_904 = arith.constant 560 : i32
    %add3A_905 = vector.broadcast %add3A_904 : i32 to vector<16x1024xi32>
    %add3A_906 = arith.addi %iota3A, %add3A_905 : vector<16x1024xi32>
    %select_n3A_907 = arith.select %lt3A_902, %add3A_906, %select_n3A_882 : vector<16x1024xi1>, vector<16x1024xi32>
    %get3A_908 = arith.constant 0 : index
    %get3A_909 = arith.constant 576 : index
    %get3A_910 = arith.constant 0 : index
    %get3A_911 = vector.load %arg3[%get3A_908, %get3A_909, %get3A_910] : memref<1x2048x2xf32, #tpu.memory_space<vmem>>, vector<1x16x1xf32>
    %get3A_912 = vector.shape_cast %get3A_911 : vector<1x16x1xf32> to vector<16x1xf32>
    %get3A_913 = arith.constant 0 : index
    %get3A_914 = arith.constant 576 : index
    %get3A_915 = arith.constant 1 : index
    %get3A_916 = vector.load %arg3[%get3A_913, %get3A_914, %get3A_915] : memref<1x2048x2xf32, #tpu.memory_space<vmem>>, vector<1x16x1xf32>
    %get3A_917 = vector.shape_cast %get3A_916 : vector<1x16x1xf32> to vector<16x1xf32>
    %sub3A_918 = vector.broadcast %get3A_912 : vector<16x1xf32> to vector<16x1024xf32>
    %sub3A_919 = vector.broadcast %transpose3A : vector<1x1024xf32> to vector<16x1024xf32>
    %sub3A_920 = arith.subf %sub3A_918, %sub3A_919 : vector<16x1024xf32>
    %abs3A_921 = math.absf %sub3A_920 : vector<16x1024xf32>
    %sub3A_922 = vector.broadcast %get3A_917 : vector<16x1xf32> to vector<16x1024xf32>
    %sub3A_923 = vector.broadcast %transpose3A_9 : vector<1x1024xf32> to vector<16x1024xf32>
    %sub3A_924 = arith.subf %sub3A_922, %sub3A_923 : vector<16x1024xf32>
    %abs3A_925 = math.absf %sub3A_924 : vector<16x1024xf32>
    %add3A_926 = arith.addf %abs3A_921, %abs3A_925 : vector<16x1024xf32>
    %lt3A_927 = arith.cmpf olt, %add3A_926, %select_n3A_903 : vector<16x1024xf32>
    %select_n3A_928 = arith.select %lt3A_927, %add3A_926, %select_n3A_903 : vector<16x1024xi1>, vector<16x1024xf32>
    %add3A_929 = arith.constant 576 : i32
    %add3A_930 = vector.broadcast %add3A_929 : i32 to vector<16x1024xi32>
    %add3A_931 = arith.addi %iota3A, %add3A_930 : vector<16x1024xi32>
    %select_n3A_932 = arith.select %lt3A_927, %add3A_931, %select_n3A_907 : vector<16x1024xi1>, vector<16x1024xi32>
    %get3A_933 = arith.constant 0 : index
    %get3A_934 = arith.constant 592 : index
    %get3A_935 = arith.constant 0 : index
    %get3A_936 = vector.load %arg3[%get3A_933, %get3A_934, %get3A_935] : memref<1x2048x2xf32, #tpu.memory_space<vmem>>, vector<1x16x1xf32>
    %get3A_937 = vector.shape_cast %get3A_936 : vector<1x16x1xf32> to vector<16x1xf32>
    %get3A_938 = arith.constant 0 : index
    %get3A_939 = arith.constant 592 : index
    %get3A_940 = arith.constant 1 : index
    %get3A_941 = vector.load %arg3[%get3A_938, %get3A_939, %get3A_940] : memref<1x2048x2xf32, #tpu.memory_space<vmem>>, vector<1x16x1xf32>
    %get3A_942 = vector.shape_cast %get3A_941 : vector<1x16x1xf32> to vector<16x1xf32>
    %sub3A_943 = vector.broadcast %get3A_937 : vector<16x1xf32> to vector<16x1024xf32>
    %sub3A_944 = vector.broadcast %transpose3A : vector<1x1024xf32> to vector<16x1024xf32>
    %sub3A_945 = arith.subf %sub3A_943, %sub3A_944 : vector<16x1024xf32>
    %abs3A_946 = math.absf %sub3A_945 : vector<16x1024xf32>
    %sub3A_947 = vector.broadcast %get3A_942 : vector<16x1xf32> to vector<16x1024xf32>
    %sub3A_948 = vector.broadcast %transpose3A_9 : vector<1x1024xf32> to vector<16x1024xf32>
    %sub3A_949 = arith.subf %sub3A_947, %sub3A_948 : vector<16x1024xf32>
    %abs3A_950 = math.absf %sub3A_949 : vector<16x1024xf32>
    %add3A_951 = arith.addf %abs3A_946, %abs3A_950 : vector<16x1024xf32>
    %lt3A_952 = arith.cmpf olt, %add3A_951, %select_n3A_928 : vector<16x1024xf32>
    %select_n3A_953 = arith.select %lt3A_952, %add3A_951, %select_n3A_928 : vector<16x1024xi1>, vector<16x1024xf32>
    %add3A_954 = arith.constant 592 : i32
    %add3A_955 = vector.broadcast %add3A_954 : i32 to vector<16x1024xi32>
    %add3A_956 = arith.addi %iota3A, %add3A_955 : vector<16x1024xi32>
    %select_n3A_957 = arith.select %lt3A_952, %add3A_956, %select_n3A_932 : vector<16x1024xi1>, vector<16x1024xi32>
    %get3A_958 = arith.constant 0 : index
    %get3A_959 = arith.constant 608 : index
    %get3A_960 = arith.constant 0 : index
    %get3A_961 = vector.load %arg3[%get3A_958, %get3A_959, %get3A_960] : memref<1x2048x2xf32, #tpu.memory_space<vmem>>, vector<1x16x1xf32>
    %get3A_962 = vector.shape_cast %get3A_961 : vector<1x16x1xf32> to vector<16x1xf32>
    %get3A_963 = arith.constant 0 : index
    %get3A_964 = arith.constant 608 : index
    %get3A_965 = arith.constant 1 : index
    %get3A_966 = vector.load %arg3[%get3A_963, %get3A_964, %get3A_965] : memref<1x2048x2xf32, #tpu.memory_space<vmem>>, vector<1x16x1xf32>
    %get3A_967 = vector.shape_cast %get3A_966 : vector<1x16x1xf32> to vector<16x1xf32>
    %sub3A_968 = vector.broadcast %get3A_962 : vector<16x1xf32> to vector<16x1024xf32>
    %sub3A_969 = vector.broadcast %transpose3A : vector<1x1024xf32> to vector<16x1024xf32>
    %sub3A_970 = arith.subf %sub3A_968, %sub3A_969 : vector<16x1024xf32>
    %abs3A_971 = math.absf %sub3A_970 : vector<16x1024xf32>
    %sub3A_972 = vector.broadcast %get3A_967 : vector<16x1xf32> to vector<16x1024xf32>
    %sub3A_973 = vector.broadcast %transpose3A_9 : vector<1x1024xf32> to vector<16x1024xf32>
    %sub3A_974 = arith.subf %sub3A_972, %sub3A_973 : vector<16x1024xf32>
    %abs3A_975 = math.absf %sub3A_974 : vector<16x1024xf32>
    %add3A_976 = arith.addf %abs3A_971, %abs3A_975 : vector<16x1024xf32>
    %lt3A_977 = arith.cmpf olt, %add3A_976, %select_n3A_953 : vector<16x1024xf32>
    %select_n3A_978 = arith.select %lt3A_977, %add3A_976, %select_n3A_953 : vector<16x1024xi1>, vector<16x1024xf32>
    %add3A_979 = arith.constant 608 : i32
    %add3A_980 = vector.broadcast %add3A_979 : i32 to vector<16x1024xi32>
    %add3A_981 = arith.addi %iota3A, %add3A_980 : vector<16x1024xi32>
    %select_n3A_982 = arith.select %lt3A_977, %add3A_981, %select_n3A_957 : vector<16x1024xi1>, vector<16x1024xi32>
    %get3A_983 = arith.constant 0 : index
    %get3A_984 = arith.constant 624 : index
    %get3A_985 = arith.constant 0 : index
    %get3A_986 = vector.load %arg3[%get3A_983, %get3A_984, %get3A_985] : memref<1x2048x2xf32, #tpu.memory_space<vmem>>, vector<1x16x1xf32>
    %get3A_987 = vector.shape_cast %get3A_986 : vector<1x16x1xf32> to vector<16x1xf32>
    %get3A_988 = arith.constant 0 : index
    %get3A_989 = arith.constant 624 : index
    %get3A_990 = arith.constant 1 : index
    %get3A_991 = vector.load %arg3[%get3A_988, %get3A_989, %get3A_990] : memref<1x2048x2xf32, #tpu.memory_space<vmem>>, vector<1x16x1xf32>
    %get3A_992 = vector.shape_cast %get3A_991 : vector<1x16x1xf32> to vector<16x1xf32>
    %sub3A_993 = vector.broadcast %get3A_987 : vector<16x1xf32> to vector<16x1024xf32>
    %sub3A_994 = vector.broadcast %transpose3A : vector<1x1024xf32> to vector<16x1024xf32>
    %sub3A_995 = arith.subf %sub3A_993, %sub3A_994 : vector<16x1024xf32>
    %abs3A_996 = math.absf %sub3A_995 : vector<16x1024xf32>
    %sub3A_997 = vector.broadcast %get3A_992 : vector<16x1xf32> to vector<16x1024xf32>
    %sub3A_998 = vector.broadcast %transpose3A_9 : vector<1x1024xf32> to vector<16x1024xf32>
    %sub3A_999 = arith.subf %sub3A_997, %sub3A_998 : vector<16x1024xf32>
    %abs3A_1000 = math.absf %sub3A_999 : vector<16x1024xf32>
    %add3A_1001 = arith.addf %abs3A_996, %abs3A_1000 : vector<16x1024xf32>
    %lt3A_1002 = arith.cmpf olt, %add3A_1001, %select_n3A_978 : vector<16x1024xf32>
    %select_n3A_1003 = arith.select %lt3A_1002, %add3A_1001, %select_n3A_978 : vector<16x1024xi1>, vector<16x1024xf32>
    %add3A_1004 = arith.constant 624 : i32
    %add3A_1005 = vector.broadcast %add3A_1004 : i32 to vector<16x1024xi32>
    %add3A_1006 = arith.addi %iota3A, %add3A_1005 : vector<16x1024xi32>
    %select_n3A_1007 = arith.select %lt3A_1002, %add3A_1006, %select_n3A_982 : vector<16x1024xi1>, vector<16x1024xi32>
    %get3A_1008 = arith.constant 0 : index
    %get3A_1009 = arith.constant 640 : index
    %get3A_1010 = arith.constant 0 : index
    %get3A_1011 = vector.load %arg3[%get3A_1008, %get3A_1009, %get3A_1010] : memref<1x2048x2xf32, #tpu.memory_space<vmem>>, vector<1x16x1xf32>
    %get3A_1012 = vector.shape_cast %get3A_1011 : vector<1x16x1xf32> to vector<16x1xf32>
    %get3A_1013 = arith.constant 0 : index
    %get3A_1014 = arith.constant 640 : index
    %get3A_1015 = arith.constant 1 : index
    %get3A_1016 = vector.load %arg3[%get3A_1013, %get3A_1014, %get3A_1015] : memref<1x2048x2xf32, #tpu.memory_space<vmem>>, vector<1x16x1xf32>
    %get3A_1017 = vector.shape_cast %get3A_1016 : vector<1x16x1xf32> to vector<16x1xf32>
    %sub3A_1018 = vector.broadcast %get3A_1012 : vector<16x1xf32> to vector<16x1024xf32>
    %sub3A_1019 = vector.broadcast %transpose3A : vector<1x1024xf32> to vector<16x1024xf32>
    %sub3A_1020 = arith.subf %sub3A_1018, %sub3A_1019 : vector<16x1024xf32>
    %abs3A_1021 = math.absf %sub3A_1020 : vector<16x1024xf32>
    %sub3A_1022 = vector.broadcast %get3A_1017 : vector<16x1xf32> to vector<16x1024xf32>
    %sub3A_1023 = vector.broadcast %transpose3A_9 : vector<1x1024xf32> to vector<16x1024xf32>
    %sub3A_1024 = arith.subf %sub3A_1022, %sub3A_1023 : vector<16x1024xf32>
    %abs3A_1025 = math.absf %sub3A_1024 : vector<16x1024xf32>
    %add3A_1026 = arith.addf %abs3A_1021, %abs3A_1025 : vector<16x1024xf32>
    %lt3A_1027 = arith.cmpf olt, %add3A_1026, %select_n3A_1003 : vector<16x1024xf32>
    %select_n3A_1028 = arith.select %lt3A_1027, %add3A_1026, %select_n3A_1003 : vector<16x1024xi1>, vector<16x1024xf32>
    %add3A_1029 = arith.constant 640 : i32
    %add3A_1030 = vector.broadcast %add3A_1029 : i32 to vector<16x1024xi32>
    %add3A_1031 = arith.addi %iota3A, %add3A_1030 : vector<16x1024xi32>
    %select_n3A_1032 = arith.select %lt3A_1027, %add3A_1031, %select_n3A_1007 : vector<16x1024xi1>, vector<16x1024xi32>
    %get3A_1033 = arith.constant 0 : index
    %get3A_1034 = arith.constant 656 : index
    %get3A_1035 = arith.constant 0 : index
    %get3A_1036 = vector.load %arg3[%get3A_1033, %get3A_1034, %get3A_1035] : memref<1x2048x2xf32, #tpu.memory_space<vmem>>, vector<1x16x1xf32>
    %get3A_1037 = vector.shape_cast %get3A_1036 : vector<1x16x1xf32> to vector<16x1xf32>
    %get3A_1038 = arith.constant 0 : index
    %get3A_1039 = arith.constant 656 : index
    %get3A_1040 = arith.constant 1 : index
    %get3A_1041 = vector.load %arg3[%get3A_1038, %get3A_1039, %get3A_1040] : memref<1x2048x2xf32, #tpu.memory_space<vmem>>, vector<1x16x1xf32>
    %get3A_1042 = vector.shape_cast %get3A_1041 : vector<1x16x1xf32> to vector<16x1xf32>
    %sub3A_1043 = vector.broadcast %get3A_1037 : vector<16x1xf32> to vector<16x1024xf32>
    %sub3A_1044 = vector.broadcast %transpose3A : vector<1x1024xf32> to vector<16x1024xf32>
    %sub3A_1045 = arith.subf %sub3A_1043, %sub3A_1044 : vector<16x1024xf32>
    %abs3A_1046 = math.absf %sub3A_1045 : vector<16x1024xf32>
    %sub3A_1047 = vector.broadcast %get3A_1042 : vector<16x1xf32> to vector<16x1024xf32>
    %sub3A_1048 = vector.broadcast %transpose3A_9 : vector<1x1024xf32> to vector<16x1024xf32>
    %sub3A_1049 = arith.subf %sub3A_1047, %sub3A_1048 : vector<16x1024xf32>
    %abs3A_1050 = math.absf %sub3A_1049 : vector<16x1024xf32>
    %add3A_1051 = arith.addf %abs3A_1046, %abs3A_1050 : vector<16x1024xf32>
    %lt3A_1052 = arith.cmpf olt, %add3A_1051, %select_n3A_1028 : vector<16x1024xf32>
    %select_n3A_1053 = arith.select %lt3A_1052, %add3A_1051, %select_n3A_1028 : vector<16x1024xi1>, vector<16x1024xf32>
    %add3A_1054 = arith.constant 656 : i32
    %add3A_1055 = vector.broadcast %add3A_1054 : i32 to vector<16x1024xi32>
    %add3A_1056 = arith.addi %iota3A, %add3A_1055 : vector<16x1024xi32>
    %select_n3A_1057 = arith.select %lt3A_1052, %add3A_1056, %select_n3A_1032 : vector<16x1024xi1>, vector<16x1024xi32>
    %get3A_1058 = arith.constant 0 : index
    %get3A_1059 = arith.constant 672 : index
    %get3A_1060 = arith.constant 0 : index
    %get3A_1061 = vector.load %arg3[%get3A_1058, %get3A_1059, %get3A_1060] : memref<1x2048x2xf32, #tpu.memory_space<vmem>>, vector<1x16x1xf32>
    %get3A_1062 = vector.shape_cast %get3A_1061 : vector<1x16x1xf32> to vector<16x1xf32>
    %get3A_1063 = arith.constant 0 : index
    %get3A_1064 = arith.constant 672 : index
    %get3A_1065 = arith.constant 1 : index
    %get3A_1066 = vector.load %arg3[%get3A_1063, %get3A_1064, %get3A_1065] : memref<1x2048x2xf32, #tpu.memory_space<vmem>>, vector<1x16x1xf32>
    %get3A_1067 = vector.shape_cast %get3A_1066 : vector<1x16x1xf32> to vector<16x1xf32>
    %sub3A_1068 = vector.broadcast %get3A_1062 : vector<16x1xf32> to vector<16x1024xf32>
    %sub3A_1069 = vector.broadcast %transpose3A : vector<1x1024xf32> to vector<16x1024xf32>
    %sub3A_1070 = arith.subf %sub3A_1068, %sub3A_1069 : vector<16x1024xf32>
    %abs3A_1071 = math.absf %sub3A_1070 : vector<16x1024xf32>
    %sub3A_1072 = vector.broadcast %get3A_1067 : vector<16x1xf32> to vector<16x1024xf32>
    %sub3A_1073 = vector.broadcast %transpose3A_9 : vector<1x1024xf32> to vector<16x1024xf32>
    %sub3A_1074 = arith.subf %sub3A_1072, %sub3A_1073 : vector<16x1024xf32>
    %abs3A_1075 = math.absf %sub3A_1074 : vector<16x1024xf32>
    %add3A_1076 = arith.addf %abs3A_1071, %abs3A_1075 : vector<16x1024xf32>
    %lt3A_1077 = arith.cmpf olt, %add3A_1076, %select_n3A_1053 : vector<16x1024xf32>
    %select_n3A_1078 = arith.select %lt3A_1077, %add3A_1076, %select_n3A_1053 : vector<16x1024xi1>, vector<16x1024xf32>
    %add3A_1079 = arith.constant 672 : i32
    %add3A_1080 = vector.broadcast %add3A_1079 : i32 to vector<16x1024xi32>
    %add3A_1081 = arith.addi %iota3A, %add3A_1080 : vector<16x1024xi32>
    %select_n3A_1082 = arith.select %lt3A_1077, %add3A_1081, %select_n3A_1057 : vector<16x1024xi1>, vector<16x1024xi32>
    %get3A_1083 = arith.constant 0 : index
    %get3A_1084 = arith.constant 688 : index
    %get3A_1085 = arith.constant 0 : index
    %get3A_1086 = vector.load %arg3[%get3A_1083, %get3A_1084, %get3A_1085] : memref<1x2048x2xf32, #tpu.memory_space<vmem>>, vector<1x16x1xf32>
    %get3A_1087 = vector.shape_cast %get3A_1086 : vector<1x16x1xf32> to vector<16x1xf32>
    %get3A_1088 = arith.constant 0 : index
    %get3A_1089 = arith.constant 688 : index
    %get3A_1090 = arith.constant 1 : index
    %get3A_1091 = vector.load %arg3[%get3A_1088, %get3A_1089, %get3A_1090] : memref<1x2048x2xf32, #tpu.memory_space<vmem>>, vector<1x16x1xf32>
    %get3A_1092 = vector.shape_cast %get3A_1091 : vector<1x16x1xf32> to vector<16x1xf32>
    %sub3A_1093 = vector.broadcast %get3A_1087 : vector<16x1xf32> to vector<16x1024xf32>
    %sub3A_1094 = vector.broadcast %transpose3A : vector<1x1024xf32> to vector<16x1024xf32>
    %sub3A_1095 = arith.subf %sub3A_1093, %sub3A_1094 : vector<16x1024xf32>
    %abs3A_1096 = math.absf %sub3A_1095 : vector<16x1024xf32>
    %sub3A_1097 = vector.broadcast %get3A_1092 : vector<16x1xf32> to vector<16x1024xf32>
    %sub3A_1098 = vector.broadcast %transpose3A_9 : vector<1x1024xf32> to vector<16x1024xf32>
    %sub3A_1099 = arith.subf %sub3A_1097, %sub3A_1098 : vector<16x1024xf32>
    %abs3A_1100 = math.absf %sub3A_1099 : vector<16x1024xf32>
    %add3A_1101 = arith.addf %abs3A_1096, %abs3A_1100 : vector<16x1024xf32>
    %lt3A_1102 = arith.cmpf olt, %add3A_1101, %select_n3A_1078 : vector<16x1024xf32>
    %select_n3A_1103 = arith.select %lt3A_1102, %add3A_1101, %select_n3A_1078 : vector<16x1024xi1>, vector<16x1024xf32>
    %add3A_1104 = arith.constant 688 : i32
    %add3A_1105 = vector.broadcast %add3A_1104 : i32 to vector<16x1024xi32>
    %add3A_1106 = arith.addi %iota3A, %add3A_1105 : vector<16x1024xi32>
    %select_n3A_1107 = arith.select %lt3A_1102, %add3A_1106, %select_n3A_1082 : vector<16x1024xi1>, vector<16x1024xi32>
    %get3A_1108 = arith.constant 0 : index
    %get3A_1109 = arith.constant 704 : index
    %get3A_1110 = arith.constant 0 : index
    %get3A_1111 = vector.load %arg3[%get3A_1108, %get3A_1109, %get3A_1110] : memref<1x2048x2xf32, #tpu.memory_space<vmem>>, vector<1x16x1xf32>
    %get3A_1112 = vector.shape_cast %get3A_1111 : vector<1x16x1xf32> to vector<16x1xf32>
    %get3A_1113 = arith.constant 0 : index
    %get3A_1114 = arith.constant 704 : index
    %get3A_1115 = arith.constant 1 : index
    %get3A_1116 = vector.load %arg3[%get3A_1113, %get3A_1114, %get3A_1115] : memref<1x2048x2xf32, #tpu.memory_space<vmem>>, vector<1x16x1xf32>
    %get3A_1117 = vector.shape_cast %get3A_1116 : vector<1x16x1xf32> to vector<16x1xf32>
    %sub3A_1118 = vector.broadcast %get3A_1112 : vector<16x1xf32> to vector<16x1024xf32>
    %sub3A_1119 = vector.broadcast %transpose3A : vector<1x1024xf32> to vector<16x1024xf32>
    %sub3A_1120 = arith.subf %sub3A_1118, %sub3A_1119 : vector<16x1024xf32>
    %abs3A_1121 = math.absf %sub3A_1120 : vector<16x1024xf32>
    %sub3A_1122 = vector.broadcast %get3A_1117 : vector<16x1xf32> to vector<16x1024xf32>
    %sub3A_1123 = vector.broadcast %transpose3A_9 : vector<1x1024xf32> to vector<16x1024xf32>
    %sub3A_1124 = arith.subf %sub3A_1122, %sub3A_1123 : vector<16x1024xf32>
    %abs3A_1125 = math.absf %sub3A_1124 : vector<16x1024xf32>
    %add3A_1126 = arith.addf %abs3A_1121, %abs3A_1125 : vector<16x1024xf32>
    %lt3A_1127 = arith.cmpf olt, %add3A_1126, %select_n3A_1103 : vector<16x1024xf32>
    %select_n3A_1128 = arith.select %lt3A_1127, %add3A_1126, %select_n3A_1103 : vector<16x1024xi1>, vector<16x1024xf32>
    %add3A_1129 = arith.constant 704 : i32
    %add3A_1130 = vector.broadcast %add3A_1129 : i32 to vector<16x1024xi32>
    %add3A_1131 = arith.addi %iota3A, %add3A_1130 : vector<16x1024xi32>
    %select_n3A_1132 = arith.select %lt3A_1127, %add3A_1131, %select_n3A_1107 : vector<16x1024xi1>, vector<16x1024xi32>
    %get3A_1133 = arith.constant 0 : index
    %get3A_1134 = arith.constant 720 : index
    %get3A_1135 = arith.constant 0 : index
    %get3A_1136 = vector.load %arg3[%get3A_1133, %get3A_1134, %get3A_1135] : memref<1x2048x2xf32, #tpu.memory_space<vmem>>, vector<1x16x1xf32>
    %get3A_1137 = vector.shape_cast %get3A_1136 : vector<1x16x1xf32> to vector<16x1xf32>
    %get3A_1138 = arith.constant 0 : index
    %get3A_1139 = arith.constant 720 : index
    %get3A_1140 = arith.constant 1 : index
    %get3A_1141 = vector.load %arg3[%get3A_1138, %get3A_1139, %get3A_1140] : memref<1x2048x2xf32, #tpu.memory_space<vmem>>, vector<1x16x1xf32>
    %get3A_1142 = vector.shape_cast %get3A_1141 : vector<1x16x1xf32> to vector<16x1xf32>
    %sub3A_1143 = vector.broadcast %get3A_1137 : vector<16x1xf32> to vector<16x1024xf32>
    %sub3A_1144 = vector.broadcast %transpose3A : vector<1x1024xf32> to vector<16x1024xf32>
    %sub3A_1145 = arith.subf %sub3A_1143, %sub3A_1144 : vector<16x1024xf32>
    %abs3A_1146 = math.absf %sub3A_1145 : vector<16x1024xf32>
    %sub3A_1147 = vector.broadcast %get3A_1142 : vector<16x1xf32> to vector<16x1024xf32>
    %sub3A_1148 = vector.broadcast %transpose3A_9 : vector<1x1024xf32> to vector<16x1024xf32>
    %sub3A_1149 = arith.subf %sub3A_1147, %sub3A_1148 : vector<16x1024xf32>
    %abs3A_1150 = math.absf %sub3A_1149 : vector<16x1024xf32>
    %add3A_1151 = arith.addf %abs3A_1146, %abs3A_1150 : vector<16x1024xf32>
    %lt3A_1152 = arith.cmpf olt, %add3A_1151, %select_n3A_1128 : vector<16x1024xf32>
    %select_n3A_1153 = arith.select %lt3A_1152, %add3A_1151, %select_n3A_1128 : vector<16x1024xi1>, vector<16x1024xf32>
    %add3A_1154 = arith.constant 720 : i32
    %add3A_1155 = vector.broadcast %add3A_1154 : i32 to vector<16x1024xi32>
    %add3A_1156 = arith.addi %iota3A, %add3A_1155 : vector<16x1024xi32>
    %select_n3A_1157 = arith.select %lt3A_1152, %add3A_1156, %select_n3A_1132 : vector<16x1024xi1>, vector<16x1024xi32>
    %get3A_1158 = arith.constant 0 : index
    %get3A_1159 = arith.constant 736 : index
    %get3A_1160 = arith.constant 0 : index
    %get3A_1161 = vector.load %arg3[%get3A_1158, %get3A_1159, %get3A_1160] : memref<1x2048x2xf32, #tpu.memory_space<vmem>>, vector<1x16x1xf32>
    %get3A_1162 = vector.shape_cast %get3A_1161 : vector<1x16x1xf32> to vector<16x1xf32>
    %get3A_1163 = arith.constant 0 : index
    %get3A_1164 = arith.constant 736 : index
    %get3A_1165 = arith.constant 1 : index
    %get3A_1166 = vector.load %arg3[%get3A_1163, %get3A_1164, %get3A_1165] : memref<1x2048x2xf32, #tpu.memory_space<vmem>>, vector<1x16x1xf32>
    %get3A_1167 = vector.shape_cast %get3A_1166 : vector<1x16x1xf32> to vector<16x1xf32>
    %sub3A_1168 = vector.broadcast %get3A_1162 : vector<16x1xf32> to vector<16x1024xf32>
    %sub3A_1169 = vector.broadcast %transpose3A : vector<1x1024xf32> to vector<16x1024xf32>
    %sub3A_1170 = arith.subf %sub3A_1168, %sub3A_1169 : vector<16x1024xf32>
    %abs3A_1171 = math.absf %sub3A_1170 : vector<16x1024xf32>
    %sub3A_1172 = vector.broadcast %get3A_1167 : vector<16x1xf32> to vector<16x1024xf32>
    %sub3A_1173 = vector.broadcast %transpose3A_9 : vector<1x1024xf32> to vector<16x1024xf32>
    %sub3A_1174 = arith.subf %sub3A_1172, %sub3A_1173 : vector<16x1024xf32>
    %abs3A_1175 = math.absf %sub3A_1174 : vector<16x1024xf32>
    %add3A_1176 = arith.addf %abs3A_1171, %abs3A_1175 : vector<16x1024xf32>
    %lt3A_1177 = arith.cmpf olt, %add3A_1176, %select_n3A_1153 : vector<16x1024xf32>
    %select_n3A_1178 = arith.select %lt3A_1177, %add3A_1176, %select_n3A_1153 : vector<16x1024xi1>, vector<16x1024xf32>
    %add3A_1179 = arith.constant 736 : i32
    %add3A_1180 = vector.broadcast %add3A_1179 : i32 to vector<16x1024xi32>
    %add3A_1181 = arith.addi %iota3A, %add3A_1180 : vector<16x1024xi32>
    %select_n3A_1182 = arith.select %lt3A_1177, %add3A_1181, %select_n3A_1157 : vector<16x1024xi1>, vector<16x1024xi32>
    %get3A_1183 = arith.constant 0 : index
    %get3A_1184 = arith.constant 752 : index
    %get3A_1185 = arith.constant 0 : index
    %get3A_1186 = vector.load %arg3[%get3A_1183, %get3A_1184, %get3A_1185] : memref<1x2048x2xf32, #tpu.memory_space<vmem>>, vector<1x16x1xf32>
    %get3A_1187 = vector.shape_cast %get3A_1186 : vector<1x16x1xf32> to vector<16x1xf32>
    %get3A_1188 = arith.constant 0 : index
    %get3A_1189 = arith.constant 752 : index
    %get3A_1190 = arith.constant 1 : index
    %get3A_1191 = vector.load %arg3[%get3A_1188, %get3A_1189, %get3A_1190] : memref<1x2048x2xf32, #tpu.memory_space<vmem>>, vector<1x16x1xf32>
    %get3A_1192 = vector.shape_cast %get3A_1191 : vector<1x16x1xf32> to vector<16x1xf32>
    %sub3A_1193 = vector.broadcast %get3A_1187 : vector<16x1xf32> to vector<16x1024xf32>
    %sub3A_1194 = vector.broadcast %transpose3A : vector<1x1024xf32> to vector<16x1024xf32>
    %sub3A_1195 = arith.subf %sub3A_1193, %sub3A_1194 : vector<16x1024xf32>
    %abs3A_1196 = math.absf %sub3A_1195 : vector<16x1024xf32>
    %sub3A_1197 = vector.broadcast %get3A_1192 : vector<16x1xf32> to vector<16x1024xf32>
    %sub3A_1198 = vector.broadcast %transpose3A_9 : vector<1x1024xf32> to vector<16x1024xf32>
    %sub3A_1199 = arith.subf %sub3A_1197, %sub3A_1198 : vector<16x1024xf32>
    %abs3A_1200 = math.absf %sub3A_1199 : vector<16x1024xf32>
    %add3A_1201 = arith.addf %abs3A_1196, %abs3A_1200 : vector<16x1024xf32>
    %lt3A_1202 = arith.cmpf olt, %add3A_1201, %select_n3A_1178 : vector<16x1024xf32>
    %select_n3A_1203 = arith.select %lt3A_1202, %add3A_1201, %select_n3A_1178 : vector<16x1024xi1>, vector<16x1024xf32>
    %add3A_1204 = arith.constant 752 : i32
    %add3A_1205 = vector.broadcast %add3A_1204 : i32 to vector<16x1024xi32>
    %add3A_1206 = arith.addi %iota3A, %add3A_1205 : vector<16x1024xi32>
    %select_n3A_1207 = arith.select %lt3A_1202, %add3A_1206, %select_n3A_1182 : vector<16x1024xi1>, vector<16x1024xi32>
    %get3A_1208 = arith.constant 0 : index
    %get3A_1209 = arith.constant 768 : index
    %get3A_1210 = arith.constant 0 : index
    %get3A_1211 = vector.load %arg3[%get3A_1208, %get3A_1209, %get3A_1210] : memref<1x2048x2xf32, #tpu.memory_space<vmem>>, vector<1x16x1xf32>
    %get3A_1212 = vector.shape_cast %get3A_1211 : vector<1x16x1xf32> to vector<16x1xf32>
    %get3A_1213 = arith.constant 0 : index
    %get3A_1214 = arith.constant 768 : index
    %get3A_1215 = arith.constant 1 : index
    %get3A_1216 = vector.load %arg3[%get3A_1213, %get3A_1214, %get3A_1215] : memref<1x2048x2xf32, #tpu.memory_space<vmem>>, vector<1x16x1xf32>
    %get3A_1217 = vector.shape_cast %get3A_1216 : vector<1x16x1xf32> to vector<16x1xf32>
    %sub3A_1218 = vector.broadcast %get3A_1212 : vector<16x1xf32> to vector<16x1024xf32>
    %sub3A_1219 = vector.broadcast %transpose3A : vector<1x1024xf32> to vector<16x1024xf32>
    %sub3A_1220 = arith.subf %sub3A_1218, %sub3A_1219 : vector<16x1024xf32>
    %abs3A_1221 = math.absf %sub3A_1220 : vector<16x1024xf32>
    %sub3A_1222 = vector.broadcast %get3A_1217 : vector<16x1xf32> to vector<16x1024xf32>
    %sub3A_1223 = vector.broadcast %transpose3A_9 : vector<1x1024xf32> to vector<16x1024xf32>
    %sub3A_1224 = arith.subf %sub3A_1222, %sub3A_1223 : vector<16x1024xf32>
    %abs3A_1225 = math.absf %sub3A_1224 : vector<16x1024xf32>
    %add3A_1226 = arith.addf %abs3A_1221, %abs3A_1225 : vector<16x1024xf32>
    %lt3A_1227 = arith.cmpf olt, %add3A_1226, %select_n3A_1203 : vector<16x1024xf32>
    %select_n3A_1228 = arith.select %lt3A_1227, %add3A_1226, %select_n3A_1203 : vector<16x1024xi1>, vector<16x1024xf32>
    %add3A_1229 = arith.constant 768 : i32
    %add3A_1230 = vector.broadcast %add3A_1229 : i32 to vector<16x1024xi32>
    %add3A_1231 = arith.addi %iota3A, %add3A_1230 : vector<16x1024xi32>
    %select_n3A_1232 = arith.select %lt3A_1227, %add3A_1231, %select_n3A_1207 : vector<16x1024xi1>, vector<16x1024xi32>
    %get3A_1233 = arith.constant 0 : index
    %get3A_1234 = arith.constant 784 : index
    %get3A_1235 = arith.constant 0 : index
    %get3A_1236 = vector.load %arg3[%get3A_1233, %get3A_1234, %get3A_1235] : memref<1x2048x2xf32, #tpu.memory_space<vmem>>, vector<1x16x1xf32>
    %get3A_1237 = vector.shape_cast %get3A_1236 : vector<1x16x1xf32> to vector<16x1xf32>
    %get3A_1238 = arith.constant 0 : index
    %get3A_1239 = arith.constant 784 : index
    %get3A_1240 = arith.constant 1 : index
    %get3A_1241 = vector.load %arg3[%get3A_1238, %get3A_1239, %get3A_1240] : memref<1x2048x2xf32, #tpu.memory_space<vmem>>, vector<1x16x1xf32>
    %get3A_1242 = vector.shape_cast %get3A_1241 : vector<1x16x1xf32> to vector<16x1xf32>
    %sub3A_1243 = vector.broadcast %get3A_1237 : vector<16x1xf32> to vector<16x1024xf32>
    %sub3A_1244 = vector.broadcast %transpose3A : vector<1x1024xf32> to vector<16x1024xf32>
    %sub3A_1245 = arith.subf %sub3A_1243, %sub3A_1244 : vector<16x1024xf32>
    %abs3A_1246 = math.absf %sub3A_1245 : vector<16x1024xf32>
    %sub3A_1247 = vector.broadcast %get3A_1242 : vector<16x1xf32> to vector<16x1024xf32>
    %sub3A_1248 = vector.broadcast %transpose3A_9 : vector<1x1024xf32> to vector<16x1024xf32>
    %sub3A_1249 = arith.subf %sub3A_1247, %sub3A_1248 : vector<16x1024xf32>
    %abs3A_1250 = math.absf %sub3A_1249 : vector<16x1024xf32>
    %add3A_1251 = arith.addf %abs3A_1246, %abs3A_1250 : vector<16x1024xf32>
    %lt3A_1252 = arith.cmpf olt, %add3A_1251, %select_n3A_1228 : vector<16x1024xf32>
    %select_n3A_1253 = arith.select %lt3A_1252, %add3A_1251, %select_n3A_1228 : vector<16x1024xi1>, vector<16x1024xf32>
    %add3A_1254 = arith.constant 784 : i32
    %add3A_1255 = vector.broadcast %add3A_1254 : i32 to vector<16x1024xi32>
    %add3A_1256 = arith.addi %iota3A, %add3A_1255 : vector<16x1024xi32>
    %select_n3A_1257 = arith.select %lt3A_1252, %add3A_1256, %select_n3A_1232 : vector<16x1024xi1>, vector<16x1024xi32>
    %get3A_1258 = arith.constant 0 : index
    %get3A_1259 = arith.constant 800 : index
    %get3A_1260 = arith.constant 0 : index
    %get3A_1261 = vector.load %arg3[%get3A_1258, %get3A_1259, %get3A_1260] : memref<1x2048x2xf32, #tpu.memory_space<vmem>>, vector<1x16x1xf32>
    %get3A_1262 = vector.shape_cast %get3A_1261 : vector<1x16x1xf32> to vector<16x1xf32>
    %get3A_1263 = arith.constant 0 : index
    %get3A_1264 = arith.constant 800 : index
    %get3A_1265 = arith.constant 1 : index
    %get3A_1266 = vector.load %arg3[%get3A_1263, %get3A_1264, %get3A_1265] : memref<1x2048x2xf32, #tpu.memory_space<vmem>>, vector<1x16x1xf32>
    %get3A_1267 = vector.shape_cast %get3A_1266 : vector<1x16x1xf32> to vector<16x1xf32>
    %sub3A_1268 = vector.broadcast %get3A_1262 : vector<16x1xf32> to vector<16x1024xf32>
    %sub3A_1269 = vector.broadcast %transpose3A : vector<1x1024xf32> to vector<16x1024xf32>
    %sub3A_1270 = arith.subf %sub3A_1268, %sub3A_1269 : vector<16x1024xf32>
    %abs3A_1271 = math.absf %sub3A_1270 : vector<16x1024xf32>
    %sub3A_1272 = vector.broadcast %get3A_1267 : vector<16x1xf32> to vector<16x1024xf32>
    %sub3A_1273 = vector.broadcast %transpose3A_9 : vector<1x1024xf32> to vector<16x1024xf32>
    %sub3A_1274 = arith.subf %sub3A_1272, %sub3A_1273 : vector<16x1024xf32>
    %abs3A_1275 = math.absf %sub3A_1274 : vector<16x1024xf32>
    %add3A_1276 = arith.addf %abs3A_1271, %abs3A_1275 : vector<16x1024xf32>
    %lt3A_1277 = arith.cmpf olt, %add3A_1276, %select_n3A_1253 : vector<16x1024xf32>
    %select_n3A_1278 = arith.select %lt3A_1277, %add3A_1276, %select_n3A_1253 : vector<16x1024xi1>, vector<16x1024xf32>
    %add3A_1279 = arith.constant 800 : i32
    %add3A_1280 = vector.broadcast %add3A_1279 : i32 to vector<16x1024xi32>
    %add3A_1281 = arith.addi %iota3A, %add3A_1280 : vector<16x1024xi32>
    %select_n3A_1282 = arith.select %lt3A_1277, %add3A_1281, %select_n3A_1257 : vector<16x1024xi1>, vector<16x1024xi32>
    %get3A_1283 = arith.constant 0 : index
    %get3A_1284 = arith.constant 816 : index
    %get3A_1285 = arith.constant 0 : index
    %get3A_1286 = vector.load %arg3[%get3A_1283, %get3A_1284, %get3A_1285] : memref<1x2048x2xf32, #tpu.memory_space<vmem>>, vector<1x16x1xf32>
    %get3A_1287 = vector.shape_cast %get3A_1286 : vector<1x16x1xf32> to vector<16x1xf32>
    %get3A_1288 = arith.constant 0 : index
    %get3A_1289 = arith.constant 816 : index
    %get3A_1290 = arith.constant 1 : index
    %get3A_1291 = vector.load %arg3[%get3A_1288, %get3A_1289, %get3A_1290] : memref<1x2048x2xf32, #tpu.memory_space<vmem>>, vector<1x16x1xf32>
    %get3A_1292 = vector.shape_cast %get3A_1291 : vector<1x16x1xf32> to vector<16x1xf32>
    %sub3A_1293 = vector.broadcast %get3A_1287 : vector<16x1xf32> to vector<16x1024xf32>
    %sub3A_1294 = vector.broadcast %transpose3A : vector<1x1024xf32> to vector<16x1024xf32>
    %sub3A_1295 = arith.subf %sub3A_1293, %sub3A_1294 : vector<16x1024xf32>
    %abs3A_1296 = math.absf %sub3A_1295 : vector<16x1024xf32>
    %sub3A_1297 = vector.broadcast %get3A_1292 : vector<16x1xf32> to vector<16x1024xf32>
    %sub3A_1298 = vector.broadcast %transpose3A_9 : vector<1x1024xf32> to vector<16x1024xf32>
    %sub3A_1299 = arith.subf %sub3A_1297, %sub3A_1298 : vector<16x1024xf32>
    %abs3A_1300 = math.absf %sub3A_1299 : vector<16x1024xf32>
    %add3A_1301 = arith.addf %abs3A_1296, %abs3A_1300 : vector<16x1024xf32>
    %lt3A_1302 = arith.cmpf olt, %add3A_1301, %select_n3A_1278 : vector<16x1024xf32>
    %select_n3A_1303 = arith.select %lt3A_1302, %add3A_1301, %select_n3A_1278 : vector<16x1024xi1>, vector<16x1024xf32>
    %add3A_1304 = arith.constant 816 : i32
    %add3A_1305 = vector.broadcast %add3A_1304 : i32 to vector<16x1024xi32>
    %add3A_1306 = arith.addi %iota3A, %add3A_1305 : vector<16x1024xi32>
    %select_n3A_1307 = arith.select %lt3A_1302, %add3A_1306, %select_n3A_1282 : vector<16x1024xi1>, vector<16x1024xi32>
    %get3A_1308 = arith.constant 0 : index
    %get3A_1309 = arith.constant 832 : index
    %get3A_1310 = arith.constant 0 : index
    %get3A_1311 = vector.load %arg3[%get3A_1308, %get3A_1309, %get3A_1310] : memref<1x2048x2xf32, #tpu.memory_space<vmem>>, vector<1x16x1xf32>
    %get3A_1312 = vector.shape_cast %get3A_1311 : vector<1x16x1xf32> to vector<16x1xf32>
    %get3A_1313 = arith.constant 0 : index
    %get3A_1314 = arith.constant 832 : index
    %get3A_1315 = arith.constant 1 : index
    %get3A_1316 = vector.load %arg3[%get3A_1313, %get3A_1314, %get3A_1315] : memref<1x2048x2xf32, #tpu.memory_space<vmem>>, vector<1x16x1xf32>
    %get3A_1317 = vector.shape_cast %get3A_1316 : vector<1x16x1xf32> to vector<16x1xf32>
    %sub3A_1318 = vector.broadcast %get3A_1312 : vector<16x1xf32> to vector<16x1024xf32>
    %sub3A_1319 = vector.broadcast %transpose3A : vector<1x1024xf32> to vector<16x1024xf32>
    %sub3A_1320 = arith.subf %sub3A_1318, %sub3A_1319 : vector<16x1024xf32>
    %abs3A_1321 = math.absf %sub3A_1320 : vector<16x1024xf32>
    %sub3A_1322 = vector.broadcast %get3A_1317 : vector<16x1xf32> to vector<16x1024xf32>
    %sub3A_1323 = vector.broadcast %transpose3A_9 : vector<1x1024xf32> to vector<16x1024xf32>
    %sub3A_1324 = arith.subf %sub3A_1322, %sub3A_1323 : vector<16x1024xf32>
    %abs3A_1325 = math.absf %sub3A_1324 : vector<16x1024xf32>
    %add3A_1326 = arith.addf %abs3A_1321, %abs3A_1325 : vector<16x1024xf32>
    %lt3A_1327 = arith.cmpf olt, %add3A_1326, %select_n3A_1303 : vector<16x1024xf32>
    %select_n3A_1328 = arith.select %lt3A_1327, %add3A_1326, %select_n3A_1303 : vector<16x1024xi1>, vector<16x1024xf32>
    %add3A_1329 = arith.constant 832 : i32
    %add3A_1330 = vector.broadcast %add3A_1329 : i32 to vector<16x1024xi32>
    %add3A_1331 = arith.addi %iota3A, %add3A_1330 : vector<16x1024xi32>
    %select_n3A_1332 = arith.select %lt3A_1327, %add3A_1331, %select_n3A_1307 : vector<16x1024xi1>, vector<16x1024xi32>
    %get3A_1333 = arith.constant 0 : index
    %get3A_1334 = arith.constant 848 : index
    %get3A_1335 = arith.constant 0 : index
    %get3A_1336 = vector.load %arg3[%get3A_1333, %get3A_1334, %get3A_1335] : memref<1x2048x2xf32, #tpu.memory_space<vmem>>, vector<1x16x1xf32>
    %get3A_1337 = vector.shape_cast %get3A_1336 : vector<1x16x1xf32> to vector<16x1xf32>
    %get3A_1338 = arith.constant 0 : index
    %get3A_1339 = arith.constant 848 : index
    %get3A_1340 = arith.constant 1 : index
    %get3A_1341 = vector.load %arg3[%get3A_1338, %get3A_1339, %get3A_1340] : memref<1x2048x2xf32, #tpu.memory_space<vmem>>, vector<1x16x1xf32>
    %get3A_1342 = vector.shape_cast %get3A_1341 : vector<1x16x1xf32> to vector<16x1xf32>
    %sub3A_1343 = vector.broadcast %get3A_1337 : vector<16x1xf32> to vector<16x1024xf32>
    %sub3A_1344 = vector.broadcast %transpose3A : vector<1x1024xf32> to vector<16x1024xf32>
    %sub3A_1345 = arith.subf %sub3A_1343, %sub3A_1344 : vector<16x1024xf32>
    %abs3A_1346 = math.absf %sub3A_1345 : vector<16x1024xf32>
    %sub3A_1347 = vector.broadcast %get3A_1342 : vector<16x1xf32> to vector<16x1024xf32>
    %sub3A_1348 = vector.broadcast %transpose3A_9 : vector<1x1024xf32> to vector<16x1024xf32>
    %sub3A_1349 = arith.subf %sub3A_1347, %sub3A_1348 : vector<16x1024xf32>
    %abs3A_1350 = math.absf %sub3A_1349 : vector<16x1024xf32>
    %add3A_1351 = arith.addf %abs3A_1346, %abs3A_1350 : vector<16x1024xf32>
    %lt3A_1352 = arith.cmpf olt, %add3A_1351, %select_n3A_1328 : vector<16x1024xf32>
    %select_n3A_1353 = arith.select %lt3A_1352, %add3A_1351, %select_n3A_1328 : vector<16x1024xi1>, vector<16x1024xf32>
    %add3A_1354 = arith.constant 848 : i32
    %add3A_1355 = vector.broadcast %add3A_1354 : i32 to vector<16x1024xi32>
    %add3A_1356 = arith.addi %iota3A, %add3A_1355 : vector<16x1024xi32>
    %select_n3A_1357 = arith.select %lt3A_1352, %add3A_1356, %select_n3A_1332 : vector<16x1024xi1>, vector<16x1024xi32>
    %get3A_1358 = arith.constant 0 : index
    %get3A_1359 = arith.constant 864 : index
    %get3A_1360 = arith.constant 0 : index
    %get3A_1361 = vector.load %arg3[%get3A_1358, %get3A_1359, %get3A_1360] : memref<1x2048x2xf32, #tpu.memory_space<vmem>>, vector<1x16x1xf32>
    %get3A_1362 = vector.shape_cast %get3A_1361 : vector<1x16x1xf32> to vector<16x1xf32>
    %get3A_1363 = arith.constant 0 : index
    %get3A_1364 = arith.constant 864 : index
    %get3A_1365 = arith.constant 1 : index
    %get3A_1366 = vector.load %arg3[%get3A_1363, %get3A_1364, %get3A_1365] : memref<1x2048x2xf32, #tpu.memory_space<vmem>>, vector<1x16x1xf32>
    %get3A_1367 = vector.shape_cast %get3A_1366 : vector<1x16x1xf32> to vector<16x1xf32>
    %sub3A_1368 = vector.broadcast %get3A_1362 : vector<16x1xf32> to vector<16x1024xf32>
    %sub3A_1369 = vector.broadcast %transpose3A : vector<1x1024xf32> to vector<16x1024xf32>
    %sub3A_1370 = arith.subf %sub3A_1368, %sub3A_1369 : vector<16x1024xf32>
    %abs3A_1371 = math.absf %sub3A_1370 : vector<16x1024xf32>
    %sub3A_1372 = vector.broadcast %get3A_1367 : vector<16x1xf32> to vector<16x1024xf32>
    %sub3A_1373 = vector.broadcast %transpose3A_9 : vector<1x1024xf32> to vector<16x1024xf32>
    %sub3A_1374 = arith.subf %sub3A_1372, %sub3A_1373 : vector<16x1024xf32>
    %abs3A_1375 = math.absf %sub3A_1374 : vector<16x1024xf32>
    %add3A_1376 = arith.addf %abs3A_1371, %abs3A_1375 : vector<16x1024xf32>
    %lt3A_1377 = arith.cmpf olt, %add3A_1376, %select_n3A_1353 : vector<16x1024xf32>
    %select_n3A_1378 = arith.select %lt3A_1377, %add3A_1376, %select_n3A_1353 : vector<16x1024xi1>, vector<16x1024xf32>
    %add3A_1379 = arith.constant 864 : i32
    %add3A_1380 = vector.broadcast %add3A_1379 : i32 to vector<16x1024xi32>
    %add3A_1381 = arith.addi %iota3A, %add3A_1380 : vector<16x1024xi32>
    %select_n3A_1382 = arith.select %lt3A_1377, %add3A_1381, %select_n3A_1357 : vector<16x1024xi1>, vector<16x1024xi32>
    %get3A_1383 = arith.constant 0 : index
    %get3A_1384 = arith.constant 880 : index
    %get3A_1385 = arith.constant 0 : index
    %get3A_1386 = vector.load %arg3[%get3A_1383, %get3A_1384, %get3A_1385] : memref<1x2048x2xf32, #tpu.memory_space<vmem>>, vector<1x16x1xf32>
    %get3A_1387 = vector.shape_cast %get3A_1386 : vector<1x16x1xf32> to vector<16x1xf32>
    %get3A_1388 = arith.constant 0 : index
    %get3A_1389 = arith.constant 880 : index
    %get3A_1390 = arith.constant 1 : index
    %get3A_1391 = vector.load %arg3[%get3A_1388, %get3A_1389, %get3A_1390] : memref<1x2048x2xf32, #tpu.memory_space<vmem>>, vector<1x16x1xf32>
    %get3A_1392 = vector.shape_cast %get3A_1391 : vector<1x16x1xf32> to vector<16x1xf32>
    %sub3A_1393 = vector.broadcast %get3A_1387 : vector<16x1xf32> to vector<16x1024xf32>
    %sub3A_1394 = vector.broadcast %transpose3A : vector<1x1024xf32> to vector<16x1024xf32>
    %sub3A_1395 = arith.subf %sub3A_1393, %sub3A_1394 : vector<16x1024xf32>
    %abs3A_1396 = math.absf %sub3A_1395 : vector<16x1024xf32>
    %sub3A_1397 = vector.broadcast %get3A_1392 : vector<16x1xf32> to vector<16x1024xf32>
    %sub3A_1398 = vector.broadcast %transpose3A_9 : vector<1x1024xf32> to vector<16x1024xf32>
    %sub3A_1399 = arith.subf %sub3A_1397, %sub3A_1398 : vector<16x1024xf32>
    %abs3A_1400 = math.absf %sub3A_1399 : vector<16x1024xf32>
    %add3A_1401 = arith.addf %abs3A_1396, %abs3A_1400 : vector<16x1024xf32>
    %lt3A_1402 = arith.cmpf olt, %add3A_1401, %select_n3A_1378 : vector<16x1024xf32>
    %select_n3A_1403 = arith.select %lt3A_1402, %add3A_1401, %select_n3A_1378 : vector<16x1024xi1>, vector<16x1024xf32>
    %add3A_1404 = arith.constant 880 : i32
    %add3A_1405 = vector.broadcast %add3A_1404 : i32 to vector<16x1024xi32>
    %add3A_1406 = arith.addi %iota3A, %add3A_1405 : vector<16x1024xi32>
    %select_n3A_1407 = arith.select %lt3A_1402, %add3A_1406, %select_n3A_1382 : vector<16x1024xi1>, vector<16x1024xi32>
    %get3A_1408 = arith.constant 0 : index
    %get3A_1409 = arith.constant 896 : index
    %get3A_1410 = arith.constant 0 : index
    %get3A_1411 = vector.load %arg3[%get3A_1408, %get3A_1409, %get3A_1410] : memref<1x2048x2xf32, #tpu.memory_space<vmem>>, vector<1x16x1xf32>
    %get3A_1412 = vector.shape_cast %get3A_1411 : vector<1x16x1xf32> to vector<16x1xf32>
    %get3A_1413 = arith.constant 0 : index
    %get3A_1414 = arith.constant 896 : index
    %get3A_1415 = arith.constant 1 : index
    %get3A_1416 = vector.load %arg3[%get3A_1413, %get3A_1414, %get3A_1415] : memref<1x2048x2xf32, #tpu.memory_space<vmem>>, vector<1x16x1xf32>
    %get3A_1417 = vector.shape_cast %get3A_1416 : vector<1x16x1xf32> to vector<16x1xf32>
    %sub3A_1418 = vector.broadcast %get3A_1412 : vector<16x1xf32> to vector<16x1024xf32>
    %sub3A_1419 = vector.broadcast %transpose3A : vector<1x1024xf32> to vector<16x1024xf32>
    %sub3A_1420 = arith.subf %sub3A_1418, %sub3A_1419 : vector<16x1024xf32>
    %abs3A_1421 = math.absf %sub3A_1420 : vector<16x1024xf32>
    %sub3A_1422 = vector.broadcast %get3A_1417 : vector<16x1xf32> to vector<16x1024xf32>
    %sub3A_1423 = vector.broadcast %transpose3A_9 : vector<1x1024xf32> to vector<16x1024xf32>
    %sub3A_1424 = arith.subf %sub3A_1422, %sub3A_1423 : vector<16x1024xf32>
    %abs3A_1425 = math.absf %sub3A_1424 : vector<16x1024xf32>
    %add3A_1426 = arith.addf %abs3A_1421, %abs3A_1425 : vector<16x1024xf32>
    %lt3A_1427 = arith.cmpf olt, %add3A_1426, %select_n3A_1403 : vector<16x1024xf32>
    %select_n3A_1428 = arith.select %lt3A_1427, %add3A_1426, %select_n3A_1403 : vector<16x1024xi1>, vector<16x1024xf32>
    %add3A_1429 = arith.constant 896 : i32
    %add3A_1430 = vector.broadcast %add3A_1429 : i32 to vector<16x1024xi32>
    %add3A_1431 = arith.addi %iota3A, %add3A_1430 : vector<16x1024xi32>
    %select_n3A_1432 = arith.select %lt3A_1427, %add3A_1431, %select_n3A_1407 : vector<16x1024xi1>, vector<16x1024xi32>
    %get3A_1433 = arith.constant 0 : index
    %get3A_1434 = arith.constant 912 : index
    %get3A_1435 = arith.constant 0 : index
    %get3A_1436 = vector.load %arg3[%get3A_1433, %get3A_1434, %get3A_1435] : memref<1x2048x2xf32, #tpu.memory_space<vmem>>, vector<1x16x1xf32>
    %get3A_1437 = vector.shape_cast %get3A_1436 : vector<1x16x1xf32> to vector<16x1xf32>
    %get3A_1438 = arith.constant 0 : index
    %get3A_1439 = arith.constant 912 : index
    %get3A_1440 = arith.constant 1 : index
    %get3A_1441 = vector.load %arg3[%get3A_1438, %get3A_1439, %get3A_1440] : memref<1x2048x2xf32, #tpu.memory_space<vmem>>, vector<1x16x1xf32>
    %get3A_1442 = vector.shape_cast %get3A_1441 : vector<1x16x1xf32> to vector<16x1xf32>
    %sub3A_1443 = vector.broadcast %get3A_1437 : vector<16x1xf32> to vector<16x1024xf32>
    %sub3A_1444 = vector.broadcast %transpose3A : vector<1x1024xf32> to vector<16x1024xf32>
    %sub3A_1445 = arith.subf %sub3A_1443, %sub3A_1444 : vector<16x1024xf32>
    %abs3A_1446 = math.absf %sub3A_1445 : vector<16x1024xf32>
    %sub3A_1447 = vector.broadcast %get3A_1442 : vector<16x1xf32> to vector<16x1024xf32>
    %sub3A_1448 = vector.broadcast %transpose3A_9 : vector<1x1024xf32> to vector<16x1024xf32>
    %sub3A_1449 = arith.subf %sub3A_1447, %sub3A_1448 : vector<16x1024xf32>
    %abs3A_1450 = math.absf %sub3A_1449 : vector<16x1024xf32>
    %add3A_1451 = arith.addf %abs3A_1446, %abs3A_1450 : vector<16x1024xf32>
    %lt3A_1452 = arith.cmpf olt, %add3A_1451, %select_n3A_1428 : vector<16x1024xf32>
    %select_n3A_1453 = arith.select %lt3A_1452, %add3A_1451, %select_n3A_1428 : vector<16x1024xi1>, vector<16x1024xf32>
    %add3A_1454 = arith.constant 912 : i32
    %add3A_1455 = vector.broadcast %add3A_1454 : i32 to vector<16x1024xi32>
    %add3A_1456 = arith.addi %iota3A, %add3A_1455 : vector<16x1024xi32>
    %select_n3A_1457 = arith.select %lt3A_1452, %add3A_1456, %select_n3A_1432 : vector<16x1024xi1>, vector<16x1024xi32>
    %get3A_1458 = arith.constant 0 : index
    %get3A_1459 = arith.constant 928 : index
    %get3A_1460 = arith.constant 0 : index
    %get3A_1461 = vector.load %arg3[%get3A_1458, %get3A_1459, %get3A_1460] : memref<1x2048x2xf32, #tpu.memory_space<vmem>>, vector<1x16x1xf32>
    %get3A_1462 = vector.shape_cast %get3A_1461 : vector<1x16x1xf32> to vector<16x1xf32>
    %get3A_1463 = arith.constant 0 : index
    %get3A_1464 = arith.constant 928 : index
    %get3A_1465 = arith.constant 1 : index
    %get3A_1466 = vector.load %arg3[%get3A_1463, %get3A_1464, %get3A_1465] : memref<1x2048x2xf32, #tpu.memory_space<vmem>>, vector<1x16x1xf32>
    %get3A_1467 = vector.shape_cast %get3A_1466 : vector<1x16x1xf32> to vector<16x1xf32>
    %sub3A_1468 = vector.broadcast %get3A_1462 : vector<16x1xf32> to vector<16x1024xf32>
    %sub3A_1469 = vector.broadcast %transpose3A : vector<1x1024xf32> to vector<16x1024xf32>
    %sub3A_1470 = arith.subf %sub3A_1468, %sub3A_1469 : vector<16x1024xf32>
    %abs3A_1471 = math.absf %sub3A_1470 : vector<16x1024xf32>
    %sub3A_1472 = vector.broadcast %get3A_1467 : vector<16x1xf32> to vector<16x1024xf32>
    %sub3A_1473 = vector.broadcast %transpose3A_9 : vector<1x1024xf32> to vector<16x1024xf32>
    %sub3A_1474 = arith.subf %sub3A_1472, %sub3A_1473 : vector<16x1024xf32>
    %abs3A_1475 = math.absf %sub3A_1474 : vector<16x1024xf32>
    %add3A_1476 = arith.addf %abs3A_1471, %abs3A_1475 : vector<16x1024xf32>
    %lt3A_1477 = arith.cmpf olt, %add3A_1476, %select_n3A_1453 : vector<16x1024xf32>
    %select_n3A_1478 = arith.select %lt3A_1477, %add3A_1476, %select_n3A_1453 : vector<16x1024xi1>, vector<16x1024xf32>
    %add3A_1479 = arith.constant 928 : i32
    %add3A_1480 = vector.broadcast %add3A_1479 : i32 to vector<16x1024xi32>
    %add3A_1481 = arith.addi %iota3A, %add3A_1480 : vector<16x1024xi32>
    %select_n3A_1482 = arith.select %lt3A_1477, %add3A_1481, %select_n3A_1457 : vector<16x1024xi1>, vector<16x1024xi32>
    %get3A_1483 = arith.constant 0 : index
    %get3A_1484 = arith.constant 944 : index
    %get3A_1485 = arith.constant 0 : index
    %get3A_1486 = vector.load %arg3[%get3A_1483, %get3A_1484, %get3A_1485] : memref<1x2048x2xf32, #tpu.memory_space<vmem>>, vector<1x16x1xf32>
    %get3A_1487 = vector.shape_cast %get3A_1486 : vector<1x16x1xf32> to vector<16x1xf32>
    %get3A_1488 = arith.constant 0 : index
    %get3A_1489 = arith.constant 944 : index
    %get3A_1490 = arith.constant 1 : index
    %get3A_1491 = vector.load %arg3[%get3A_1488, %get3A_1489, %get3A_1490] : memref<1x2048x2xf32, #tpu.memory_space<vmem>>, vector<1x16x1xf32>
    %get3A_1492 = vector.shape_cast %get3A_1491 : vector<1x16x1xf32> to vector<16x1xf32>
    %sub3A_1493 = vector.broadcast %get3A_1487 : vector<16x1xf32> to vector<16x1024xf32>
    %sub3A_1494 = vector.broadcast %transpose3A : vector<1x1024xf32> to vector<16x1024xf32>
    %sub3A_1495 = arith.subf %sub3A_1493, %sub3A_1494 : vector<16x1024xf32>
    %abs3A_1496 = math.absf %sub3A_1495 : vector<16x1024xf32>
    %sub3A_1497 = vector.broadcast %get3A_1492 : vector<16x1xf32> to vector<16x1024xf32>
    %sub3A_1498 = vector.broadcast %transpose3A_9 : vector<1x1024xf32> to vector<16x1024xf32>
    %sub3A_1499 = arith.subf %sub3A_1497, %sub3A_1498 : vector<16x1024xf32>
    %abs3A_1500 = math.absf %sub3A_1499 : vector<16x1024xf32>
    %add3A_1501 = arith.addf %abs3A_1496, %abs3A_1500 : vector<16x1024xf32>
    %lt3A_1502 = arith.cmpf olt, %add3A_1501, %select_n3A_1478 : vector<16x1024xf32>
    %select_n3A_1503 = arith.select %lt3A_1502, %add3A_1501, %select_n3A_1478 : vector<16x1024xi1>, vector<16x1024xf32>
    %add3A_1504 = arith.constant 944 : i32
    %add3A_1505 = vector.broadcast %add3A_1504 : i32 to vector<16x1024xi32>
    %add3A_1506 = arith.addi %iota3A, %add3A_1505 : vector<16x1024xi32>
    %select_n3A_1507 = arith.select %lt3A_1502, %add3A_1506, %select_n3A_1482 : vector<16x1024xi1>, vector<16x1024xi32>
    %get3A_1508 = arith.constant 0 : index
    %get3A_1509 = arith.constant 960 : index
    %get3A_1510 = arith.constant 0 : index
    %get3A_1511 = vector.load %arg3[%get3A_1508, %get3A_1509, %get3A_1510] : memref<1x2048x2xf32, #tpu.memory_space<vmem>>, vector<1x16x1xf32>
    %get3A_1512 = vector.shape_cast %get3A_1511 : vector<1x16x1xf32> to vector<16x1xf32>
    %get3A_1513 = arith.constant 0 : index
    %get3A_1514 = arith.constant 960 : index
    %get3A_1515 = arith.constant 1 : index
    %get3A_1516 = vector.load %arg3[%get3A_1513, %get3A_1514, %get3A_1515] : memref<1x2048x2xf32, #tpu.memory_space<vmem>>, vector<1x16x1xf32>
    %get3A_1517 = vector.shape_cast %get3A_1516 : vector<1x16x1xf32> to vector<16x1xf32>
    %sub3A_1518 = vector.broadcast %get3A_1512 : vector<16x1xf32> to vector<16x1024xf32>
    %sub3A_1519 = vector.broadcast %transpose3A : vector<1x1024xf32> to vector<16x1024xf32>
    %sub3A_1520 = arith.subf %sub3A_1518, %sub3A_1519 : vector<16x1024xf32>
    %abs3A_1521 = math.absf %sub3A_1520 : vector<16x1024xf32>
    %sub3A_1522 = vector.broadcast %get3A_1517 : vector<16x1xf32> to vector<16x1024xf32>
    %sub3A_1523 = vector.broadcast %transpose3A_9 : vector<1x1024xf32> to vector<16x1024xf32>
    %sub3A_1524 = arith.subf %sub3A_1522, %sub3A_1523 : vector<16x1024xf32>
    %abs3A_1525 = math.absf %sub3A_1524 : vector<16x1024xf32>
    %add3A_1526 = arith.addf %abs3A_1521, %abs3A_1525 : vector<16x1024xf32>
    %lt3A_1527 = arith.cmpf olt, %add3A_1526, %select_n3A_1503 : vector<16x1024xf32>
    %select_n3A_1528 = arith.select %lt3A_1527, %add3A_1526, %select_n3A_1503 : vector<16x1024xi1>, vector<16x1024xf32>
    %add3A_1529 = arith.constant 960 : i32
    %add3A_1530 = vector.broadcast %add3A_1529 : i32 to vector<16x1024xi32>
    %add3A_1531 = arith.addi %iota3A, %add3A_1530 : vector<16x1024xi32>
    %select_n3A_1532 = arith.select %lt3A_1527, %add3A_1531, %select_n3A_1507 : vector<16x1024xi1>, vector<16x1024xi32>
    %get3A_1533 = arith.constant 0 : index
    %get3A_1534 = arith.constant 976 : index
    %get3A_1535 = arith.constant 0 : index
    %get3A_1536 = vector.load %arg3[%get3A_1533, %get3A_1534, %get3A_1535] : memref<1x2048x2xf32, #tpu.memory_space<vmem>>, vector<1x16x1xf32>
    %get3A_1537 = vector.shape_cast %get3A_1536 : vector<1x16x1xf32> to vector<16x1xf32>
    %get3A_1538 = arith.constant 0 : index
    %get3A_1539 = arith.constant 976 : index
    %get3A_1540 = arith.constant 1 : index
    %get3A_1541 = vector.load %arg3[%get3A_1538, %get3A_1539, %get3A_1540] : memref<1x2048x2xf32, #tpu.memory_space<vmem>>, vector<1x16x1xf32>
    %get3A_1542 = vector.shape_cast %get3A_1541 : vector<1x16x1xf32> to vector<16x1xf32>
    %sub3A_1543 = vector.broadcast %get3A_1537 : vector<16x1xf32> to vector<16x1024xf32>
    %sub3A_1544 = vector.broadcast %transpose3A : vector<1x1024xf32> to vector<16x1024xf32>
    %sub3A_1545 = arith.subf %sub3A_1543, %sub3A_1544 : vector<16x1024xf32>
    %abs3A_1546 = math.absf %sub3A_1545 : vector<16x1024xf32>
    %sub3A_1547 = vector.broadcast %get3A_1542 : vector<16x1xf32> to vector<16x1024xf32>
    %sub3A_1548 = vector.broadcast %transpose3A_9 : vector<1x1024xf32> to vector<16x1024xf32>
    %sub3A_1549 = arith.subf %sub3A_1547, %sub3A_1548 : vector<16x1024xf32>
    %abs3A_1550 = math.absf %sub3A_1549 : vector<16x1024xf32>
    %add3A_1551 = arith.addf %abs3A_1546, %abs3A_1550 : vector<16x1024xf32>
    %lt3A_1552 = arith.cmpf olt, %add3A_1551, %select_n3A_1528 : vector<16x1024xf32>
    %select_n3A_1553 = arith.select %lt3A_1552, %add3A_1551, %select_n3A_1528 : vector<16x1024xi1>, vector<16x1024xf32>
    %add3A_1554 = arith.constant 976 : i32
    %add3A_1555 = vector.broadcast %add3A_1554 : i32 to vector<16x1024xi32>
    %add3A_1556 = arith.addi %iota3A, %add3A_1555 : vector<16x1024xi32>
    %select_n3A_1557 = arith.select %lt3A_1552, %add3A_1556, %select_n3A_1532 : vector<16x1024xi1>, vector<16x1024xi32>
    %get3A_1558 = arith.constant 0 : index
    %get3A_1559 = arith.constant 992 : index
    %get3A_1560 = arith.constant 0 : index
    %get3A_1561 = vector.load %arg3[%get3A_1558, %get3A_1559, %get3A_1560] : memref<1x2048x2xf32, #tpu.memory_space<vmem>>, vector<1x16x1xf32>
    %get3A_1562 = vector.shape_cast %get3A_1561 : vector<1x16x1xf32> to vector<16x1xf32>
    %get3A_1563 = arith.constant 0 : index
    %get3A_1564 = arith.constant 992 : index
    %get3A_1565 = arith.constant 1 : index
    %get3A_1566 = vector.load %arg3[%get3A_1563, %get3A_1564, %get3A_1565] : memref<1x2048x2xf32, #tpu.memory_space<vmem>>, vector<1x16x1xf32>
    %get3A_1567 = vector.shape_cast %get3A_1566 : vector<1x16x1xf32> to vector<16x1xf32>
    %sub3A_1568 = vector.broadcast %get3A_1562 : vector<16x1xf32> to vector<16x1024xf32>
    %sub3A_1569 = vector.broadcast %transpose3A : vector<1x1024xf32> to vector<16x1024xf32>
    %sub3A_1570 = arith.subf %sub3A_1568, %sub3A_1569 : vector<16x1024xf32>
    %abs3A_1571 = math.absf %sub3A_1570 : vector<16x1024xf32>
    %sub3A_1572 = vector.broadcast %get3A_1567 : vector<16x1xf32> to vector<16x1024xf32>
    %sub3A_1573 = vector.broadcast %transpose3A_9 : vector<1x1024xf32> to vector<16x1024xf32>
    %sub3A_1574 = arith.subf %sub3A_1572, %sub3A_1573 : vector<16x1024xf32>
    %abs3A_1575 = math.absf %sub3A_1574 : vector<16x1024xf32>
    %add3A_1576 = arith.addf %abs3A_1571, %abs3A_1575 : vector<16x1024xf32>
    %lt3A_1577 = arith.cmpf olt, %add3A_1576, %select_n3A_1553 : vector<16x1024xf32>
    %select_n3A_1578 = arith.select %lt3A_1577, %add3A_1576, %select_n3A_1553 : vector<16x1024xi1>, vector<16x1024xf32>
    %add3A_1579 = arith.constant 992 : i32
    %add3A_1580 = vector.broadcast %add3A_1579 : i32 to vector<16x1024xi32>
    %add3A_1581 = arith.addi %iota3A, %add3A_1580 : vector<16x1024xi32>
    %select_n3A_1582 = arith.select %lt3A_1577, %add3A_1581, %select_n3A_1557 : vector<16x1024xi1>, vector<16x1024xi32>
    %get3A_1583 = arith.constant 0 : index
    %get3A_1584 = arith.constant 1008 : index
    %get3A_1585 = arith.constant 0 : index
    %get3A_1586 = vector.load %arg3[%get3A_1583, %get3A_1584, %get3A_1585] : memref<1x2048x2xf32, #tpu.memory_space<vmem>>, vector<1x16x1xf32>
    %get3A_1587 = vector.shape_cast %get3A_1586 : vector<1x16x1xf32> to vector<16x1xf32>
    %get3A_1588 = arith.constant 0 : index
    %get3A_1589 = arith.constant 1008 : index
    %get3A_1590 = arith.constant 1 : index
    %get3A_1591 = vector.load %arg3[%get3A_1588, %get3A_1589, %get3A_1590] : memref<1x2048x2xf32, #tpu.memory_space<vmem>>, vector<1x16x1xf32>
    %get3A_1592 = vector.shape_cast %get3A_1591 : vector<1x16x1xf32> to vector<16x1xf32>
    %sub3A_1593 = vector.broadcast %get3A_1587 : vector<16x1xf32> to vector<16x1024xf32>
    %sub3A_1594 = vector.broadcast %transpose3A : vector<1x1024xf32> to vector<16x1024xf32>
    %sub3A_1595 = arith.subf %sub3A_1593, %sub3A_1594 : vector<16x1024xf32>
    %abs3A_1596 = math.absf %sub3A_1595 : vector<16x1024xf32>
    %sub3A_1597 = vector.broadcast %get3A_1592 : vector<16x1xf32> to vector<16x1024xf32>
    %sub3A_1598 = vector.broadcast %transpose3A_9 : vector<1x1024xf32> to vector<16x1024xf32>
    %sub3A_1599 = arith.subf %sub3A_1597, %sub3A_1598 : vector<16x1024xf32>
    %abs3A_1600 = math.absf %sub3A_1599 : vector<16x1024xf32>
    %add3A_1601 = arith.addf %abs3A_1596, %abs3A_1600 : vector<16x1024xf32>
    %lt3A_1602 = arith.cmpf olt, %add3A_1601, %select_n3A_1578 : vector<16x1024xf32>
    %select_n3A_1603 = arith.select %lt3A_1602, %add3A_1601, %select_n3A_1578 : vector<16x1024xi1>, vector<16x1024xf32>
    %add3A_1604 = arith.constant 1008 : i32
    %add3A_1605 = vector.broadcast %add3A_1604 : i32 to vector<16x1024xi32>
    %add3A_1606 = arith.addi %iota3A, %add3A_1605 : vector<16x1024xi32>
    %select_n3A_1607 = arith.select %lt3A_1602, %add3A_1606, %select_n3A_1582 : vector<16x1024xi1>, vector<16x1024xi32>
    %get3A_1608 = arith.constant 0 : index
    %get3A_1609 = arith.constant 1024 : index
    %get3A_1610 = arith.constant 0 : index
    %get3A_1611 = vector.load %arg3[%get3A_1608, %get3A_1609, %get3A_1610] : memref<1x2048x2xf32, #tpu.memory_space<vmem>>, vector<1x16x1xf32>
    %get3A_1612 = vector.shape_cast %get3A_1611 : vector<1x16x1xf32> to vector<16x1xf32>
    %get3A_1613 = arith.constant 0 : index
    %get3A_1614 = arith.constant 1024 : index
    %get3A_1615 = arith.constant 1 : index
    %get3A_1616 = vector.load %arg3[%get3A_1613, %get3A_1614, %get3A_1615] : memref<1x2048x2xf32, #tpu.memory_space<vmem>>, vector<1x16x1xf32>
    %get3A_1617 = vector.shape_cast %get3A_1616 : vector<1x16x1xf32> to vector<16x1xf32>
    %sub3A_1618 = vector.broadcast %get3A_1612 : vector<16x1xf32> to vector<16x1024xf32>
    %sub3A_1619 = vector.broadcast %transpose3A : vector<1x1024xf32> to vector<16x1024xf32>
    %sub3A_1620 = arith.subf %sub3A_1618, %sub3A_1619 : vector<16x1024xf32>
    %abs3A_1621 = math.absf %sub3A_1620 : vector<16x1024xf32>
    %sub3A_1622 = vector.broadcast %get3A_1617 : vector<16x1xf32> to vector<16x1024xf32>
    %sub3A_1623 = vector.broadcast %transpose3A_9 : vector<1x1024xf32> to vector<16x1024xf32>
    %sub3A_1624 = arith.subf %sub3A_1622, %sub3A_1623 : vector<16x1024xf32>
    %abs3A_1625 = math.absf %sub3A_1624 : vector<16x1024xf32>
    %add3A_1626 = arith.addf %abs3A_1621, %abs3A_1625 : vector<16x1024xf32>
    %lt3A_1627 = arith.cmpf olt, %add3A_1626, %select_n3A_1603 : vector<16x1024xf32>
    %select_n3A_1628 = arith.select %lt3A_1627, %add3A_1626, %select_n3A_1603 : vector<16x1024xi1>, vector<16x1024xf32>
    %add3A_1629 = arith.constant 1024 : i32
    %add3A_1630 = vector.broadcast %add3A_1629 : i32 to vector<16x1024xi32>
    %add3A_1631 = arith.addi %iota3A, %add3A_1630 : vector<16x1024xi32>
    %select_n3A_1632 = arith.select %lt3A_1627, %add3A_1631, %select_n3A_1607 : vector<16x1024xi1>, vector<16x1024xi32>
    %get3A_1633 = arith.constant 0 : index
    %get3A_1634 = arith.constant 1040 : index
    %get3A_1635 = arith.constant 0 : index
    %get3A_1636 = vector.load %arg3[%get3A_1633, %get3A_1634, %get3A_1635] : memref<1x2048x2xf32, #tpu.memory_space<vmem>>, vector<1x16x1xf32>
    %get3A_1637 = vector.shape_cast %get3A_1636 : vector<1x16x1xf32> to vector<16x1xf32>
    %get3A_1638 = arith.constant 0 : index
    %get3A_1639 = arith.constant 1040 : index
    %get3A_1640 = arith.constant 1 : index
    %get3A_1641 = vector.load %arg3[%get3A_1638, %get3A_1639, %get3A_1640] : memref<1x2048x2xf32, #tpu.memory_space<vmem>>, vector<1x16x1xf32>
    %get3A_1642 = vector.shape_cast %get3A_1641 : vector<1x16x1xf32> to vector<16x1xf32>
    %sub3A_1643 = vector.broadcast %get3A_1637 : vector<16x1xf32> to vector<16x1024xf32>
    %sub3A_1644 = vector.broadcast %transpose3A : vector<1x1024xf32> to vector<16x1024xf32>
    %sub3A_1645 = arith.subf %sub3A_1643, %sub3A_1644 : vector<16x1024xf32>
    %abs3A_1646 = math.absf %sub3A_1645 : vector<16x1024xf32>
    %sub3A_1647 = vector.broadcast %get3A_1642 : vector<16x1xf32> to vector<16x1024xf32>
    %sub3A_1648 = vector.broadcast %transpose3A_9 : vector<1x1024xf32> to vector<16x1024xf32>
    %sub3A_1649 = arith.subf %sub3A_1647, %sub3A_1648 : vector<16x1024xf32>
    %abs3A_1650 = math.absf %sub3A_1649 : vector<16x1024xf32>
    %add3A_1651 = arith.addf %abs3A_1646, %abs3A_1650 : vector<16x1024xf32>
    %lt3A_1652 = arith.cmpf olt, %add3A_1651, %select_n3A_1628 : vector<16x1024xf32>
    %select_n3A_1653 = arith.select %lt3A_1652, %add3A_1651, %select_n3A_1628 : vector<16x1024xi1>, vector<16x1024xf32>
    %add3A_1654 = arith.constant 1040 : i32
    %add3A_1655 = vector.broadcast %add3A_1654 : i32 to vector<16x1024xi32>
    %add3A_1656 = arith.addi %iota3A, %add3A_1655 : vector<16x1024xi32>
    %select_n3A_1657 = arith.select %lt3A_1652, %add3A_1656, %select_n3A_1632 : vector<16x1024xi1>, vector<16x1024xi32>
    %get3A_1658 = arith.constant 0 : index
    %get3A_1659 = arith.constant 1056 : index
    %get3A_1660 = arith.constant 0 : index
    %get3A_1661 = vector.load %arg3[%get3A_1658, %get3A_1659, %get3A_1660] : memref<1x2048x2xf32, #tpu.memory_space<vmem>>, vector<1x16x1xf32>
    %get3A_1662 = vector.shape_cast %get3A_1661 : vector<1x16x1xf32> to vector<16x1xf32>
    %get3A_1663 = arith.constant 0 : index
    %get3A_1664 = arith.constant 1056 : index
    %get3A_1665 = arith.constant 1 : index
    %get3A_1666 = vector.load %arg3[%get3A_1663, %get3A_1664, %get3A_1665] : memref<1x2048x2xf32, #tpu.memory_space<vmem>>, vector<1x16x1xf32>
    %get3A_1667 = vector.shape_cast %get3A_1666 : vector<1x16x1xf32> to vector<16x1xf32>
    %sub3A_1668 = vector.broadcast %get3A_1662 : vector<16x1xf32> to vector<16x1024xf32>
    %sub3A_1669 = vector.broadcast %transpose3A : vector<1x1024xf32> to vector<16x1024xf32>
    %sub3A_1670 = arith.subf %sub3A_1668, %sub3A_1669 : vector<16x1024xf32>
    %abs3A_1671 = math.absf %sub3A_1670 : vector<16x1024xf32>
    %sub3A_1672 = vector.broadcast %get3A_1667 : vector<16x1xf32> to vector<16x1024xf32>
    %sub3A_1673 = vector.broadcast %transpose3A_9 : vector<1x1024xf32> to vector<16x1024xf32>
    %sub3A_1674 = arith.subf %sub3A_1672, %sub3A_1673 : vector<16x1024xf32>
    %abs3A_1675 = math.absf %sub3A_1674 : vector<16x1024xf32>
    %add3A_1676 = arith.addf %abs3A_1671, %abs3A_1675 : vector<16x1024xf32>
    %lt3A_1677 = arith.cmpf olt, %add3A_1676, %select_n3A_1653 : vector<16x1024xf32>
    %select_n3A_1678 = arith.select %lt3A_1677, %add3A_1676, %select_n3A_1653 : vector<16x1024xi1>, vector<16x1024xf32>
    %add3A_1679 = arith.constant 1056 : i32
    %add3A_1680 = vector.broadcast %add3A_1679 : i32 to vector<16x1024xi32>
    %add3A_1681 = arith.addi %iota3A, %add3A_1680 : vector<16x1024xi32>
    %select_n3A_1682 = arith.select %lt3A_1677, %add3A_1681, %select_n3A_1657 : vector<16x1024xi1>, vector<16x1024xi32>
    %get3A_1683 = arith.constant 0 : index
    %get3A_1684 = arith.constant 1072 : index
    %get3A_1685 = arith.constant 0 : index
    %get3A_1686 = vector.load %arg3[%get3A_1683, %get3A_1684, %get3A_1685] : memref<1x2048x2xf32, #tpu.memory_space<vmem>>, vector<1x16x1xf32>
    %get3A_1687 = vector.shape_cast %get3A_1686 : vector<1x16x1xf32> to vector<16x1xf32>
    %get3A_1688 = arith.constant 0 : index
    %get3A_1689 = arith.constant 1072 : index
    %get3A_1690 = arith.constant 1 : index
    %get3A_1691 = vector.load %arg3[%get3A_1688, %get3A_1689, %get3A_1690] : memref<1x2048x2xf32, #tpu.memory_space<vmem>>, vector<1x16x1xf32>
    %get3A_1692 = vector.shape_cast %get3A_1691 : vector<1x16x1xf32> to vector<16x1xf32>
    %sub3A_1693 = vector.broadcast %get3A_1687 : vector<16x1xf32> to vector<16x1024xf32>
    %sub3A_1694 = vector.broadcast %transpose3A : vector<1x1024xf32> to vector<16x1024xf32>
    %sub3A_1695 = arith.subf %sub3A_1693, %sub3A_1694 : vector<16x1024xf32>
    %abs3A_1696 = math.absf %sub3A_1695 : vector<16x1024xf32>
    %sub3A_1697 = vector.broadcast %get3A_1692 : vector<16x1xf32> to vector<16x1024xf32>
    %sub3A_1698 = vector.broadcast %transpose3A_9 : vector<1x1024xf32> to vector<16x1024xf32>
    %sub3A_1699 = arith.subf %sub3A_1697, %sub3A_1698 : vector<16x1024xf32>
    %abs3A_1700 = math.absf %sub3A_1699 : vector<16x1024xf32>
    %add3A_1701 = arith.addf %abs3A_1696, %abs3A_1700 : vector<16x1024xf32>
    %lt3A_1702 = arith.cmpf olt, %add3A_1701, %select_n3A_1678 : vector<16x1024xf32>
    %select_n3A_1703 = arith.select %lt3A_1702, %add3A_1701, %select_n3A_1678 : vector<16x1024xi1>, vector<16x1024xf32>
    %add3A_1704 = arith.constant 1072 : i32
    %add3A_1705 = vector.broadcast %add3A_1704 : i32 to vector<16x1024xi32>
    %add3A_1706 = arith.addi %iota3A, %add3A_1705 : vector<16x1024xi32>
    %select_n3A_1707 = arith.select %lt3A_1702, %add3A_1706, %select_n3A_1682 : vector<16x1024xi1>, vector<16x1024xi32>
    %get3A_1708 = arith.constant 0 : index
    %get3A_1709 = arith.constant 1088 : index
    %get3A_1710 = arith.constant 0 : index
    %get3A_1711 = vector.load %arg3[%get3A_1708, %get3A_1709, %get3A_1710] : memref<1x2048x2xf32, #tpu.memory_space<vmem>>, vector<1x16x1xf32>
    %get3A_1712 = vector.shape_cast %get3A_1711 : vector<1x16x1xf32> to vector<16x1xf32>
    %get3A_1713 = arith.constant 0 : index
    %get3A_1714 = arith.constant 1088 : index
    %get3A_1715 = arith.constant 1 : index
    %get3A_1716 = vector.load %arg3[%get3A_1713, %get3A_1714, %get3A_1715] : memref<1x2048x2xf32, #tpu.memory_space<vmem>>, vector<1x16x1xf32>
    %get3A_1717 = vector.shape_cast %get3A_1716 : vector<1x16x1xf32> to vector<16x1xf32>
    %sub3A_1718 = vector.broadcast %get3A_1712 : vector<16x1xf32> to vector<16x1024xf32>
    %sub3A_1719 = vector.broadcast %transpose3A : vector<1x1024xf32> to vector<16x1024xf32>
    %sub3A_1720 = arith.subf %sub3A_1718, %sub3A_1719 : vector<16x1024xf32>
    %abs3A_1721 = math.absf %sub3A_1720 : vector<16x1024xf32>
    %sub3A_1722 = vector.broadcast %get3A_1717 : vector<16x1xf32> to vector<16x1024xf32>
    %sub3A_1723 = vector.broadcast %transpose3A_9 : vector<1x1024xf32> to vector<16x1024xf32>
    %sub3A_1724 = arith.subf %sub3A_1722, %sub3A_1723 : vector<16x1024xf32>
    %abs3A_1725 = math.absf %sub3A_1724 : vector<16x1024xf32>
    %add3A_1726 = arith.addf %abs3A_1721, %abs3A_1725 : vector<16x1024xf32>
    %lt3A_1727 = arith.cmpf olt, %add3A_1726, %select_n3A_1703 : vector<16x1024xf32>
    %select_n3A_1728 = arith.select %lt3A_1727, %add3A_1726, %select_n3A_1703 : vector<16x1024xi1>, vector<16x1024xf32>
    %add3A_1729 = arith.constant 1088 : i32
    %add3A_1730 = vector.broadcast %add3A_1729 : i32 to vector<16x1024xi32>
    %add3A_1731 = arith.addi %iota3A, %add3A_1730 : vector<16x1024xi32>
    %select_n3A_1732 = arith.select %lt3A_1727, %add3A_1731, %select_n3A_1707 : vector<16x1024xi1>, vector<16x1024xi32>
    %get3A_1733 = arith.constant 0 : index
    %get3A_1734 = arith.constant 1104 : index
    %get3A_1735 = arith.constant 0 : index
    %get3A_1736 = vector.load %arg3[%get3A_1733, %get3A_1734, %get3A_1735] : memref<1x2048x2xf32, #tpu.memory_space<vmem>>, vector<1x16x1xf32>
    %get3A_1737 = vector.shape_cast %get3A_1736 : vector<1x16x1xf32> to vector<16x1xf32>
    %get3A_1738 = arith.constant 0 : index
    %get3A_1739 = arith.constant 1104 : index
    %get3A_1740 = arith.constant 1 : index
    %get3A_1741 = vector.load %arg3[%get3A_1738, %get3A_1739, %get3A_1740] : memref<1x2048x2xf32, #tpu.memory_space<vmem>>, vector<1x16x1xf32>
    %get3A_1742 = vector.shape_cast %get3A_1741 : vector<1x16x1xf32> to vector<16x1xf32>
    %sub3A_1743 = vector.broadcast %get3A_1737 : vector<16x1xf32> to vector<16x1024xf32>
    %sub3A_1744 = vector.broadcast %transpose3A : vector<1x1024xf32> to vector<16x1024xf32>
    %sub3A_1745 = arith.subf %sub3A_1743, %sub3A_1744 : vector<16x1024xf32>
    %abs3A_1746 = math.absf %sub3A_1745 : vector<16x1024xf32>
    %sub3A_1747 = vector.broadcast %get3A_1742 : vector<16x1xf32> to vector<16x1024xf32>
    %sub3A_1748 = vector.broadcast %transpose3A_9 : vector<1x1024xf32> to vector<16x1024xf32>
    %sub3A_1749 = arith.subf %sub3A_1747, %sub3A_1748 : vector<16x1024xf32>
    %abs3A_1750 = math.absf %sub3A_1749 : vector<16x1024xf32>
    %add3A_1751 = arith.addf %abs3A_1746, %abs3A_1750 : vector<16x1024xf32>
    %lt3A_1752 = arith.cmpf olt, %add3A_1751, %select_n3A_1728 : vector<16x1024xf32>
    %select_n3A_1753 = arith.select %lt3A_1752, %add3A_1751, %select_n3A_1728 : vector<16x1024xi1>, vector<16x1024xf32>
    %add3A_1754 = arith.constant 1104 : i32
    %add3A_1755 = vector.broadcast %add3A_1754 : i32 to vector<16x1024xi32>
    %add3A_1756 = arith.addi %iota3A, %add3A_1755 : vector<16x1024xi32>
    %select_n3A_1757 = arith.select %lt3A_1752, %add3A_1756, %select_n3A_1732 : vector<16x1024xi1>, vector<16x1024xi32>
    %get3A_1758 = arith.constant 0 : index
    %get3A_1759 = arith.constant 1120 : index
    %get3A_1760 = arith.constant 0 : index
    %get3A_1761 = vector.load %arg3[%get3A_1758, %get3A_1759, %get3A_1760] : memref<1x2048x2xf32, #tpu.memory_space<vmem>>, vector<1x16x1xf32>
    %get3A_1762 = vector.shape_cast %get3A_1761 : vector<1x16x1xf32> to vector<16x1xf32>
    %get3A_1763 = arith.constant 0 : index
    %get3A_1764 = arith.constant 1120 : index
    %get3A_1765 = arith.constant 1 : index
    %get3A_1766 = vector.load %arg3[%get3A_1763, %get3A_1764, %get3A_1765] : memref<1x2048x2xf32, #tpu.memory_space<vmem>>, vector<1x16x1xf32>
    %get3A_1767 = vector.shape_cast %get3A_1766 : vector<1x16x1xf32> to vector<16x1xf32>
    %sub3A_1768 = vector.broadcast %get3A_1762 : vector<16x1xf32> to vector<16x1024xf32>
    %sub3A_1769 = vector.broadcast %transpose3A : vector<1x1024xf32> to vector<16x1024xf32>
    %sub3A_1770 = arith.subf %sub3A_1768, %sub3A_1769 : vector<16x1024xf32>
    %abs3A_1771 = math.absf %sub3A_1770 : vector<16x1024xf32>
    %sub3A_1772 = vector.broadcast %get3A_1767 : vector<16x1xf32> to vector<16x1024xf32>
    %sub3A_1773 = vector.broadcast %transpose3A_9 : vector<1x1024xf32> to vector<16x1024xf32>
    %sub3A_1774 = arith.subf %sub3A_1772, %sub3A_1773 : vector<16x1024xf32>
    %abs3A_1775 = math.absf %sub3A_1774 : vector<16x1024xf32>
    %add3A_1776 = arith.addf %abs3A_1771, %abs3A_1775 : vector<16x1024xf32>
    %lt3A_1777 = arith.cmpf olt, %add3A_1776, %select_n3A_1753 : vector<16x1024xf32>
    %select_n3A_1778 = arith.select %lt3A_1777, %add3A_1776, %select_n3A_1753 : vector<16x1024xi1>, vector<16x1024xf32>
    %add3A_1779 = arith.constant 1120 : i32
    %add3A_1780 = vector.broadcast %add3A_1779 : i32 to vector<16x1024xi32>
    %add3A_1781 = arith.addi %iota3A, %add3A_1780 : vector<16x1024xi32>
    %select_n3A_1782 = arith.select %lt3A_1777, %add3A_1781, %select_n3A_1757 : vector<16x1024xi1>, vector<16x1024xi32>
    %get3A_1783 = arith.constant 0 : index
    %get3A_1784 = arith.constant 1136 : index
    %get3A_1785 = arith.constant 0 : index
    %get3A_1786 = vector.load %arg3[%get3A_1783, %get3A_1784, %get3A_1785] : memref<1x2048x2xf32, #tpu.memory_space<vmem>>, vector<1x16x1xf32>
    %get3A_1787 = vector.shape_cast %get3A_1786 : vector<1x16x1xf32> to vector<16x1xf32>
    %get3A_1788 = arith.constant 0 : index
    %get3A_1789 = arith.constant 1136 : index
    %get3A_1790 = arith.constant 1 : index
    %get3A_1791 = vector.load %arg3[%get3A_1788, %get3A_1789, %get3A_1790] : memref<1x2048x2xf32, #tpu.memory_space<vmem>>, vector<1x16x1xf32>
    %get3A_1792 = vector.shape_cast %get3A_1791 : vector<1x16x1xf32> to vector<16x1xf32>
    %sub3A_1793 = vector.broadcast %get3A_1787 : vector<16x1xf32> to vector<16x1024xf32>
    %sub3A_1794 = vector.broadcast %transpose3A : vector<1x1024xf32> to vector<16x1024xf32>
    %sub3A_1795 = arith.subf %sub3A_1793, %sub3A_1794 : vector<16x1024xf32>
    %abs3A_1796 = math.absf %sub3A_1795 : vector<16x1024xf32>
    %sub3A_1797 = vector.broadcast %get3A_1792 : vector<16x1xf32> to vector<16x1024xf32>
    %sub3A_1798 = vector.broadcast %transpose3A_9 : vector<1x1024xf32> to vector<16x1024xf32>
    %sub3A_1799 = arith.subf %sub3A_1797, %sub3A_1798 : vector<16x1024xf32>
    %abs3A_1800 = math.absf %sub3A_1799 : vector<16x1024xf32>
    %add3A_1801 = arith.addf %abs3A_1796, %abs3A_1800 : vector<16x1024xf32>
    %lt3A_1802 = arith.cmpf olt, %add3A_1801, %select_n3A_1778 : vector<16x1024xf32>
    %select_n3A_1803 = arith.select %lt3A_1802, %add3A_1801, %select_n3A_1778 : vector<16x1024xi1>, vector<16x1024xf32>
    %add3A_1804 = arith.constant 1136 : i32
    %add3A_1805 = vector.broadcast %add3A_1804 : i32 to vector<16x1024xi32>
    %add3A_1806 = arith.addi %iota3A, %add3A_1805 : vector<16x1024xi32>
    %select_n3A_1807 = arith.select %lt3A_1802, %add3A_1806, %select_n3A_1782 : vector<16x1024xi1>, vector<16x1024xi32>
    %get3A_1808 = arith.constant 0 : index
    %get3A_1809 = arith.constant 1152 : index
    %get3A_1810 = arith.constant 0 : index
    %get3A_1811 = vector.load %arg3[%get3A_1808, %get3A_1809, %get3A_1810] : memref<1x2048x2xf32, #tpu.memory_space<vmem>>, vector<1x16x1xf32>
    %get3A_1812 = vector.shape_cast %get3A_1811 : vector<1x16x1xf32> to vector<16x1xf32>
    %get3A_1813 = arith.constant 0 : index
    %get3A_1814 = arith.constant 1152 : index
    %get3A_1815 = arith.constant 1 : index
    %get3A_1816 = vector.load %arg3[%get3A_1813, %get3A_1814, %get3A_1815] : memref<1x2048x2xf32, #tpu.memory_space<vmem>>, vector<1x16x1xf32>
    %get3A_1817 = vector.shape_cast %get3A_1816 : vector<1x16x1xf32> to vector<16x1xf32>
    %sub3A_1818 = vector.broadcast %get3A_1812 : vector<16x1xf32> to vector<16x1024xf32>
    %sub3A_1819 = vector.broadcast %transpose3A : vector<1x1024xf32> to vector<16x1024xf32>
    %sub3A_1820 = arith.subf %sub3A_1818, %sub3A_1819 : vector<16x1024xf32>
    %abs3A_1821 = math.absf %sub3A_1820 : vector<16x1024xf32>
    %sub3A_1822 = vector.broadcast %get3A_1817 : vector<16x1xf32> to vector<16x1024xf32>
    %sub3A_1823 = vector.broadcast %transpose3A_9 : vector<1x1024xf32> to vector<16x1024xf32>
    %sub3A_1824 = arith.subf %sub3A_1822, %sub3A_1823 : vector<16x1024xf32>
    %abs3A_1825 = math.absf %sub3A_1824 : vector<16x1024xf32>
    %add3A_1826 = arith.addf %abs3A_1821, %abs3A_1825 : vector<16x1024xf32>
    %lt3A_1827 = arith.cmpf olt, %add3A_1826, %select_n3A_1803 : vector<16x1024xf32>
    %select_n3A_1828 = arith.select %lt3A_1827, %add3A_1826, %select_n3A_1803 : vector<16x1024xi1>, vector<16x1024xf32>
    %add3A_1829 = arith.constant 1152 : i32
    %add3A_1830 = vector.broadcast %add3A_1829 : i32 to vector<16x1024xi32>
    %add3A_1831 = arith.addi %iota3A, %add3A_1830 : vector<16x1024xi32>
    %select_n3A_1832 = arith.select %lt3A_1827, %add3A_1831, %select_n3A_1807 : vector<16x1024xi1>, vector<16x1024xi32>
    %get3A_1833 = arith.constant 0 : index
    %get3A_1834 = arith.constant 1168 : index
    %get3A_1835 = arith.constant 0 : index
    %get3A_1836 = vector.load %arg3[%get3A_1833, %get3A_1834, %get3A_1835] : memref<1x2048x2xf32, #tpu.memory_space<vmem>>, vector<1x16x1xf32>
    %get3A_1837 = vector.shape_cast %get3A_1836 : vector<1x16x1xf32> to vector<16x1xf32>
    %get3A_1838 = arith.constant 0 : index
    %get3A_1839 = arith.constant 1168 : index
    %get3A_1840 = arith.constant 1 : index
    %get3A_1841 = vector.load %arg3[%get3A_1838, %get3A_1839, %get3A_1840] : memref<1x2048x2xf32, #tpu.memory_space<vmem>>, vector<1x16x1xf32>
    %get3A_1842 = vector.shape_cast %get3A_1841 : vector<1x16x1xf32> to vector<16x1xf32>
    %sub3A_1843 = vector.broadcast %get3A_1837 : vector<16x1xf32> to vector<16x1024xf32>
    %sub3A_1844 = vector.broadcast %transpose3A : vector<1x1024xf32> to vector<16x1024xf32>
    %sub3A_1845 = arith.subf %sub3A_1843, %sub3A_1844 : vector<16x1024xf32>
    %abs3A_1846 = math.absf %sub3A_1845 : vector<16x1024xf32>
    %sub3A_1847 = vector.broadcast %get3A_1842 : vector<16x1xf32> to vector<16x1024xf32>
    %sub3A_1848 = vector.broadcast %transpose3A_9 : vector<1x1024xf32> to vector<16x1024xf32>
    %sub3A_1849 = arith.subf %sub3A_1847, %sub3A_1848 : vector<16x1024xf32>
    %abs3A_1850 = math.absf %sub3A_1849 : vector<16x1024xf32>
    %add3A_1851 = arith.addf %abs3A_1846, %abs3A_1850 : vector<16x1024xf32>
    %lt3A_1852 = arith.cmpf olt, %add3A_1851, %select_n3A_1828 : vector<16x1024xf32>
    %select_n3A_1853 = arith.select %lt3A_1852, %add3A_1851, %select_n3A_1828 : vector<16x1024xi1>, vector<16x1024xf32>
    %add3A_1854 = arith.constant 1168 : i32
    %add3A_1855 = vector.broadcast %add3A_1854 : i32 to vector<16x1024xi32>
    %add3A_1856 = arith.addi %iota3A, %add3A_1855 : vector<16x1024xi32>
    %select_n3A_1857 = arith.select %lt3A_1852, %add3A_1856, %select_n3A_1832 : vector<16x1024xi1>, vector<16x1024xi32>
    %get3A_1858 = arith.constant 0 : index
    %get3A_1859 = arith.constant 1184 : index
    %get3A_1860 = arith.constant 0 : index
    %get3A_1861 = vector.load %arg3[%get3A_1858, %get3A_1859, %get3A_1860] : memref<1x2048x2xf32, #tpu.memory_space<vmem>>, vector<1x16x1xf32>
    %get3A_1862 = vector.shape_cast %get3A_1861 : vector<1x16x1xf32> to vector<16x1xf32>
    %get3A_1863 = arith.constant 0 : index
    %get3A_1864 = arith.constant 1184 : index
    %get3A_1865 = arith.constant 1 : index
    %get3A_1866 = vector.load %arg3[%get3A_1863, %get3A_1864, %get3A_1865] : memref<1x2048x2xf32, #tpu.memory_space<vmem>>, vector<1x16x1xf32>
    %get3A_1867 = vector.shape_cast %get3A_1866 : vector<1x16x1xf32> to vector<16x1xf32>
    %sub3A_1868 = vector.broadcast %get3A_1862 : vector<16x1xf32> to vector<16x1024xf32>
    %sub3A_1869 = vector.broadcast %transpose3A : vector<1x1024xf32> to vector<16x1024xf32>
    %sub3A_1870 = arith.subf %sub3A_1868, %sub3A_1869 : vector<16x1024xf32>
    %abs3A_1871 = math.absf %sub3A_1870 : vector<16x1024xf32>
    %sub3A_1872 = vector.broadcast %get3A_1867 : vector<16x1xf32> to vector<16x1024xf32>
    %sub3A_1873 = vector.broadcast %transpose3A_9 : vector<1x1024xf32> to vector<16x1024xf32>
    %sub3A_1874 = arith.subf %sub3A_1872, %sub3A_1873 : vector<16x1024xf32>
    %abs3A_1875 = math.absf %sub3A_1874 : vector<16x1024xf32>
    %add3A_1876 = arith.addf %abs3A_1871, %abs3A_1875 : vector<16x1024xf32>
    %lt3A_1877 = arith.cmpf olt, %add3A_1876, %select_n3A_1853 : vector<16x1024xf32>
    %select_n3A_1878 = arith.select %lt3A_1877, %add3A_1876, %select_n3A_1853 : vector<16x1024xi1>, vector<16x1024xf32>
    %add3A_1879 = arith.constant 1184 : i32
    %add3A_1880 = vector.broadcast %add3A_1879 : i32 to vector<16x1024xi32>
    %add3A_1881 = arith.addi %iota3A, %add3A_1880 : vector<16x1024xi32>
    %select_n3A_1882 = arith.select %lt3A_1877, %add3A_1881, %select_n3A_1857 : vector<16x1024xi1>, vector<16x1024xi32>
    %get3A_1883 = arith.constant 0 : index
    %get3A_1884 = arith.constant 1200 : index
    %get3A_1885 = arith.constant 0 : index
    %get3A_1886 = vector.load %arg3[%get3A_1883, %get3A_1884, %get3A_1885] : memref<1x2048x2xf32, #tpu.memory_space<vmem>>, vector<1x16x1xf32>
    %get3A_1887 = vector.shape_cast %get3A_1886 : vector<1x16x1xf32> to vector<16x1xf32>
    %get3A_1888 = arith.constant 0 : index
    %get3A_1889 = arith.constant 1200 : index
    %get3A_1890 = arith.constant 1 : index
    %get3A_1891 = vector.load %arg3[%get3A_1888, %get3A_1889, %get3A_1890] : memref<1x2048x2xf32, #tpu.memory_space<vmem>>, vector<1x16x1xf32>
    %get3A_1892 = vector.shape_cast %get3A_1891 : vector<1x16x1xf32> to vector<16x1xf32>
    %sub3A_1893 = vector.broadcast %get3A_1887 : vector<16x1xf32> to vector<16x1024xf32>
    %sub3A_1894 = vector.broadcast %transpose3A : vector<1x1024xf32> to vector<16x1024xf32>
    %sub3A_1895 = arith.subf %sub3A_1893, %sub3A_1894 : vector<16x1024xf32>
    %abs3A_1896 = math.absf %sub3A_1895 : vector<16x1024xf32>
    %sub3A_1897 = vector.broadcast %get3A_1892 : vector<16x1xf32> to vector<16x1024xf32>
    %sub3A_1898 = vector.broadcast %transpose3A_9 : vector<1x1024xf32> to vector<16x1024xf32>
    %sub3A_1899 = arith.subf %sub3A_1897, %sub3A_1898 : vector<16x1024xf32>
    %abs3A_1900 = math.absf %sub3A_1899 : vector<16x1024xf32>
    %add3A_1901 = arith.addf %abs3A_1896, %abs3A_1900 : vector<16x1024xf32>
    %lt3A_1902 = arith.cmpf olt, %add3A_1901, %select_n3A_1878 : vector<16x1024xf32>
    %select_n3A_1903 = arith.select %lt3A_1902, %add3A_1901, %select_n3A_1878 : vector<16x1024xi1>, vector<16x1024xf32>
    %add3A_1904 = arith.constant 1200 : i32
    %add3A_1905 = vector.broadcast %add3A_1904 : i32 to vector<16x1024xi32>
    %add3A_1906 = arith.addi %iota3A, %add3A_1905 : vector<16x1024xi32>
    %select_n3A_1907 = arith.select %lt3A_1902, %add3A_1906, %select_n3A_1882 : vector<16x1024xi1>, vector<16x1024xi32>
    %get3A_1908 = arith.constant 0 : index
    %get3A_1909 = arith.constant 1216 : index
    %get3A_1910 = arith.constant 0 : index
    %get3A_1911 = vector.load %arg3[%get3A_1908, %get3A_1909, %get3A_1910] : memref<1x2048x2xf32, #tpu.memory_space<vmem>>, vector<1x16x1xf32>
    %get3A_1912 = vector.shape_cast %get3A_1911 : vector<1x16x1xf32> to vector<16x1xf32>
    %get3A_1913 = arith.constant 0 : index
    %get3A_1914 = arith.constant 1216 : index
    %get3A_1915 = arith.constant 1 : index
    %get3A_1916 = vector.load %arg3[%get3A_1913, %get3A_1914, %get3A_1915] : memref<1x2048x2xf32, #tpu.memory_space<vmem>>, vector<1x16x1xf32>
    %get3A_1917 = vector.shape_cast %get3A_1916 : vector<1x16x1xf32> to vector<16x1xf32>
    %sub3A_1918 = vector.broadcast %get3A_1912 : vector<16x1xf32> to vector<16x1024xf32>
    %sub3A_1919 = vector.broadcast %transpose3A : vector<1x1024xf32> to vector<16x1024xf32>
    %sub3A_1920 = arith.subf %sub3A_1918, %sub3A_1919 : vector<16x1024xf32>
    %abs3A_1921 = math.absf %sub3A_1920 : vector<16x1024xf32>
    %sub3A_1922 = vector.broadcast %get3A_1917 : vector<16x1xf32> to vector<16x1024xf32>
    %sub3A_1923 = vector.broadcast %transpose3A_9 : vector<1x1024xf32> to vector<16x1024xf32>
    %sub3A_1924 = arith.subf %sub3A_1922, %sub3A_1923 : vector<16x1024xf32>
    %abs3A_1925 = math.absf %sub3A_1924 : vector<16x1024xf32>
    %add3A_1926 = arith.addf %abs3A_1921, %abs3A_1925 : vector<16x1024xf32>
    %lt3A_1927 = arith.cmpf olt, %add3A_1926, %select_n3A_1903 : vector<16x1024xf32>
    %select_n3A_1928 = arith.select %lt3A_1927, %add3A_1926, %select_n3A_1903 : vector<16x1024xi1>, vector<16x1024xf32>
    %add3A_1929 = arith.constant 1216 : i32
    %add3A_1930 = vector.broadcast %add3A_1929 : i32 to vector<16x1024xi32>
    %add3A_1931 = arith.addi %iota3A, %add3A_1930 : vector<16x1024xi32>
    %select_n3A_1932 = arith.select %lt3A_1927, %add3A_1931, %select_n3A_1907 : vector<16x1024xi1>, vector<16x1024xi32>
    %get3A_1933 = arith.constant 0 : index
    %get3A_1934 = arith.constant 1232 : index
    %get3A_1935 = arith.constant 0 : index
    %get3A_1936 = vector.load %arg3[%get3A_1933, %get3A_1934, %get3A_1935] : memref<1x2048x2xf32, #tpu.memory_space<vmem>>, vector<1x16x1xf32>
    %get3A_1937 = vector.shape_cast %get3A_1936 : vector<1x16x1xf32> to vector<16x1xf32>
    %get3A_1938 = arith.constant 0 : index
    %get3A_1939 = arith.constant 1232 : index
    %get3A_1940 = arith.constant 1 : index
    %get3A_1941 = vector.load %arg3[%get3A_1938, %get3A_1939, %get3A_1940] : memref<1x2048x2xf32, #tpu.memory_space<vmem>>, vector<1x16x1xf32>
    %get3A_1942 = vector.shape_cast %get3A_1941 : vector<1x16x1xf32> to vector<16x1xf32>
    %sub3A_1943 = vector.broadcast %get3A_1937 : vector<16x1xf32> to vector<16x1024xf32>
    %sub3A_1944 = vector.broadcast %transpose3A : vector<1x1024xf32> to vector<16x1024xf32>
    %sub3A_1945 = arith.subf %sub3A_1943, %sub3A_1944 : vector<16x1024xf32>
    %abs3A_1946 = math.absf %sub3A_1945 : vector<16x1024xf32>
    %sub3A_1947 = vector.broadcast %get3A_1942 : vector<16x1xf32> to vector<16x1024xf32>
    %sub3A_1948 = vector.broadcast %transpose3A_9 : vector<1x1024xf32> to vector<16x1024xf32>
    %sub3A_1949 = arith.subf %sub3A_1947, %sub3A_1948 : vector<16x1024xf32>
    %abs3A_1950 = math.absf %sub3A_1949 : vector<16x1024xf32>
    %add3A_1951 = arith.addf %abs3A_1946, %abs3A_1950 : vector<16x1024xf32>
    %lt3A_1952 = arith.cmpf olt, %add3A_1951, %select_n3A_1928 : vector<16x1024xf32>
    %select_n3A_1953 = arith.select %lt3A_1952, %add3A_1951, %select_n3A_1928 : vector<16x1024xi1>, vector<16x1024xf32>
    %add3A_1954 = arith.constant 1232 : i32
    %add3A_1955 = vector.broadcast %add3A_1954 : i32 to vector<16x1024xi32>
    %add3A_1956 = arith.addi %iota3A, %add3A_1955 : vector<16x1024xi32>
    %select_n3A_1957 = arith.select %lt3A_1952, %add3A_1956, %select_n3A_1932 : vector<16x1024xi1>, vector<16x1024xi32>
    %get3A_1958 = arith.constant 0 : index
    %get3A_1959 = arith.constant 1248 : index
    %get3A_1960 = arith.constant 0 : index
    %get3A_1961 = vector.load %arg3[%get3A_1958, %get3A_1959, %get3A_1960] : memref<1x2048x2xf32, #tpu.memory_space<vmem>>, vector<1x16x1xf32>
    %get3A_1962 = vector.shape_cast %get3A_1961 : vector<1x16x1xf32> to vector<16x1xf32>
    %get3A_1963 = arith.constant 0 : index
    %get3A_1964 = arith.constant 1248 : index
    %get3A_1965 = arith.constant 1 : index
    %get3A_1966 = vector.load %arg3[%get3A_1963, %get3A_1964, %get3A_1965] : memref<1x2048x2xf32, #tpu.memory_space<vmem>>, vector<1x16x1xf32>
    %get3A_1967 = vector.shape_cast %get3A_1966 : vector<1x16x1xf32> to vector<16x1xf32>
    %sub3A_1968 = vector.broadcast %get3A_1962 : vector<16x1xf32> to vector<16x1024xf32>
    %sub3A_1969 = vector.broadcast %transpose3A : vector<1x1024xf32> to vector<16x1024xf32>
    %sub3A_1970 = arith.subf %sub3A_1968, %sub3A_1969 : vector<16x1024xf32>
    %abs3A_1971 = math.absf %sub3A_1970 : vector<16x1024xf32>
    %sub3A_1972 = vector.broadcast %get3A_1967 : vector<16x1xf32> to vector<16x1024xf32>
    %sub3A_1973 = vector.broadcast %transpose3A_9 : vector<1x1024xf32> to vector<16x1024xf32>
    %sub3A_1974 = arith.subf %sub3A_1972, %sub3A_1973 : vector<16x1024xf32>
    %abs3A_1975 = math.absf %sub3A_1974 : vector<16x1024xf32>
    %add3A_1976 = arith.addf %abs3A_1971, %abs3A_1975 : vector<16x1024xf32>
    %lt3A_1977 = arith.cmpf olt, %add3A_1976, %select_n3A_1953 : vector<16x1024xf32>
    %select_n3A_1978 = arith.select %lt3A_1977, %add3A_1976, %select_n3A_1953 : vector<16x1024xi1>, vector<16x1024xf32>
    %add3A_1979 = arith.constant 1248 : i32
    %add3A_1980 = vector.broadcast %add3A_1979 : i32 to vector<16x1024xi32>
    %add3A_1981 = arith.addi %iota3A, %add3A_1980 : vector<16x1024xi32>
    %select_n3A_1982 = arith.select %lt3A_1977, %add3A_1981, %select_n3A_1957 : vector<16x1024xi1>, vector<16x1024xi32>
    %get3A_1983 = arith.constant 0 : index
    %get3A_1984 = arith.constant 1264 : index
    %get3A_1985 = arith.constant 0 : index
    %get3A_1986 = vector.load %arg3[%get3A_1983, %get3A_1984, %get3A_1985] : memref<1x2048x2xf32, #tpu.memory_space<vmem>>, vector<1x16x1xf32>
    %get3A_1987 = vector.shape_cast %get3A_1986 : vector<1x16x1xf32> to vector<16x1xf32>
    %get3A_1988 = arith.constant 0 : index
    %get3A_1989 = arith.constant 1264 : index
    %get3A_1990 = arith.constant 1 : index
    %get3A_1991 = vector.load %arg3[%get3A_1988, %get3A_1989, %get3A_1990] : memref<1x2048x2xf32, #tpu.memory_space<vmem>>, vector<1x16x1xf32>
    %get3A_1992 = vector.shape_cast %get3A_1991 : vector<1x16x1xf32> to vector<16x1xf32>
    %sub3A_1993 = vector.broadcast %get3A_1987 : vector<16x1xf32> to vector<16x1024xf32>
    %sub3A_1994 = vector.broadcast %transpose3A : vector<1x1024xf32> to vector<16x1024xf32>
    %sub3A_1995 = arith.subf %sub3A_1993, %sub3A_1994 : vector<16x1024xf32>
    %abs3A_1996 = math.absf %sub3A_1995 : vector<16x1024xf32>
    %sub3A_1997 = vector.broadcast %get3A_1992 : vector<16x1xf32> to vector<16x1024xf32>
    %sub3A_1998 = vector.broadcast %transpose3A_9 : vector<1x1024xf32> to vector<16x1024xf32>
    %sub3A_1999 = arith.subf %sub3A_1997, %sub3A_1998 : vector<16x1024xf32>
    %abs3A_2000 = math.absf %sub3A_1999 : vector<16x1024xf32>
    %add3A_2001 = arith.addf %abs3A_1996, %abs3A_2000 : vector<16x1024xf32>
    %lt3A_2002 = arith.cmpf olt, %add3A_2001, %select_n3A_1978 : vector<16x1024xf32>
    %select_n3A_2003 = arith.select %lt3A_2002, %add3A_2001, %select_n3A_1978 : vector<16x1024xi1>, vector<16x1024xf32>
    %add3A_2004 = arith.constant 1264 : i32
    %add3A_2005 = vector.broadcast %add3A_2004 : i32 to vector<16x1024xi32>
    %add3A_2006 = arith.addi %iota3A, %add3A_2005 : vector<16x1024xi32>
    %select_n3A_2007 = arith.select %lt3A_2002, %add3A_2006, %select_n3A_1982 : vector<16x1024xi1>, vector<16x1024xi32>
    %get3A_2008 = arith.constant 0 : index
    %get3A_2009 = arith.constant 1280 : index
    %get3A_2010 = arith.constant 0 : index
    %get3A_2011 = vector.load %arg3[%get3A_2008, %get3A_2009, %get3A_2010] : memref<1x2048x2xf32, #tpu.memory_space<vmem>>, vector<1x16x1xf32>
    %get3A_2012 = vector.shape_cast %get3A_2011 : vector<1x16x1xf32> to vector<16x1xf32>
    %get3A_2013 = arith.constant 0 : index
    %get3A_2014 = arith.constant 1280 : index
    %get3A_2015 = arith.constant 1 : index
    %get3A_2016 = vector.load %arg3[%get3A_2013, %get3A_2014, %get3A_2015] : memref<1x2048x2xf32, #tpu.memory_space<vmem>>, vector<1x16x1xf32>
    %get3A_2017 = vector.shape_cast %get3A_2016 : vector<1x16x1xf32> to vector<16x1xf32>
    %sub3A_2018 = vector.broadcast %get3A_2012 : vector<16x1xf32> to vector<16x1024xf32>
    %sub3A_2019 = vector.broadcast %transpose3A : vector<1x1024xf32> to vector<16x1024xf32>
    %sub3A_2020 = arith.subf %sub3A_2018, %sub3A_2019 : vector<16x1024xf32>
    %abs3A_2021 = math.absf %sub3A_2020 : vector<16x1024xf32>
    %sub3A_2022 = vector.broadcast %get3A_2017 : vector<16x1xf32> to vector<16x1024xf32>
    %sub3A_2023 = vector.broadcast %transpose3A_9 : vector<1x1024xf32> to vector<16x1024xf32>
    %sub3A_2024 = arith.subf %sub3A_2022, %sub3A_2023 : vector<16x1024xf32>
    %abs3A_2025 = math.absf %sub3A_2024 : vector<16x1024xf32>
    %add3A_2026 = arith.addf %abs3A_2021, %abs3A_2025 : vector<16x1024xf32>
    %lt3A_2027 = arith.cmpf olt, %add3A_2026, %select_n3A_2003 : vector<16x1024xf32>
    %select_n3A_2028 = arith.select %lt3A_2027, %add3A_2026, %select_n3A_2003 : vector<16x1024xi1>, vector<16x1024xf32>
    %add3A_2029 = arith.constant 1280 : i32
    %add3A_2030 = vector.broadcast %add3A_2029 : i32 to vector<16x1024xi32>
    %add3A_2031 = arith.addi %iota3A, %add3A_2030 : vector<16x1024xi32>
    %select_n3A_2032 = arith.select %lt3A_2027, %add3A_2031, %select_n3A_2007 : vector<16x1024xi1>, vector<16x1024xi32>
    %get3A_2033 = arith.constant 0 : index
    %get3A_2034 = arith.constant 1296 : index
    %get3A_2035 = arith.constant 0 : index
    %get3A_2036 = vector.load %arg3[%get3A_2033, %get3A_2034, %get3A_2035] : memref<1x2048x2xf32, #tpu.memory_space<vmem>>, vector<1x16x1xf32>
    %get3A_2037 = vector.shape_cast %get3A_2036 : vector<1x16x1xf32> to vector<16x1xf32>
    %get3A_2038 = arith.constant 0 : index
    %get3A_2039 = arith.constant 1296 : index
    %get3A_2040 = arith.constant 1 : index
    %get3A_2041 = vector.load %arg3[%get3A_2038, %get3A_2039, %get3A_2040] : memref<1x2048x2xf32, #tpu.memory_space<vmem>>, vector<1x16x1xf32>
    %get3A_2042 = vector.shape_cast %get3A_2041 : vector<1x16x1xf32> to vector<16x1xf32>
    %sub3A_2043 = vector.broadcast %get3A_2037 : vector<16x1xf32> to vector<16x1024xf32>
    %sub3A_2044 = vector.broadcast %transpose3A : vector<1x1024xf32> to vector<16x1024xf32>
    %sub3A_2045 = arith.subf %sub3A_2043, %sub3A_2044 : vector<16x1024xf32>
    %abs3A_2046 = math.absf %sub3A_2045 : vector<16x1024xf32>
    %sub3A_2047 = vector.broadcast %get3A_2042 : vector<16x1xf32> to vector<16x1024xf32>
    %sub3A_2048 = vector.broadcast %transpose3A_9 : vector<1x1024xf32> to vector<16x1024xf32>
    %sub3A_2049 = arith.subf %sub3A_2047, %sub3A_2048 : vector<16x1024xf32>
    %abs3A_2050 = math.absf %sub3A_2049 : vector<16x1024xf32>
    %add3A_2051 = arith.addf %abs3A_2046, %abs3A_2050 : vector<16x1024xf32>
    %lt3A_2052 = arith.cmpf olt, %add3A_2051, %select_n3A_2028 : vector<16x1024xf32>
    %select_n3A_2053 = arith.select %lt3A_2052, %add3A_2051, %select_n3A_2028 : vector<16x1024xi1>, vector<16x1024xf32>
    %add3A_2054 = arith.constant 1296 : i32
    %add3A_2055 = vector.broadcast %add3A_2054 : i32 to vector<16x1024xi32>
    %add3A_2056 = arith.addi %iota3A, %add3A_2055 : vector<16x1024xi32>
    %select_n3A_2057 = arith.select %lt3A_2052, %add3A_2056, %select_n3A_2032 : vector<16x1024xi1>, vector<16x1024xi32>
    %get3A_2058 = arith.constant 0 : index
    %get3A_2059 = arith.constant 1312 : index
    %get3A_2060 = arith.constant 0 : index
    %get3A_2061 = vector.load %arg3[%get3A_2058, %get3A_2059, %get3A_2060] : memref<1x2048x2xf32, #tpu.memory_space<vmem>>, vector<1x16x1xf32>
    %get3A_2062 = vector.shape_cast %get3A_2061 : vector<1x16x1xf32> to vector<16x1xf32>
    %get3A_2063 = arith.constant 0 : index
    %get3A_2064 = arith.constant 1312 : index
    %get3A_2065 = arith.constant 1 : index
    %get3A_2066 = vector.load %arg3[%get3A_2063, %get3A_2064, %get3A_2065] : memref<1x2048x2xf32, #tpu.memory_space<vmem>>, vector<1x16x1xf32>
    %get3A_2067 = vector.shape_cast %get3A_2066 : vector<1x16x1xf32> to vector<16x1xf32>
    %sub3A_2068 = vector.broadcast %get3A_2062 : vector<16x1xf32> to vector<16x1024xf32>
    %sub3A_2069 = vector.broadcast %transpose3A : vector<1x1024xf32> to vector<16x1024xf32>
    %sub3A_2070 = arith.subf %sub3A_2068, %sub3A_2069 : vector<16x1024xf32>
    %abs3A_2071 = math.absf %sub3A_2070 : vector<16x1024xf32>
    %sub3A_2072 = vector.broadcast %get3A_2067 : vector<16x1xf32> to vector<16x1024xf32>
    %sub3A_2073 = vector.broadcast %transpose3A_9 : vector<1x1024xf32> to vector<16x1024xf32>
    %sub3A_2074 = arith.subf %sub3A_2072, %sub3A_2073 : vector<16x1024xf32>
    %abs3A_2075 = math.absf %sub3A_2074 : vector<16x1024xf32>
    %add3A_2076 = arith.addf %abs3A_2071, %abs3A_2075 : vector<16x1024xf32>
    %lt3A_2077 = arith.cmpf olt, %add3A_2076, %select_n3A_2053 : vector<16x1024xf32>
    %select_n3A_2078 = arith.select %lt3A_2077, %add3A_2076, %select_n3A_2053 : vector<16x1024xi1>, vector<16x1024xf32>
    %add3A_2079 = arith.constant 1312 : i32
    %add3A_2080 = vector.broadcast %add3A_2079 : i32 to vector<16x1024xi32>
    %add3A_2081 = arith.addi %iota3A, %add3A_2080 : vector<16x1024xi32>
    %select_n3A_2082 = arith.select %lt3A_2077, %add3A_2081, %select_n3A_2057 : vector<16x1024xi1>, vector<16x1024xi32>
    %get3A_2083 = arith.constant 0 : index
    %get3A_2084 = arith.constant 1328 : index
    %get3A_2085 = arith.constant 0 : index
    %get3A_2086 = vector.load %arg3[%get3A_2083, %get3A_2084, %get3A_2085] : memref<1x2048x2xf32, #tpu.memory_space<vmem>>, vector<1x16x1xf32>
    %get3A_2087 = vector.shape_cast %get3A_2086 : vector<1x16x1xf32> to vector<16x1xf32>
    %get3A_2088 = arith.constant 0 : index
    %get3A_2089 = arith.constant 1328 : index
    %get3A_2090 = arith.constant 1 : index
    %get3A_2091 = vector.load %arg3[%get3A_2088, %get3A_2089, %get3A_2090] : memref<1x2048x2xf32, #tpu.memory_space<vmem>>, vector<1x16x1xf32>
    %get3A_2092 = vector.shape_cast %get3A_2091 : vector<1x16x1xf32> to vector<16x1xf32>
    %sub3A_2093 = vector.broadcast %get3A_2087 : vector<16x1xf32> to vector<16x1024xf32>
    %sub3A_2094 = vector.broadcast %transpose3A : vector<1x1024xf32> to vector<16x1024xf32>
    %sub3A_2095 = arith.subf %sub3A_2093, %sub3A_2094 : vector<16x1024xf32>
    %abs3A_2096 = math.absf %sub3A_2095 : vector<16x1024xf32>
    %sub3A_2097 = vector.broadcast %get3A_2092 : vector<16x1xf32> to vector<16x1024xf32>
    %sub3A_2098 = vector.broadcast %transpose3A_9 : vector<1x1024xf32> to vector<16x1024xf32>
    %sub3A_2099 = arith.subf %sub3A_2097, %sub3A_2098 : vector<16x1024xf32>
    %abs3A_2100 = math.absf %sub3A_2099 : vector<16x1024xf32>
    %add3A_2101 = arith.addf %abs3A_2096, %abs3A_2100 : vector<16x1024xf32>
    %lt3A_2102 = arith.cmpf olt, %add3A_2101, %select_n3A_2078 : vector<16x1024xf32>
    %select_n3A_2103 = arith.select %lt3A_2102, %add3A_2101, %select_n3A_2078 : vector<16x1024xi1>, vector<16x1024xf32>
    %add3A_2104 = arith.constant 1328 : i32
    %add3A_2105 = vector.broadcast %add3A_2104 : i32 to vector<16x1024xi32>
    %add3A_2106 = arith.addi %iota3A, %add3A_2105 : vector<16x1024xi32>
    %select_n3A_2107 = arith.select %lt3A_2102, %add3A_2106, %select_n3A_2082 : vector<16x1024xi1>, vector<16x1024xi32>
    %get3A_2108 = arith.constant 0 : index
    %get3A_2109 = arith.constant 1344 : index
    %get3A_2110 = arith.constant 0 : index
    %get3A_2111 = vector.load %arg3[%get3A_2108, %get3A_2109, %get3A_2110] : memref<1x2048x2xf32, #tpu.memory_space<vmem>>, vector<1x16x1xf32>
    %get3A_2112 = vector.shape_cast %get3A_2111 : vector<1x16x1xf32> to vector<16x1xf32>
    %get3A_2113 = arith.constant 0 : index
    %get3A_2114 = arith.constant 1344 : index
    %get3A_2115 = arith.constant 1 : index
    %get3A_2116 = vector.load %arg3[%get3A_2113, %get3A_2114, %get3A_2115] : memref<1x2048x2xf32, #tpu.memory_space<vmem>>, vector<1x16x1xf32>
    %get3A_2117 = vector.shape_cast %get3A_2116 : vector<1x16x1xf32> to vector<16x1xf32>
    %sub3A_2118 = vector.broadcast %get3A_2112 : vector<16x1xf32> to vector<16x1024xf32>
    %sub3A_2119 = vector.broadcast %transpose3A : vector<1x1024xf32> to vector<16x1024xf32>
    %sub3A_2120 = arith.subf %sub3A_2118, %sub3A_2119 : vector<16x1024xf32>
    %abs3A_2121 = math.absf %sub3A_2120 : vector<16x1024xf32>
    %sub3A_2122 = vector.broadcast %get3A_2117 : vector<16x1xf32> to vector<16x1024xf32>
    %sub3A_2123 = vector.broadcast %transpose3A_9 : vector<1x1024xf32> to vector<16x1024xf32>
    %sub3A_2124 = arith.subf %sub3A_2122, %sub3A_2123 : vector<16x1024xf32>
    %abs3A_2125 = math.absf %sub3A_2124 : vector<16x1024xf32>
    %add3A_2126 = arith.addf %abs3A_2121, %abs3A_2125 : vector<16x1024xf32>
    %lt3A_2127 = arith.cmpf olt, %add3A_2126, %select_n3A_2103 : vector<16x1024xf32>
    %select_n3A_2128 = arith.select %lt3A_2127, %add3A_2126, %select_n3A_2103 : vector<16x1024xi1>, vector<16x1024xf32>
    %add3A_2129 = arith.constant 1344 : i32
    %add3A_2130 = vector.broadcast %add3A_2129 : i32 to vector<16x1024xi32>
    %add3A_2131 = arith.addi %iota3A, %add3A_2130 : vector<16x1024xi32>
    %select_n3A_2132 = arith.select %lt3A_2127, %add3A_2131, %select_n3A_2107 : vector<16x1024xi1>, vector<16x1024xi32>
    %get3A_2133 = arith.constant 0 : index
    %get3A_2134 = arith.constant 1360 : index
    %get3A_2135 = arith.constant 0 : index
    %get3A_2136 = vector.load %arg3[%get3A_2133, %get3A_2134, %get3A_2135] : memref<1x2048x2xf32, #tpu.memory_space<vmem>>, vector<1x16x1xf32>
    %get3A_2137 = vector.shape_cast %get3A_2136 : vector<1x16x1xf32> to vector<16x1xf32>
    %get3A_2138 = arith.constant 0 : index
    %get3A_2139 = arith.constant 1360 : index
    %get3A_2140 = arith.constant 1 : index
    %get3A_2141 = vector.load %arg3[%get3A_2138, %get3A_2139, %get3A_2140] : memref<1x2048x2xf32, #tpu.memory_space<vmem>>, vector<1x16x1xf32>
    %get3A_2142 = vector.shape_cast %get3A_2141 : vector<1x16x1xf32> to vector<16x1xf32>
    %sub3A_2143 = vector.broadcast %get3A_2137 : vector<16x1xf32> to vector<16x1024xf32>
    %sub3A_2144 = vector.broadcast %transpose3A : vector<1x1024xf32> to vector<16x1024xf32>
    %sub3A_2145 = arith.subf %sub3A_2143, %sub3A_2144 : vector<16x1024xf32>
    %abs3A_2146 = math.absf %sub3A_2145 : vector<16x1024xf32>
    %sub3A_2147 = vector.broadcast %get3A_2142 : vector<16x1xf32> to vector<16x1024xf32>
    %sub3A_2148 = vector.broadcast %transpose3A_9 : vector<1x1024xf32> to vector<16x1024xf32>
    %sub3A_2149 = arith.subf %sub3A_2147, %sub3A_2148 : vector<16x1024xf32>
    %abs3A_2150 = math.absf %sub3A_2149 : vector<16x1024xf32>
    %add3A_2151 = arith.addf %abs3A_2146, %abs3A_2150 : vector<16x1024xf32>
    %lt3A_2152 = arith.cmpf olt, %add3A_2151, %select_n3A_2128 : vector<16x1024xf32>
    %select_n3A_2153 = arith.select %lt3A_2152, %add3A_2151, %select_n3A_2128 : vector<16x1024xi1>, vector<16x1024xf32>
    %add3A_2154 = arith.constant 1360 : i32
    %add3A_2155 = vector.broadcast %add3A_2154 : i32 to vector<16x1024xi32>
    %add3A_2156 = arith.addi %iota3A, %add3A_2155 : vector<16x1024xi32>
    %select_n3A_2157 = arith.select %lt3A_2152, %add3A_2156, %select_n3A_2132 : vector<16x1024xi1>, vector<16x1024xi32>
    %get3A_2158 = arith.constant 0 : index
    %get3A_2159 = arith.constant 1376 : index
    %get3A_2160 = arith.constant 0 : index
    %get3A_2161 = vector.load %arg3[%get3A_2158, %get3A_2159, %get3A_2160] : memref<1x2048x2xf32, #tpu.memory_space<vmem>>, vector<1x16x1xf32>
    %get3A_2162 = vector.shape_cast %get3A_2161 : vector<1x16x1xf32> to vector<16x1xf32>
    %get3A_2163 = arith.constant 0 : index
    %get3A_2164 = arith.constant 1376 : index
    %get3A_2165 = arith.constant 1 : index
    %get3A_2166 = vector.load %arg3[%get3A_2163, %get3A_2164, %get3A_2165] : memref<1x2048x2xf32, #tpu.memory_space<vmem>>, vector<1x16x1xf32>
    %get3A_2167 = vector.shape_cast %get3A_2166 : vector<1x16x1xf32> to vector<16x1xf32>
    %sub3A_2168 = vector.broadcast %get3A_2162 : vector<16x1xf32> to vector<16x1024xf32>
    %sub3A_2169 = vector.broadcast %transpose3A : vector<1x1024xf32> to vector<16x1024xf32>
    %sub3A_2170 = arith.subf %sub3A_2168, %sub3A_2169 : vector<16x1024xf32>
    %abs3A_2171 = math.absf %sub3A_2170 : vector<16x1024xf32>
    %sub3A_2172 = vector.broadcast %get3A_2167 : vector<16x1xf32> to vector<16x1024xf32>
    %sub3A_2173 = vector.broadcast %transpose3A_9 : vector<1x1024xf32> to vector<16x1024xf32>
    %sub3A_2174 = arith.subf %sub3A_2172, %sub3A_2173 : vector<16x1024xf32>
    %abs3A_2175 = math.absf %sub3A_2174 : vector<16x1024xf32>
    %add3A_2176 = arith.addf %abs3A_2171, %abs3A_2175 : vector<16x1024xf32>
    %lt3A_2177 = arith.cmpf olt, %add3A_2176, %select_n3A_2153 : vector<16x1024xf32>
    %select_n3A_2178 = arith.select %lt3A_2177, %add3A_2176, %select_n3A_2153 : vector<16x1024xi1>, vector<16x1024xf32>
    %add3A_2179 = arith.constant 1376 : i32
    %add3A_2180 = vector.broadcast %add3A_2179 : i32 to vector<16x1024xi32>
    %add3A_2181 = arith.addi %iota3A, %add3A_2180 : vector<16x1024xi32>
    %select_n3A_2182 = arith.select %lt3A_2177, %add3A_2181, %select_n3A_2157 : vector<16x1024xi1>, vector<16x1024xi32>
    %get3A_2183 = arith.constant 0 : index
    %get3A_2184 = arith.constant 1392 : index
    %get3A_2185 = arith.constant 0 : index
    %get3A_2186 = vector.load %arg3[%get3A_2183, %get3A_2184, %get3A_2185] : memref<1x2048x2xf32, #tpu.memory_space<vmem>>, vector<1x16x1xf32>
    %get3A_2187 = vector.shape_cast %get3A_2186 : vector<1x16x1xf32> to vector<16x1xf32>
    %get3A_2188 = arith.constant 0 : index
    %get3A_2189 = arith.constant 1392 : index
    %get3A_2190 = arith.constant 1 : index
    %get3A_2191 = vector.load %arg3[%get3A_2188, %get3A_2189, %get3A_2190] : memref<1x2048x2xf32, #tpu.memory_space<vmem>>, vector<1x16x1xf32>
    %get3A_2192 = vector.shape_cast %get3A_2191 : vector<1x16x1xf32> to vector<16x1xf32>
    %sub3A_2193 = vector.broadcast %get3A_2187 : vector<16x1xf32> to vector<16x1024xf32>
    %sub3A_2194 = vector.broadcast %transpose3A : vector<1x1024xf32> to vector<16x1024xf32>
    %sub3A_2195 = arith.subf %sub3A_2193, %sub3A_2194 : vector<16x1024xf32>
    %abs3A_2196 = math.absf %sub3A_2195 : vector<16x1024xf32>
    %sub3A_2197 = vector.broadcast %get3A_2192 : vector<16x1xf32> to vector<16x1024xf32>
    %sub3A_2198 = vector.broadcast %transpose3A_9 : vector<1x1024xf32> to vector<16x1024xf32>
    %sub3A_2199 = arith.subf %sub3A_2197, %sub3A_2198 : vector<16x1024xf32>
    %abs3A_2200 = math.absf %sub3A_2199 : vector<16x1024xf32>
    %add3A_2201 = arith.addf %abs3A_2196, %abs3A_2200 : vector<16x1024xf32>
    %lt3A_2202 = arith.cmpf olt, %add3A_2201, %select_n3A_2178 : vector<16x1024xf32>
    %select_n3A_2203 = arith.select %lt3A_2202, %add3A_2201, %select_n3A_2178 : vector<16x1024xi1>, vector<16x1024xf32>
    %add3A_2204 = arith.constant 1392 : i32
    %add3A_2205 = vector.broadcast %add3A_2204 : i32 to vector<16x1024xi32>
    %add3A_2206 = arith.addi %iota3A, %add3A_2205 : vector<16x1024xi32>
    %select_n3A_2207 = arith.select %lt3A_2202, %add3A_2206, %select_n3A_2182 : vector<16x1024xi1>, vector<16x1024xi32>
    %get3A_2208 = arith.constant 0 : index
    %get3A_2209 = arith.constant 1408 : index
    %get3A_2210 = arith.constant 0 : index
    %get3A_2211 = vector.load %arg3[%get3A_2208, %get3A_2209, %get3A_2210] : memref<1x2048x2xf32, #tpu.memory_space<vmem>>, vector<1x16x1xf32>
    %get3A_2212 = vector.shape_cast %get3A_2211 : vector<1x16x1xf32> to vector<16x1xf32>
    %get3A_2213 = arith.constant 0 : index
    %get3A_2214 = arith.constant 1408 : index
    %get3A_2215 = arith.constant 1 : index
    %get3A_2216 = vector.load %arg3[%get3A_2213, %get3A_2214, %get3A_2215] : memref<1x2048x2xf32, #tpu.memory_space<vmem>>, vector<1x16x1xf32>
    %get3A_2217 = vector.shape_cast %get3A_2216 : vector<1x16x1xf32> to vector<16x1xf32>
    %sub3A_2218 = vector.broadcast %get3A_2212 : vector<16x1xf32> to vector<16x1024xf32>
    %sub3A_2219 = vector.broadcast %transpose3A : vector<1x1024xf32> to vector<16x1024xf32>
    %sub3A_2220 = arith.subf %sub3A_2218, %sub3A_2219 : vector<16x1024xf32>
    %abs3A_2221 = math.absf %sub3A_2220 : vector<16x1024xf32>
    %sub3A_2222 = vector.broadcast %get3A_2217 : vector<16x1xf32> to vector<16x1024xf32>
    %sub3A_2223 = vector.broadcast %transpose3A_9 : vector<1x1024xf32> to vector<16x1024xf32>
    %sub3A_2224 = arith.subf %sub3A_2222, %sub3A_2223 : vector<16x1024xf32>
    %abs3A_2225 = math.absf %sub3A_2224 : vector<16x1024xf32>
    %add3A_2226 = arith.addf %abs3A_2221, %abs3A_2225 : vector<16x1024xf32>
    %lt3A_2227 = arith.cmpf olt, %add3A_2226, %select_n3A_2203 : vector<16x1024xf32>
    %select_n3A_2228 = arith.select %lt3A_2227, %add3A_2226, %select_n3A_2203 : vector<16x1024xi1>, vector<16x1024xf32>
    %add3A_2229 = arith.constant 1408 : i32
    %add3A_2230 = vector.broadcast %add3A_2229 : i32 to vector<16x1024xi32>
    %add3A_2231 = arith.addi %iota3A, %add3A_2230 : vector<16x1024xi32>
    %select_n3A_2232 = arith.select %lt3A_2227, %add3A_2231, %select_n3A_2207 : vector<16x1024xi1>, vector<16x1024xi32>
    %get3A_2233 = arith.constant 0 : index
    %get3A_2234 = arith.constant 1424 : index
    %get3A_2235 = arith.constant 0 : index
    %get3A_2236 = vector.load %arg3[%get3A_2233, %get3A_2234, %get3A_2235] : memref<1x2048x2xf32, #tpu.memory_space<vmem>>, vector<1x16x1xf32>
    %get3A_2237 = vector.shape_cast %get3A_2236 : vector<1x16x1xf32> to vector<16x1xf32>
    %get3A_2238 = arith.constant 0 : index
    %get3A_2239 = arith.constant 1424 : index
    %get3A_2240 = arith.constant 1 : index
    %get3A_2241 = vector.load %arg3[%get3A_2238, %get3A_2239, %get3A_2240] : memref<1x2048x2xf32, #tpu.memory_space<vmem>>, vector<1x16x1xf32>
    %get3A_2242 = vector.shape_cast %get3A_2241 : vector<1x16x1xf32> to vector<16x1xf32>
    %sub3A_2243 = vector.broadcast %get3A_2237 : vector<16x1xf32> to vector<16x1024xf32>
    %sub3A_2244 = vector.broadcast %transpose3A : vector<1x1024xf32> to vector<16x1024xf32>
    %sub3A_2245 = arith.subf %sub3A_2243, %sub3A_2244 : vector<16x1024xf32>
    %abs3A_2246 = math.absf %sub3A_2245 : vector<16x1024xf32>
    %sub3A_2247 = vector.broadcast %get3A_2242 : vector<16x1xf32> to vector<16x1024xf32>
    %sub3A_2248 = vector.broadcast %transpose3A_9 : vector<1x1024xf32> to vector<16x1024xf32>
    %sub3A_2249 = arith.subf %sub3A_2247, %sub3A_2248 : vector<16x1024xf32>
    %abs3A_2250 = math.absf %sub3A_2249 : vector<16x1024xf32>
    %add3A_2251 = arith.addf %abs3A_2246, %abs3A_2250 : vector<16x1024xf32>
    %lt3A_2252 = arith.cmpf olt, %add3A_2251, %select_n3A_2228 : vector<16x1024xf32>
    %select_n3A_2253 = arith.select %lt3A_2252, %add3A_2251, %select_n3A_2228 : vector<16x1024xi1>, vector<16x1024xf32>
    %add3A_2254 = arith.constant 1424 : i32
    %add3A_2255 = vector.broadcast %add3A_2254 : i32 to vector<16x1024xi32>
    %add3A_2256 = arith.addi %iota3A, %add3A_2255 : vector<16x1024xi32>
    %select_n3A_2257 = arith.select %lt3A_2252, %add3A_2256, %select_n3A_2232 : vector<16x1024xi1>, vector<16x1024xi32>
    %get3A_2258 = arith.constant 0 : index
    %get3A_2259 = arith.constant 1440 : index
    %get3A_2260 = arith.constant 0 : index
    %get3A_2261 = vector.load %arg3[%get3A_2258, %get3A_2259, %get3A_2260] : memref<1x2048x2xf32, #tpu.memory_space<vmem>>, vector<1x16x1xf32>
    %get3A_2262 = vector.shape_cast %get3A_2261 : vector<1x16x1xf32> to vector<16x1xf32>
    %get3A_2263 = arith.constant 0 : index
    %get3A_2264 = arith.constant 1440 : index
    %get3A_2265 = arith.constant 1 : index
    %get3A_2266 = vector.load %arg3[%get3A_2263, %get3A_2264, %get3A_2265] : memref<1x2048x2xf32, #tpu.memory_space<vmem>>, vector<1x16x1xf32>
    %get3A_2267 = vector.shape_cast %get3A_2266 : vector<1x16x1xf32> to vector<16x1xf32>
    %sub3A_2268 = vector.broadcast %get3A_2262 : vector<16x1xf32> to vector<16x1024xf32>
    %sub3A_2269 = vector.broadcast %transpose3A : vector<1x1024xf32> to vector<16x1024xf32>
    %sub3A_2270 = arith.subf %sub3A_2268, %sub3A_2269 : vector<16x1024xf32>
    %abs3A_2271 = math.absf %sub3A_2270 : vector<16x1024xf32>
    %sub3A_2272 = vector.broadcast %get3A_2267 : vector<16x1xf32> to vector<16x1024xf32>
    %sub3A_2273 = vector.broadcast %transpose3A_9 : vector<1x1024xf32> to vector<16x1024xf32>
    %sub3A_2274 = arith.subf %sub3A_2272, %sub3A_2273 : vector<16x1024xf32>
    %abs3A_2275 = math.absf %sub3A_2274 : vector<16x1024xf32>
    %add3A_2276 = arith.addf %abs3A_2271, %abs3A_2275 : vector<16x1024xf32>
    %lt3A_2277 = arith.cmpf olt, %add3A_2276, %select_n3A_2253 : vector<16x1024xf32>
    %select_n3A_2278 = arith.select %lt3A_2277, %add3A_2276, %select_n3A_2253 : vector<16x1024xi1>, vector<16x1024xf32>
    %add3A_2279 = arith.constant 1440 : i32
    %add3A_2280 = vector.broadcast %add3A_2279 : i32 to vector<16x1024xi32>
    %add3A_2281 = arith.addi %iota3A, %add3A_2280 : vector<16x1024xi32>
    %select_n3A_2282 = arith.select %lt3A_2277, %add3A_2281, %select_n3A_2257 : vector<16x1024xi1>, vector<16x1024xi32>
    %get3A_2283 = arith.constant 0 : index
    %get3A_2284 = arith.constant 1456 : index
    %get3A_2285 = arith.constant 0 : index
    %get3A_2286 = vector.load %arg3[%get3A_2283, %get3A_2284, %get3A_2285] : memref<1x2048x2xf32, #tpu.memory_space<vmem>>, vector<1x16x1xf32>
    %get3A_2287 = vector.shape_cast %get3A_2286 : vector<1x16x1xf32> to vector<16x1xf32>
    %get3A_2288 = arith.constant 0 : index
    %get3A_2289 = arith.constant 1456 : index
    %get3A_2290 = arith.constant 1 : index
    %get3A_2291 = vector.load %arg3[%get3A_2288, %get3A_2289, %get3A_2290] : memref<1x2048x2xf32, #tpu.memory_space<vmem>>, vector<1x16x1xf32>
    %get3A_2292 = vector.shape_cast %get3A_2291 : vector<1x16x1xf32> to vector<16x1xf32>
    %sub3A_2293 = vector.broadcast %get3A_2287 : vector<16x1xf32> to vector<16x1024xf32>
    %sub3A_2294 = vector.broadcast %transpose3A : vector<1x1024xf32> to vector<16x1024xf32>
    %sub3A_2295 = arith.subf %sub3A_2293, %sub3A_2294 : vector<16x1024xf32>
    %abs3A_2296 = math.absf %sub3A_2295 : vector<16x1024xf32>
    %sub3A_2297 = vector.broadcast %get3A_2292 : vector<16x1xf32> to vector<16x1024xf32>
    %sub3A_2298 = vector.broadcast %transpose3A_9 : vector<1x1024xf32> to vector<16x1024xf32>
    %sub3A_2299 = arith.subf %sub3A_2297, %sub3A_2298 : vector<16x1024xf32>
    %abs3A_2300 = math.absf %sub3A_2299 : vector<16x1024xf32>
    %add3A_2301 = arith.addf %abs3A_2296, %abs3A_2300 : vector<16x1024xf32>
    %lt3A_2302 = arith.cmpf olt, %add3A_2301, %select_n3A_2278 : vector<16x1024xf32>
    %select_n3A_2303 = arith.select %lt3A_2302, %add3A_2301, %select_n3A_2278 : vector<16x1024xi1>, vector<16x1024xf32>
    %add3A_2304 = arith.constant 1456 : i32
    %add3A_2305 = vector.broadcast %add3A_2304 : i32 to vector<16x1024xi32>
    %add3A_2306 = arith.addi %iota3A, %add3A_2305 : vector<16x1024xi32>
    %select_n3A_2307 = arith.select %lt3A_2302, %add3A_2306, %select_n3A_2282 : vector<16x1024xi1>, vector<16x1024xi32>
    %get3A_2308 = arith.constant 0 : index
    %get3A_2309 = arith.constant 1472 : index
    %get3A_2310 = arith.constant 0 : index
    %get3A_2311 = vector.load %arg3[%get3A_2308, %get3A_2309, %get3A_2310] : memref<1x2048x2xf32, #tpu.memory_space<vmem>>, vector<1x16x1xf32>
    %get3A_2312 = vector.shape_cast %get3A_2311 : vector<1x16x1xf32> to vector<16x1xf32>
    %get3A_2313 = arith.constant 0 : index
    %get3A_2314 = arith.constant 1472 : index
    %get3A_2315 = arith.constant 1 : index
    %get3A_2316 = vector.load %arg3[%get3A_2313, %get3A_2314, %get3A_2315] : memref<1x2048x2xf32, #tpu.memory_space<vmem>>, vector<1x16x1xf32>
    %get3A_2317 = vector.shape_cast %get3A_2316 : vector<1x16x1xf32> to vector<16x1xf32>
    %sub3A_2318 = vector.broadcast %get3A_2312 : vector<16x1xf32> to vector<16x1024xf32>
    %sub3A_2319 = vector.broadcast %transpose3A : vector<1x1024xf32> to vector<16x1024xf32>
    %sub3A_2320 = arith.subf %sub3A_2318, %sub3A_2319 : vector<16x1024xf32>
    %abs3A_2321 = math.absf %sub3A_2320 : vector<16x1024xf32>
    %sub3A_2322 = vector.broadcast %get3A_2317 : vector<16x1xf32> to vector<16x1024xf32>
    %sub3A_2323 = vector.broadcast %transpose3A_9 : vector<1x1024xf32> to vector<16x1024xf32>
    %sub3A_2324 = arith.subf %sub3A_2322, %sub3A_2323 : vector<16x1024xf32>
    %abs3A_2325 = math.absf %sub3A_2324 : vector<16x1024xf32>
    %add3A_2326 = arith.addf %abs3A_2321, %abs3A_2325 : vector<16x1024xf32>
    %lt3A_2327 = arith.cmpf olt, %add3A_2326, %select_n3A_2303 : vector<16x1024xf32>
    %select_n3A_2328 = arith.select %lt3A_2327, %add3A_2326, %select_n3A_2303 : vector<16x1024xi1>, vector<16x1024xf32>
    %add3A_2329 = arith.constant 1472 : i32
    %add3A_2330 = vector.broadcast %add3A_2329 : i32 to vector<16x1024xi32>
    %add3A_2331 = arith.addi %iota3A, %add3A_2330 : vector<16x1024xi32>
    %select_n3A_2332 = arith.select %lt3A_2327, %add3A_2331, %select_n3A_2307 : vector<16x1024xi1>, vector<16x1024xi32>
    %get3A_2333 = arith.constant 0 : index
    %get3A_2334 = arith.constant 1488 : index
    %get3A_2335 = arith.constant 0 : index
    %get3A_2336 = vector.load %arg3[%get3A_2333, %get3A_2334, %get3A_2335] : memref<1x2048x2xf32, #tpu.memory_space<vmem>>, vector<1x16x1xf32>
    %get3A_2337 = vector.shape_cast %get3A_2336 : vector<1x16x1xf32> to vector<16x1xf32>
    %get3A_2338 = arith.constant 0 : index
    %get3A_2339 = arith.constant 1488 : index
    %get3A_2340 = arith.constant 1 : index
    %get3A_2341 = vector.load %arg3[%get3A_2338, %get3A_2339, %get3A_2340] : memref<1x2048x2xf32, #tpu.memory_space<vmem>>, vector<1x16x1xf32>
    %get3A_2342 = vector.shape_cast %get3A_2341 : vector<1x16x1xf32> to vector<16x1xf32>
    %sub3A_2343 = vector.broadcast %get3A_2337 : vector<16x1xf32> to vector<16x1024xf32>
    %sub3A_2344 = vector.broadcast %transpose3A : vector<1x1024xf32> to vector<16x1024xf32>
    %sub3A_2345 = arith.subf %sub3A_2343, %sub3A_2344 : vector<16x1024xf32>
    %abs3A_2346 = math.absf %sub3A_2345 : vector<16x1024xf32>
    %sub3A_2347 = vector.broadcast %get3A_2342 : vector<16x1xf32> to vector<16x1024xf32>
    %sub3A_2348 = vector.broadcast %transpose3A_9 : vector<1x1024xf32> to vector<16x1024xf32>
    %sub3A_2349 = arith.subf %sub3A_2347, %sub3A_2348 : vector<16x1024xf32>
    %abs3A_2350 = math.absf %sub3A_2349 : vector<16x1024xf32>
    %add3A_2351 = arith.addf %abs3A_2346, %abs3A_2350 : vector<16x1024xf32>
    %lt3A_2352 = arith.cmpf olt, %add3A_2351, %select_n3A_2328 : vector<16x1024xf32>
    %select_n3A_2353 = arith.select %lt3A_2352, %add3A_2351, %select_n3A_2328 : vector<16x1024xi1>, vector<16x1024xf32>
    %add3A_2354 = arith.constant 1488 : i32
    %add3A_2355 = vector.broadcast %add3A_2354 : i32 to vector<16x1024xi32>
    %add3A_2356 = arith.addi %iota3A, %add3A_2355 : vector<16x1024xi32>
    %select_n3A_2357 = arith.select %lt3A_2352, %add3A_2356, %select_n3A_2332 : vector<16x1024xi1>, vector<16x1024xi32>
    %get3A_2358 = arith.constant 0 : index
    %get3A_2359 = arith.constant 1504 : index
    %get3A_2360 = arith.constant 0 : index
    %get3A_2361 = vector.load %arg3[%get3A_2358, %get3A_2359, %get3A_2360] : memref<1x2048x2xf32, #tpu.memory_space<vmem>>, vector<1x16x1xf32>
    %get3A_2362 = vector.shape_cast %get3A_2361 : vector<1x16x1xf32> to vector<16x1xf32>
    %get3A_2363 = arith.constant 0 : index
    %get3A_2364 = arith.constant 1504 : index
    %get3A_2365 = arith.constant 1 : index
    %get3A_2366 = vector.load %arg3[%get3A_2363, %get3A_2364, %get3A_2365] : memref<1x2048x2xf32, #tpu.memory_space<vmem>>, vector<1x16x1xf32>
    %get3A_2367 = vector.shape_cast %get3A_2366 : vector<1x16x1xf32> to vector<16x1xf32>
    %sub3A_2368 = vector.broadcast %get3A_2362 : vector<16x1xf32> to vector<16x1024xf32>
    %sub3A_2369 = vector.broadcast %transpose3A : vector<1x1024xf32> to vector<16x1024xf32>
    %sub3A_2370 = arith.subf %sub3A_2368, %sub3A_2369 : vector<16x1024xf32>
    %abs3A_2371 = math.absf %sub3A_2370 : vector<16x1024xf32>
    %sub3A_2372 = vector.broadcast %get3A_2367 : vector<16x1xf32> to vector<16x1024xf32>
    %sub3A_2373 = vector.broadcast %transpose3A_9 : vector<1x1024xf32> to vector<16x1024xf32>
    %sub3A_2374 = arith.subf %sub3A_2372, %sub3A_2373 : vector<16x1024xf32>
    %abs3A_2375 = math.absf %sub3A_2374 : vector<16x1024xf32>
    %add3A_2376 = arith.addf %abs3A_2371, %abs3A_2375 : vector<16x1024xf32>
    %lt3A_2377 = arith.cmpf olt, %add3A_2376, %select_n3A_2353 : vector<16x1024xf32>
    %select_n3A_2378 = arith.select %lt3A_2377, %add3A_2376, %select_n3A_2353 : vector<16x1024xi1>, vector<16x1024xf32>
    %add3A_2379 = arith.constant 1504 : i32
    %add3A_2380 = vector.broadcast %add3A_2379 : i32 to vector<16x1024xi32>
    %add3A_2381 = arith.addi %iota3A, %add3A_2380 : vector<16x1024xi32>
    %select_n3A_2382 = arith.select %lt3A_2377, %add3A_2381, %select_n3A_2357 : vector<16x1024xi1>, vector<16x1024xi32>
    %get3A_2383 = arith.constant 0 : index
    %get3A_2384 = arith.constant 1520 : index
    %get3A_2385 = arith.constant 0 : index
    %get3A_2386 = vector.load %arg3[%get3A_2383, %get3A_2384, %get3A_2385] : memref<1x2048x2xf32, #tpu.memory_space<vmem>>, vector<1x16x1xf32>
    %get3A_2387 = vector.shape_cast %get3A_2386 : vector<1x16x1xf32> to vector<16x1xf32>
    %get3A_2388 = arith.constant 0 : index
    %get3A_2389 = arith.constant 1520 : index
    %get3A_2390 = arith.constant 1 : index
    %get3A_2391 = vector.load %arg3[%get3A_2388, %get3A_2389, %get3A_2390] : memref<1x2048x2xf32, #tpu.memory_space<vmem>>, vector<1x16x1xf32>
    %get3A_2392 = vector.shape_cast %get3A_2391 : vector<1x16x1xf32> to vector<16x1xf32>
    %sub3A_2393 = vector.broadcast %get3A_2387 : vector<16x1xf32> to vector<16x1024xf32>
    %sub3A_2394 = vector.broadcast %transpose3A : vector<1x1024xf32> to vector<16x1024xf32>
    %sub3A_2395 = arith.subf %sub3A_2393, %sub3A_2394 : vector<16x1024xf32>
    %abs3A_2396 = math.absf %sub3A_2395 : vector<16x1024xf32>
    %sub3A_2397 = vector.broadcast %get3A_2392 : vector<16x1xf32> to vector<16x1024xf32>
    %sub3A_2398 = vector.broadcast %transpose3A_9 : vector<1x1024xf32> to vector<16x1024xf32>
    %sub3A_2399 = arith.subf %sub3A_2397, %sub3A_2398 : vector<16x1024xf32>
    %abs3A_2400 = math.absf %sub3A_2399 : vector<16x1024xf32>
    %add3A_2401 = arith.addf %abs3A_2396, %abs3A_2400 : vector<16x1024xf32>
    %lt3A_2402 = arith.cmpf olt, %add3A_2401, %select_n3A_2378 : vector<16x1024xf32>
    %select_n3A_2403 = arith.select %lt3A_2402, %add3A_2401, %select_n3A_2378 : vector<16x1024xi1>, vector<16x1024xf32>
    %add3A_2404 = arith.constant 1520 : i32
    %add3A_2405 = vector.broadcast %add3A_2404 : i32 to vector<16x1024xi32>
    %add3A_2406 = arith.addi %iota3A, %add3A_2405 : vector<16x1024xi32>
    %select_n3A_2407 = arith.select %lt3A_2402, %add3A_2406, %select_n3A_2382 : vector<16x1024xi1>, vector<16x1024xi32>
    %get3A_2408 = arith.constant 0 : index
    %get3A_2409 = arith.constant 1536 : index
    %get3A_2410 = arith.constant 0 : index
    %get3A_2411 = vector.load %arg3[%get3A_2408, %get3A_2409, %get3A_2410] : memref<1x2048x2xf32, #tpu.memory_space<vmem>>, vector<1x16x1xf32>
    %get3A_2412 = vector.shape_cast %get3A_2411 : vector<1x16x1xf32> to vector<16x1xf32>
    %get3A_2413 = arith.constant 0 : index
    %get3A_2414 = arith.constant 1536 : index
    %get3A_2415 = arith.constant 1 : index
    %get3A_2416 = vector.load %arg3[%get3A_2413, %get3A_2414, %get3A_2415] : memref<1x2048x2xf32, #tpu.memory_space<vmem>>, vector<1x16x1xf32>
    %get3A_2417 = vector.shape_cast %get3A_2416 : vector<1x16x1xf32> to vector<16x1xf32>
    %sub3A_2418 = vector.broadcast %get3A_2412 : vector<16x1xf32> to vector<16x1024xf32>
    %sub3A_2419 = vector.broadcast %transpose3A : vector<1x1024xf32> to vector<16x1024xf32>
    %sub3A_2420 = arith.subf %sub3A_2418, %sub3A_2419 : vector<16x1024xf32>
    %abs3A_2421 = math.absf %sub3A_2420 : vector<16x1024xf32>
    %sub3A_2422 = vector.broadcast %get3A_2417 : vector<16x1xf32> to vector<16x1024xf32>
    %sub3A_2423 = vector.broadcast %transpose3A_9 : vector<1x1024xf32> to vector<16x1024xf32>
    %sub3A_2424 = arith.subf %sub3A_2422, %sub3A_2423 : vector<16x1024xf32>
    %abs3A_2425 = math.absf %sub3A_2424 : vector<16x1024xf32>
    %add3A_2426 = arith.addf %abs3A_2421, %abs3A_2425 : vector<16x1024xf32>
    %lt3A_2427 = arith.cmpf olt, %add3A_2426, %select_n3A_2403 : vector<16x1024xf32>
    %select_n3A_2428 = arith.select %lt3A_2427, %add3A_2426, %select_n3A_2403 : vector<16x1024xi1>, vector<16x1024xf32>
    %add3A_2429 = arith.constant 1536 : i32
    %add3A_2430 = vector.broadcast %add3A_2429 : i32 to vector<16x1024xi32>
    %add3A_2431 = arith.addi %iota3A, %add3A_2430 : vector<16x1024xi32>
    %select_n3A_2432 = arith.select %lt3A_2427, %add3A_2431, %select_n3A_2407 : vector<16x1024xi1>, vector<16x1024xi32>
    %get3A_2433 = arith.constant 0 : index
    %get3A_2434 = arith.constant 1552 : index
    %get3A_2435 = arith.constant 0 : index
    %get3A_2436 = vector.load %arg3[%get3A_2433, %get3A_2434, %get3A_2435] : memref<1x2048x2xf32, #tpu.memory_space<vmem>>, vector<1x16x1xf32>
    %get3A_2437 = vector.shape_cast %get3A_2436 : vector<1x16x1xf32> to vector<16x1xf32>
    %get3A_2438 = arith.constant 0 : index
    %get3A_2439 = arith.constant 1552 : index
    %get3A_2440 = arith.constant 1 : index
    %get3A_2441 = vector.load %arg3[%get3A_2438, %get3A_2439, %get3A_2440] : memref<1x2048x2xf32, #tpu.memory_space<vmem>>, vector<1x16x1xf32>
    %get3A_2442 = vector.shape_cast %get3A_2441 : vector<1x16x1xf32> to vector<16x1xf32>
    %sub3A_2443 = vector.broadcast %get3A_2437 : vector<16x1xf32> to vector<16x1024xf32>
    %sub3A_2444 = vector.broadcast %transpose3A : vector<1x1024xf32> to vector<16x1024xf32>
    %sub3A_2445 = arith.subf %sub3A_2443, %sub3A_2444 : vector<16x1024xf32>
    %abs3A_2446 = math.absf %sub3A_2445 : vector<16x1024xf32>
    %sub3A_2447 = vector.broadcast %get3A_2442 : vector<16x1xf32> to vector<16x1024xf32>
    %sub3A_2448 = vector.broadcast %transpose3A_9 : vector<1x1024xf32> to vector<16x1024xf32>
    %sub3A_2449 = arith.subf %sub3A_2447, %sub3A_2448 : vector<16x1024xf32>
    %abs3A_2450 = math.absf %sub3A_2449 : vector<16x1024xf32>
    %add3A_2451 = arith.addf %abs3A_2446, %abs3A_2450 : vector<16x1024xf32>
    %lt3A_2452 = arith.cmpf olt, %add3A_2451, %select_n3A_2428 : vector<16x1024xf32>
    %select_n3A_2453 = arith.select %lt3A_2452, %add3A_2451, %select_n3A_2428 : vector<16x1024xi1>, vector<16x1024xf32>
    %add3A_2454 = arith.constant 1552 : i32
    %add3A_2455 = vector.broadcast %add3A_2454 : i32 to vector<16x1024xi32>
    %add3A_2456 = arith.addi %iota3A, %add3A_2455 : vector<16x1024xi32>
    %select_n3A_2457 = arith.select %lt3A_2452, %add3A_2456, %select_n3A_2432 : vector<16x1024xi1>, vector<16x1024xi32>
    %get3A_2458 = arith.constant 0 : index
    %get3A_2459 = arith.constant 1568 : index
    %get3A_2460 = arith.constant 0 : index
    %get3A_2461 = vector.load %arg3[%get3A_2458, %get3A_2459, %get3A_2460] : memref<1x2048x2xf32, #tpu.memory_space<vmem>>, vector<1x16x1xf32>
    %get3A_2462 = vector.shape_cast %get3A_2461 : vector<1x16x1xf32> to vector<16x1xf32>
    %get3A_2463 = arith.constant 0 : index
    %get3A_2464 = arith.constant 1568 : index
    %get3A_2465 = arith.constant 1 : index
    %get3A_2466 = vector.load %arg3[%get3A_2463, %get3A_2464, %get3A_2465] : memref<1x2048x2xf32, #tpu.memory_space<vmem>>, vector<1x16x1xf32>
    %get3A_2467 = vector.shape_cast %get3A_2466 : vector<1x16x1xf32> to vector<16x1xf32>
    %sub3A_2468 = vector.broadcast %get3A_2462 : vector<16x1xf32> to vector<16x1024xf32>
    %sub3A_2469 = vector.broadcast %transpose3A : vector<1x1024xf32> to vector<16x1024xf32>
    %sub3A_2470 = arith.subf %sub3A_2468, %sub3A_2469 : vector<16x1024xf32>
    %abs3A_2471 = math.absf %sub3A_2470 : vector<16x1024xf32>
    %sub3A_2472 = vector.broadcast %get3A_2467 : vector<16x1xf32> to vector<16x1024xf32>
    %sub3A_2473 = vector.broadcast %transpose3A_9 : vector<1x1024xf32> to vector<16x1024xf32>
    %sub3A_2474 = arith.subf %sub3A_2472, %sub3A_2473 : vector<16x1024xf32>
    %abs3A_2475 = math.absf %sub3A_2474 : vector<16x1024xf32>
    %add3A_2476 = arith.addf %abs3A_2471, %abs3A_2475 : vector<16x1024xf32>
    %lt3A_2477 = arith.cmpf olt, %add3A_2476, %select_n3A_2453 : vector<16x1024xf32>
    %select_n3A_2478 = arith.select %lt3A_2477, %add3A_2476, %select_n3A_2453 : vector<16x1024xi1>, vector<16x1024xf32>
    %add3A_2479 = arith.constant 1568 : i32
    %add3A_2480 = vector.broadcast %add3A_2479 : i32 to vector<16x1024xi32>
    %add3A_2481 = arith.addi %iota3A, %add3A_2480 : vector<16x1024xi32>
    %select_n3A_2482 = arith.select %lt3A_2477, %add3A_2481, %select_n3A_2457 : vector<16x1024xi1>, vector<16x1024xi32>
    %get3A_2483 = arith.constant 0 : index
    %get3A_2484 = arith.constant 1584 : index
    %get3A_2485 = arith.constant 0 : index
    %get3A_2486 = vector.load %arg3[%get3A_2483, %get3A_2484, %get3A_2485] : memref<1x2048x2xf32, #tpu.memory_space<vmem>>, vector<1x16x1xf32>
    %get3A_2487 = vector.shape_cast %get3A_2486 : vector<1x16x1xf32> to vector<16x1xf32>
    %get3A_2488 = arith.constant 0 : index
    %get3A_2489 = arith.constant 1584 : index
    %get3A_2490 = arith.constant 1 : index
    %get3A_2491 = vector.load %arg3[%get3A_2488, %get3A_2489, %get3A_2490] : memref<1x2048x2xf32, #tpu.memory_space<vmem>>, vector<1x16x1xf32>
    %get3A_2492 = vector.shape_cast %get3A_2491 : vector<1x16x1xf32> to vector<16x1xf32>
    %sub3A_2493 = vector.broadcast %get3A_2487 : vector<16x1xf32> to vector<16x1024xf32>
    %sub3A_2494 = vector.broadcast %transpose3A : vector<1x1024xf32> to vector<16x1024xf32>
    %sub3A_2495 = arith.subf %sub3A_2493, %sub3A_2494 : vector<16x1024xf32>
    %abs3A_2496 = math.absf %sub3A_2495 : vector<16x1024xf32>
    %sub3A_2497 = vector.broadcast %get3A_2492 : vector<16x1xf32> to vector<16x1024xf32>
    %sub3A_2498 = vector.broadcast %transpose3A_9 : vector<1x1024xf32> to vector<16x1024xf32>
    %sub3A_2499 = arith.subf %sub3A_2497, %sub3A_2498 : vector<16x1024xf32>
    %abs3A_2500 = math.absf %sub3A_2499 : vector<16x1024xf32>
    %add3A_2501 = arith.addf %abs3A_2496, %abs3A_2500 : vector<16x1024xf32>
    %lt3A_2502 = arith.cmpf olt, %add3A_2501, %select_n3A_2478 : vector<16x1024xf32>
    %select_n3A_2503 = arith.select %lt3A_2502, %add3A_2501, %select_n3A_2478 : vector<16x1024xi1>, vector<16x1024xf32>
    %add3A_2504 = arith.constant 1584 : i32
    %add3A_2505 = vector.broadcast %add3A_2504 : i32 to vector<16x1024xi32>
    %add3A_2506 = arith.addi %iota3A, %add3A_2505 : vector<16x1024xi32>
    %select_n3A_2507 = arith.select %lt3A_2502, %add3A_2506, %select_n3A_2482 : vector<16x1024xi1>, vector<16x1024xi32>
    %get3A_2508 = arith.constant 0 : index
    %get3A_2509 = arith.constant 1600 : index
    %get3A_2510 = arith.constant 0 : index
    %get3A_2511 = vector.load %arg3[%get3A_2508, %get3A_2509, %get3A_2510] : memref<1x2048x2xf32, #tpu.memory_space<vmem>>, vector<1x16x1xf32>
    %get3A_2512 = vector.shape_cast %get3A_2511 : vector<1x16x1xf32> to vector<16x1xf32>
    %get3A_2513 = arith.constant 0 : index
    %get3A_2514 = arith.constant 1600 : index
    %get3A_2515 = arith.constant 1 : index
    %get3A_2516 = vector.load %arg3[%get3A_2513, %get3A_2514, %get3A_2515] : memref<1x2048x2xf32, #tpu.memory_space<vmem>>, vector<1x16x1xf32>
    %get3A_2517 = vector.shape_cast %get3A_2516 : vector<1x16x1xf32> to vector<16x1xf32>
    %sub3A_2518 = vector.broadcast %get3A_2512 : vector<16x1xf32> to vector<16x1024xf32>
    %sub3A_2519 = vector.broadcast %transpose3A : vector<1x1024xf32> to vector<16x1024xf32>
    %sub3A_2520 = arith.subf %sub3A_2518, %sub3A_2519 : vector<16x1024xf32>
    %abs3A_2521 = math.absf %sub3A_2520 : vector<16x1024xf32>
    %sub3A_2522 = vector.broadcast %get3A_2517 : vector<16x1xf32> to vector<16x1024xf32>
    %sub3A_2523 = vector.broadcast %transpose3A_9 : vector<1x1024xf32> to vector<16x1024xf32>
    %sub3A_2524 = arith.subf %sub3A_2522, %sub3A_2523 : vector<16x1024xf32>
    %abs3A_2525 = math.absf %sub3A_2524 : vector<16x1024xf32>
    %add3A_2526 = arith.addf %abs3A_2521, %abs3A_2525 : vector<16x1024xf32>
    %lt3A_2527 = arith.cmpf olt, %add3A_2526, %select_n3A_2503 : vector<16x1024xf32>
    %select_n3A_2528 = arith.select %lt3A_2527, %add3A_2526, %select_n3A_2503 : vector<16x1024xi1>, vector<16x1024xf32>
    %add3A_2529 = arith.constant 1600 : i32
    %add3A_2530 = vector.broadcast %add3A_2529 : i32 to vector<16x1024xi32>
    %add3A_2531 = arith.addi %iota3A, %add3A_2530 : vector<16x1024xi32>
    %select_n3A_2532 = arith.select %lt3A_2527, %add3A_2531, %select_n3A_2507 : vector<16x1024xi1>, vector<16x1024xi32>
    %get3A_2533 = arith.constant 0 : index
    %get3A_2534 = arith.constant 1616 : index
    %get3A_2535 = arith.constant 0 : index
    %get3A_2536 = vector.load %arg3[%get3A_2533, %get3A_2534, %get3A_2535] : memref<1x2048x2xf32, #tpu.memory_space<vmem>>, vector<1x16x1xf32>
    %get3A_2537 = vector.shape_cast %get3A_2536 : vector<1x16x1xf32> to vector<16x1xf32>
    %get3A_2538 = arith.constant 0 : index
    %get3A_2539 = arith.constant 1616 : index
    %get3A_2540 = arith.constant 1 : index
    %get3A_2541 = vector.load %arg3[%get3A_2538, %get3A_2539, %get3A_2540] : memref<1x2048x2xf32, #tpu.memory_space<vmem>>, vector<1x16x1xf32>
    %get3A_2542 = vector.shape_cast %get3A_2541 : vector<1x16x1xf32> to vector<16x1xf32>
    %sub3A_2543 = vector.broadcast %get3A_2537 : vector<16x1xf32> to vector<16x1024xf32>
    %sub3A_2544 = vector.broadcast %transpose3A : vector<1x1024xf32> to vector<16x1024xf32>
    %sub3A_2545 = arith.subf %sub3A_2543, %sub3A_2544 : vector<16x1024xf32>
    %abs3A_2546 = math.absf %sub3A_2545 : vector<16x1024xf32>
    %sub3A_2547 = vector.broadcast %get3A_2542 : vector<16x1xf32> to vector<16x1024xf32>
    %sub3A_2548 = vector.broadcast %transpose3A_9 : vector<1x1024xf32> to vector<16x1024xf32>
    %sub3A_2549 = arith.subf %sub3A_2547, %sub3A_2548 : vector<16x1024xf32>
    %abs3A_2550 = math.absf %sub3A_2549 : vector<16x1024xf32>
    %add3A_2551 = arith.addf %abs3A_2546, %abs3A_2550 : vector<16x1024xf32>
    %lt3A_2552 = arith.cmpf olt, %add3A_2551, %select_n3A_2528 : vector<16x1024xf32>
    %select_n3A_2553 = arith.select %lt3A_2552, %add3A_2551, %select_n3A_2528 : vector<16x1024xi1>, vector<16x1024xf32>
    %add3A_2554 = arith.constant 1616 : i32
    %add3A_2555 = vector.broadcast %add3A_2554 : i32 to vector<16x1024xi32>
    %add3A_2556 = arith.addi %iota3A, %add3A_2555 : vector<16x1024xi32>
    %select_n3A_2557 = arith.select %lt3A_2552, %add3A_2556, %select_n3A_2532 : vector<16x1024xi1>, vector<16x1024xi32>
    %get3A_2558 = arith.constant 0 : index
    %get3A_2559 = arith.constant 1632 : index
    %get3A_2560 = arith.constant 0 : index
    %get3A_2561 = vector.load %arg3[%get3A_2558, %get3A_2559, %get3A_2560] : memref<1x2048x2xf32, #tpu.memory_space<vmem>>, vector<1x16x1xf32>
    %get3A_2562 = vector.shape_cast %get3A_2561 : vector<1x16x1xf32> to vector<16x1xf32>
    %get3A_2563 = arith.constant 0 : index
    %get3A_2564 = arith.constant 1632 : index
    %get3A_2565 = arith.constant 1 : index
    %get3A_2566 = vector.load %arg3[%get3A_2563, %get3A_2564, %get3A_2565] : memref<1x2048x2xf32, #tpu.memory_space<vmem>>, vector<1x16x1xf32>
    %get3A_2567 = vector.shape_cast %get3A_2566 : vector<1x16x1xf32> to vector<16x1xf32>
    %sub3A_2568 = vector.broadcast %get3A_2562 : vector<16x1xf32> to vector<16x1024xf32>
    %sub3A_2569 = vector.broadcast %transpose3A : vector<1x1024xf32> to vector<16x1024xf32>
    %sub3A_2570 = arith.subf %sub3A_2568, %sub3A_2569 : vector<16x1024xf32>
    %abs3A_2571 = math.absf %sub3A_2570 : vector<16x1024xf32>
    %sub3A_2572 = vector.broadcast %get3A_2567 : vector<16x1xf32> to vector<16x1024xf32>
    %sub3A_2573 = vector.broadcast %transpose3A_9 : vector<1x1024xf32> to vector<16x1024xf32>
    %sub3A_2574 = arith.subf %sub3A_2572, %sub3A_2573 : vector<16x1024xf32>
    %abs3A_2575 = math.absf %sub3A_2574 : vector<16x1024xf32>
    %add3A_2576 = arith.addf %abs3A_2571, %abs3A_2575 : vector<16x1024xf32>
    %lt3A_2577 = arith.cmpf olt, %add3A_2576, %select_n3A_2553 : vector<16x1024xf32>
    %select_n3A_2578 = arith.select %lt3A_2577, %add3A_2576, %select_n3A_2553 : vector<16x1024xi1>, vector<16x1024xf32>
    %add3A_2579 = arith.constant 1632 : i32
    %add3A_2580 = vector.broadcast %add3A_2579 : i32 to vector<16x1024xi32>
    %add3A_2581 = arith.addi %iota3A, %add3A_2580 : vector<16x1024xi32>
    %select_n3A_2582 = arith.select %lt3A_2577, %add3A_2581, %select_n3A_2557 : vector<16x1024xi1>, vector<16x1024xi32>
    %get3A_2583 = arith.constant 0 : index
    %get3A_2584 = arith.constant 1648 : index
    %get3A_2585 = arith.constant 0 : index
    %get3A_2586 = vector.load %arg3[%get3A_2583, %get3A_2584, %get3A_2585] : memref<1x2048x2xf32, #tpu.memory_space<vmem>>, vector<1x16x1xf32>
    %get3A_2587 = vector.shape_cast %get3A_2586 : vector<1x16x1xf32> to vector<16x1xf32>
    %get3A_2588 = arith.constant 0 : index
    %get3A_2589 = arith.constant 1648 : index
    %get3A_2590 = arith.constant 1 : index
    %get3A_2591 = vector.load %arg3[%get3A_2588, %get3A_2589, %get3A_2590] : memref<1x2048x2xf32, #tpu.memory_space<vmem>>, vector<1x16x1xf32>
    %get3A_2592 = vector.shape_cast %get3A_2591 : vector<1x16x1xf32> to vector<16x1xf32>
    %sub3A_2593 = vector.broadcast %get3A_2587 : vector<16x1xf32> to vector<16x1024xf32>
    %sub3A_2594 = vector.broadcast %transpose3A : vector<1x1024xf32> to vector<16x1024xf32>
    %sub3A_2595 = arith.subf %sub3A_2593, %sub3A_2594 : vector<16x1024xf32>
    %abs3A_2596 = math.absf %sub3A_2595 : vector<16x1024xf32>
    %sub3A_2597 = vector.broadcast %get3A_2592 : vector<16x1xf32> to vector<16x1024xf32>
    %sub3A_2598 = vector.broadcast %transpose3A_9 : vector<1x1024xf32> to vector<16x1024xf32>
    %sub3A_2599 = arith.subf %sub3A_2597, %sub3A_2598 : vector<16x1024xf32>
    %abs3A_2600 = math.absf %sub3A_2599 : vector<16x1024xf32>
    %add3A_2601 = arith.addf %abs3A_2596, %abs3A_2600 : vector<16x1024xf32>
    %lt3A_2602 = arith.cmpf olt, %add3A_2601, %select_n3A_2578 : vector<16x1024xf32>
    %select_n3A_2603 = arith.select %lt3A_2602, %add3A_2601, %select_n3A_2578 : vector<16x1024xi1>, vector<16x1024xf32>
    %add3A_2604 = arith.constant 1648 : i32
    %add3A_2605 = vector.broadcast %add3A_2604 : i32 to vector<16x1024xi32>
    %add3A_2606 = arith.addi %iota3A, %add3A_2605 : vector<16x1024xi32>
    %select_n3A_2607 = arith.select %lt3A_2602, %add3A_2606, %select_n3A_2582 : vector<16x1024xi1>, vector<16x1024xi32>
    %get3A_2608 = arith.constant 0 : index
    %get3A_2609 = arith.constant 1664 : index
    %get3A_2610 = arith.constant 0 : index
    %get3A_2611 = vector.load %arg3[%get3A_2608, %get3A_2609, %get3A_2610] : memref<1x2048x2xf32, #tpu.memory_space<vmem>>, vector<1x16x1xf32>
    %get3A_2612 = vector.shape_cast %get3A_2611 : vector<1x16x1xf32> to vector<16x1xf32>
    %get3A_2613 = arith.constant 0 : index
    %get3A_2614 = arith.constant 1664 : index
    %get3A_2615 = arith.constant 1 : index
    %get3A_2616 = vector.load %arg3[%get3A_2613, %get3A_2614, %get3A_2615] : memref<1x2048x2xf32, #tpu.memory_space<vmem>>, vector<1x16x1xf32>
    %get3A_2617 = vector.shape_cast %get3A_2616 : vector<1x16x1xf32> to vector<16x1xf32>
    %sub3A_2618 = vector.broadcast %get3A_2612 : vector<16x1xf32> to vector<16x1024xf32>
    %sub3A_2619 = vector.broadcast %transpose3A : vector<1x1024xf32> to vector<16x1024xf32>
    %sub3A_2620 = arith.subf %sub3A_2618, %sub3A_2619 : vector<16x1024xf32>
    %abs3A_2621 = math.absf %sub3A_2620 : vector<16x1024xf32>
    %sub3A_2622 = vector.broadcast %get3A_2617 : vector<16x1xf32> to vector<16x1024xf32>
    %sub3A_2623 = vector.broadcast %transpose3A_9 : vector<1x1024xf32> to vector<16x1024xf32>
    %sub3A_2624 = arith.subf %sub3A_2622, %sub3A_2623 : vector<16x1024xf32>
    %abs3A_2625 = math.absf %sub3A_2624 : vector<16x1024xf32>
    %add3A_2626 = arith.addf %abs3A_2621, %abs3A_2625 : vector<16x1024xf32>
    %lt3A_2627 = arith.cmpf olt, %add3A_2626, %select_n3A_2603 : vector<16x1024xf32>
    %select_n3A_2628 = arith.select %lt3A_2627, %add3A_2626, %select_n3A_2603 : vector<16x1024xi1>, vector<16x1024xf32>
    %add3A_2629 = arith.constant 1664 : i32
    %add3A_2630 = vector.broadcast %add3A_2629 : i32 to vector<16x1024xi32>
    %add3A_2631 = arith.addi %iota3A, %add3A_2630 : vector<16x1024xi32>
    %select_n3A_2632 = arith.select %lt3A_2627, %add3A_2631, %select_n3A_2607 : vector<16x1024xi1>, vector<16x1024xi32>
    %get3A_2633 = arith.constant 0 : index
    %get3A_2634 = arith.constant 1680 : index
    %get3A_2635 = arith.constant 0 : index
    %get3A_2636 = vector.load %arg3[%get3A_2633, %get3A_2634, %get3A_2635] : memref<1x2048x2xf32, #tpu.memory_space<vmem>>, vector<1x16x1xf32>
    %get3A_2637 = vector.shape_cast %get3A_2636 : vector<1x16x1xf32> to vector<16x1xf32>
    %get3A_2638 = arith.constant 0 : index
    %get3A_2639 = arith.constant 1680 : index
    %get3A_2640 = arith.constant 1 : index
    %get3A_2641 = vector.load %arg3[%get3A_2638, %get3A_2639, %get3A_2640] : memref<1x2048x2xf32, #tpu.memory_space<vmem>>, vector<1x16x1xf32>
    %get3A_2642 = vector.shape_cast %get3A_2641 : vector<1x16x1xf32> to vector<16x1xf32>
    %sub3A_2643 = vector.broadcast %get3A_2637 : vector<16x1xf32> to vector<16x1024xf32>
    %sub3A_2644 = vector.broadcast %transpose3A : vector<1x1024xf32> to vector<16x1024xf32>
    %sub3A_2645 = arith.subf %sub3A_2643, %sub3A_2644 : vector<16x1024xf32>
    %abs3A_2646 = math.absf %sub3A_2645 : vector<16x1024xf32>
    %sub3A_2647 = vector.broadcast %get3A_2642 : vector<16x1xf32> to vector<16x1024xf32>
    %sub3A_2648 = vector.broadcast %transpose3A_9 : vector<1x1024xf32> to vector<16x1024xf32>
    %sub3A_2649 = arith.subf %sub3A_2647, %sub3A_2648 : vector<16x1024xf32>
    %abs3A_2650 = math.absf %sub3A_2649 : vector<16x1024xf32>
    %add3A_2651 = arith.addf %abs3A_2646, %abs3A_2650 : vector<16x1024xf32>
    %lt3A_2652 = arith.cmpf olt, %add3A_2651, %select_n3A_2628 : vector<16x1024xf32>
    %select_n3A_2653 = arith.select %lt3A_2652, %add3A_2651, %select_n3A_2628 : vector<16x1024xi1>, vector<16x1024xf32>
    %add3A_2654 = arith.constant 1680 : i32
    %add3A_2655 = vector.broadcast %add3A_2654 : i32 to vector<16x1024xi32>
    %add3A_2656 = arith.addi %iota3A, %add3A_2655 : vector<16x1024xi32>
    %select_n3A_2657 = arith.select %lt3A_2652, %add3A_2656, %select_n3A_2632 : vector<16x1024xi1>, vector<16x1024xi32>
    %get3A_2658 = arith.constant 0 : index
    %get3A_2659 = arith.constant 1696 : index
    %get3A_2660 = arith.constant 0 : index
    %get3A_2661 = vector.load %arg3[%get3A_2658, %get3A_2659, %get3A_2660] : memref<1x2048x2xf32, #tpu.memory_space<vmem>>, vector<1x16x1xf32>
    %get3A_2662 = vector.shape_cast %get3A_2661 : vector<1x16x1xf32> to vector<16x1xf32>
    %get3A_2663 = arith.constant 0 : index
    %get3A_2664 = arith.constant 1696 : index
    %get3A_2665 = arith.constant 1 : index
    %get3A_2666 = vector.load %arg3[%get3A_2663, %get3A_2664, %get3A_2665] : memref<1x2048x2xf32, #tpu.memory_space<vmem>>, vector<1x16x1xf32>
    %get3A_2667 = vector.shape_cast %get3A_2666 : vector<1x16x1xf32> to vector<16x1xf32>
    %sub3A_2668 = vector.broadcast %get3A_2662 : vector<16x1xf32> to vector<16x1024xf32>
    %sub3A_2669 = vector.broadcast %transpose3A : vector<1x1024xf32> to vector<16x1024xf32>
    %sub3A_2670 = arith.subf %sub3A_2668, %sub3A_2669 : vector<16x1024xf32>
    %abs3A_2671 = math.absf %sub3A_2670 : vector<16x1024xf32>
    %sub3A_2672 = vector.broadcast %get3A_2667 : vector<16x1xf32> to vector<16x1024xf32>
    %sub3A_2673 = vector.broadcast %transpose3A_9 : vector<1x1024xf32> to vector<16x1024xf32>
    %sub3A_2674 = arith.subf %sub3A_2672, %sub3A_2673 : vector<16x1024xf32>
    %abs3A_2675 = math.absf %sub3A_2674 : vector<16x1024xf32>
    %add3A_2676 = arith.addf %abs3A_2671, %abs3A_2675 : vector<16x1024xf32>
    %lt3A_2677 = arith.cmpf olt, %add3A_2676, %select_n3A_2653 : vector<16x1024xf32>
    %select_n3A_2678 = arith.select %lt3A_2677, %add3A_2676, %select_n3A_2653 : vector<16x1024xi1>, vector<16x1024xf32>
    %add3A_2679 = arith.constant 1696 : i32
    %add3A_2680 = vector.broadcast %add3A_2679 : i32 to vector<16x1024xi32>
    %add3A_2681 = arith.addi %iota3A, %add3A_2680 : vector<16x1024xi32>
    %select_n3A_2682 = arith.select %lt3A_2677, %add3A_2681, %select_n3A_2657 : vector<16x1024xi1>, vector<16x1024xi32>
    %get3A_2683 = arith.constant 0 : index
    %get3A_2684 = arith.constant 1712 : index
    %get3A_2685 = arith.constant 0 : index
    %get3A_2686 = vector.load %arg3[%get3A_2683, %get3A_2684, %get3A_2685] : memref<1x2048x2xf32, #tpu.memory_space<vmem>>, vector<1x16x1xf32>
    %get3A_2687 = vector.shape_cast %get3A_2686 : vector<1x16x1xf32> to vector<16x1xf32>
    %get3A_2688 = arith.constant 0 : index
    %get3A_2689 = arith.constant 1712 : index
    %get3A_2690 = arith.constant 1 : index
    %get3A_2691 = vector.load %arg3[%get3A_2688, %get3A_2689, %get3A_2690] : memref<1x2048x2xf32, #tpu.memory_space<vmem>>, vector<1x16x1xf32>
    %get3A_2692 = vector.shape_cast %get3A_2691 : vector<1x16x1xf32> to vector<16x1xf32>
    %sub3A_2693 = vector.broadcast %get3A_2687 : vector<16x1xf32> to vector<16x1024xf32>
    %sub3A_2694 = vector.broadcast %transpose3A : vector<1x1024xf32> to vector<16x1024xf32>
    %sub3A_2695 = arith.subf %sub3A_2693, %sub3A_2694 : vector<16x1024xf32>
    %abs3A_2696 = math.absf %sub3A_2695 : vector<16x1024xf32>
    %sub3A_2697 = vector.broadcast %get3A_2692 : vector<16x1xf32> to vector<16x1024xf32>
    %sub3A_2698 = vector.broadcast %transpose3A_9 : vector<1x1024xf32> to vector<16x1024xf32>
    %sub3A_2699 = arith.subf %sub3A_2697, %sub3A_2698 : vector<16x1024xf32>
    %abs3A_2700 = math.absf %sub3A_2699 : vector<16x1024xf32>
    %add3A_2701 = arith.addf %abs3A_2696, %abs3A_2700 : vector<16x1024xf32>
    %lt3A_2702 = arith.cmpf olt, %add3A_2701, %select_n3A_2678 : vector<16x1024xf32>
    %select_n3A_2703 = arith.select %lt3A_2702, %add3A_2701, %select_n3A_2678 : vector<16x1024xi1>, vector<16x1024xf32>
    %add3A_2704 = arith.constant 1712 : i32
    %add3A_2705 = vector.broadcast %add3A_2704 : i32 to vector<16x1024xi32>
    %add3A_2706 = arith.addi %iota3A, %add3A_2705 : vector<16x1024xi32>
    %select_n3A_2707 = arith.select %lt3A_2702, %add3A_2706, %select_n3A_2682 : vector<16x1024xi1>, vector<16x1024xi32>
    %get3A_2708 = arith.constant 0 : index
    %get3A_2709 = arith.constant 1728 : index
    %get3A_2710 = arith.constant 0 : index
    %get3A_2711 = vector.load %arg3[%get3A_2708, %get3A_2709, %get3A_2710] : memref<1x2048x2xf32, #tpu.memory_space<vmem>>, vector<1x16x1xf32>
    %get3A_2712 = vector.shape_cast %get3A_2711 : vector<1x16x1xf32> to vector<16x1xf32>
    %get3A_2713 = arith.constant 0 : index
    %get3A_2714 = arith.constant 1728 : index
    %get3A_2715 = arith.constant 1 : index
    %get3A_2716 = vector.load %arg3[%get3A_2713, %get3A_2714, %get3A_2715] : memref<1x2048x2xf32, #tpu.memory_space<vmem>>, vector<1x16x1xf32>
    %get3A_2717 = vector.shape_cast %get3A_2716 : vector<1x16x1xf32> to vector<16x1xf32>
    %sub3A_2718 = vector.broadcast %get3A_2712 : vector<16x1xf32> to vector<16x1024xf32>
    %sub3A_2719 = vector.broadcast %transpose3A : vector<1x1024xf32> to vector<16x1024xf32>
    %sub3A_2720 = arith.subf %sub3A_2718, %sub3A_2719 : vector<16x1024xf32>
    %abs3A_2721 = math.absf %sub3A_2720 : vector<16x1024xf32>
    %sub3A_2722 = vector.broadcast %get3A_2717 : vector<16x1xf32> to vector<16x1024xf32>
    %sub3A_2723 = vector.broadcast %transpose3A_9 : vector<1x1024xf32> to vector<16x1024xf32>
    %sub3A_2724 = arith.subf %sub3A_2722, %sub3A_2723 : vector<16x1024xf32>
    %abs3A_2725 = math.absf %sub3A_2724 : vector<16x1024xf32>
    %add3A_2726 = arith.addf %abs3A_2721, %abs3A_2725 : vector<16x1024xf32>
    %lt3A_2727 = arith.cmpf olt, %add3A_2726, %select_n3A_2703 : vector<16x1024xf32>
    %select_n3A_2728 = arith.select %lt3A_2727, %add3A_2726, %select_n3A_2703 : vector<16x1024xi1>, vector<16x1024xf32>
    %add3A_2729 = arith.constant 1728 : i32
    %add3A_2730 = vector.broadcast %add3A_2729 : i32 to vector<16x1024xi32>
    %add3A_2731 = arith.addi %iota3A, %add3A_2730 : vector<16x1024xi32>
    %select_n3A_2732 = arith.select %lt3A_2727, %add3A_2731, %select_n3A_2707 : vector<16x1024xi1>, vector<16x1024xi32>
    %get3A_2733 = arith.constant 0 : index
    %get3A_2734 = arith.constant 1744 : index
    %get3A_2735 = arith.constant 0 : index
    %get3A_2736 = vector.load %arg3[%get3A_2733, %get3A_2734, %get3A_2735] : memref<1x2048x2xf32, #tpu.memory_space<vmem>>, vector<1x16x1xf32>
    %get3A_2737 = vector.shape_cast %get3A_2736 : vector<1x16x1xf32> to vector<16x1xf32>
    %get3A_2738 = arith.constant 0 : index
    %get3A_2739 = arith.constant 1744 : index
    %get3A_2740 = arith.constant 1 : index
    %get3A_2741 = vector.load %arg3[%get3A_2738, %get3A_2739, %get3A_2740] : memref<1x2048x2xf32, #tpu.memory_space<vmem>>, vector<1x16x1xf32>
    %get3A_2742 = vector.shape_cast %get3A_2741 : vector<1x16x1xf32> to vector<16x1xf32>
    %sub3A_2743 = vector.broadcast %get3A_2737 : vector<16x1xf32> to vector<16x1024xf32>
    %sub3A_2744 = vector.broadcast %transpose3A : vector<1x1024xf32> to vector<16x1024xf32>
    %sub3A_2745 = arith.subf %sub3A_2743, %sub3A_2744 : vector<16x1024xf32>
    %abs3A_2746 = math.absf %sub3A_2745 : vector<16x1024xf32>
    %sub3A_2747 = vector.broadcast %get3A_2742 : vector<16x1xf32> to vector<16x1024xf32>
    %sub3A_2748 = vector.broadcast %transpose3A_9 : vector<1x1024xf32> to vector<16x1024xf32>
    %sub3A_2749 = arith.subf %sub3A_2747, %sub3A_2748 : vector<16x1024xf32>
    %abs3A_2750 = math.absf %sub3A_2749 : vector<16x1024xf32>
    %add3A_2751 = arith.addf %abs3A_2746, %abs3A_2750 : vector<16x1024xf32>
    %lt3A_2752 = arith.cmpf olt, %add3A_2751, %select_n3A_2728 : vector<16x1024xf32>
    %select_n3A_2753 = arith.select %lt3A_2752, %add3A_2751, %select_n3A_2728 : vector<16x1024xi1>, vector<16x1024xf32>
    %add3A_2754 = arith.constant 1744 : i32
    %add3A_2755 = vector.broadcast %add3A_2754 : i32 to vector<16x1024xi32>
    %add3A_2756 = arith.addi %iota3A, %add3A_2755 : vector<16x1024xi32>
    %select_n3A_2757 = arith.select %lt3A_2752, %add3A_2756, %select_n3A_2732 : vector<16x1024xi1>, vector<16x1024xi32>
    %get3A_2758 = arith.constant 0 : index
    %get3A_2759 = arith.constant 1760 : index
    %get3A_2760 = arith.constant 0 : index
    %get3A_2761 = vector.load %arg3[%get3A_2758, %get3A_2759, %get3A_2760] : memref<1x2048x2xf32, #tpu.memory_space<vmem>>, vector<1x16x1xf32>
    %get3A_2762 = vector.shape_cast %get3A_2761 : vector<1x16x1xf32> to vector<16x1xf32>
    %get3A_2763 = arith.constant 0 : index
    %get3A_2764 = arith.constant 1760 : index
    %get3A_2765 = arith.constant 1 : index
    %get3A_2766 = vector.load %arg3[%get3A_2763, %get3A_2764, %get3A_2765] : memref<1x2048x2xf32, #tpu.memory_space<vmem>>, vector<1x16x1xf32>
    %get3A_2767 = vector.shape_cast %get3A_2766 : vector<1x16x1xf32> to vector<16x1xf32>
    %sub3A_2768 = vector.broadcast %get3A_2762 : vector<16x1xf32> to vector<16x1024xf32>
    %sub3A_2769 = vector.broadcast %transpose3A : vector<1x1024xf32> to vector<16x1024xf32>
    %sub3A_2770 = arith.subf %sub3A_2768, %sub3A_2769 : vector<16x1024xf32>
    %abs3A_2771 = math.absf %sub3A_2770 : vector<16x1024xf32>
    %sub3A_2772 = vector.broadcast %get3A_2767 : vector<16x1xf32> to vector<16x1024xf32>
    %sub3A_2773 = vector.broadcast %transpose3A_9 : vector<1x1024xf32> to vector<16x1024xf32>
    %sub3A_2774 = arith.subf %sub3A_2772, %sub3A_2773 : vector<16x1024xf32>
    %abs3A_2775 = math.absf %sub3A_2774 : vector<16x1024xf32>
    %add3A_2776 = arith.addf %abs3A_2771, %abs3A_2775 : vector<16x1024xf32>
    %lt3A_2777 = arith.cmpf olt, %add3A_2776, %select_n3A_2753 : vector<16x1024xf32>
    %select_n3A_2778 = arith.select %lt3A_2777, %add3A_2776, %select_n3A_2753 : vector<16x1024xi1>, vector<16x1024xf32>
    %add3A_2779 = arith.constant 1760 : i32
    %add3A_2780 = vector.broadcast %add3A_2779 : i32 to vector<16x1024xi32>
    %add3A_2781 = arith.addi %iota3A, %add3A_2780 : vector<16x1024xi32>
    %select_n3A_2782 = arith.select %lt3A_2777, %add3A_2781, %select_n3A_2757 : vector<16x1024xi1>, vector<16x1024xi32>
    %get3A_2783 = arith.constant 0 : index
    %get3A_2784 = arith.constant 1776 : index
    %get3A_2785 = arith.constant 0 : index
    %get3A_2786 = vector.load %arg3[%get3A_2783, %get3A_2784, %get3A_2785] : memref<1x2048x2xf32, #tpu.memory_space<vmem>>, vector<1x16x1xf32>
    %get3A_2787 = vector.shape_cast %get3A_2786 : vector<1x16x1xf32> to vector<16x1xf32>
    %get3A_2788 = arith.constant 0 : index
    %get3A_2789 = arith.constant 1776 : index
    %get3A_2790 = arith.constant 1 : index
    %get3A_2791 = vector.load %arg3[%get3A_2788, %get3A_2789, %get3A_2790] : memref<1x2048x2xf32, #tpu.memory_space<vmem>>, vector<1x16x1xf32>
    %get3A_2792 = vector.shape_cast %get3A_2791 : vector<1x16x1xf32> to vector<16x1xf32>
    %sub3A_2793 = vector.broadcast %get3A_2787 : vector<16x1xf32> to vector<16x1024xf32>
    %sub3A_2794 = vector.broadcast %transpose3A : vector<1x1024xf32> to vector<16x1024xf32>
    %sub3A_2795 = arith.subf %sub3A_2793, %sub3A_2794 : vector<16x1024xf32>
    %abs3A_2796 = math.absf %sub3A_2795 : vector<16x1024xf32>
    %sub3A_2797 = vector.broadcast %get3A_2792 : vector<16x1xf32> to vector<16x1024xf32>
    %sub3A_2798 = vector.broadcast %transpose3A_9 : vector<1x1024xf32> to vector<16x1024xf32>
    %sub3A_2799 = arith.subf %sub3A_2797, %sub3A_2798 : vector<16x1024xf32>
    %abs3A_2800 = math.absf %sub3A_2799 : vector<16x1024xf32>
    %add3A_2801 = arith.addf %abs3A_2796, %abs3A_2800 : vector<16x1024xf32>
    %lt3A_2802 = arith.cmpf olt, %add3A_2801, %select_n3A_2778 : vector<16x1024xf32>
    %select_n3A_2803 = arith.select %lt3A_2802, %add3A_2801, %select_n3A_2778 : vector<16x1024xi1>, vector<16x1024xf32>
    %add3A_2804 = arith.constant 1776 : i32
    %add3A_2805 = vector.broadcast %add3A_2804 : i32 to vector<16x1024xi32>
    %add3A_2806 = arith.addi %iota3A, %add3A_2805 : vector<16x1024xi32>
    %select_n3A_2807 = arith.select %lt3A_2802, %add3A_2806, %select_n3A_2782 : vector<16x1024xi1>, vector<16x1024xi32>
    %get3A_2808 = arith.constant 0 : index
    %get3A_2809 = arith.constant 1792 : index
    %get3A_2810 = arith.constant 0 : index
    %get3A_2811 = vector.load %arg3[%get3A_2808, %get3A_2809, %get3A_2810] : memref<1x2048x2xf32, #tpu.memory_space<vmem>>, vector<1x16x1xf32>
    %get3A_2812 = vector.shape_cast %get3A_2811 : vector<1x16x1xf32> to vector<16x1xf32>
    %get3A_2813 = arith.constant 0 : index
    %get3A_2814 = arith.constant 1792 : index
    %get3A_2815 = arith.constant 1 : index
    %get3A_2816 = vector.load %arg3[%get3A_2813, %get3A_2814, %get3A_2815] : memref<1x2048x2xf32, #tpu.memory_space<vmem>>, vector<1x16x1xf32>
    %get3A_2817 = vector.shape_cast %get3A_2816 : vector<1x16x1xf32> to vector<16x1xf32>
    %sub3A_2818 = vector.broadcast %get3A_2812 : vector<16x1xf32> to vector<16x1024xf32>
    %sub3A_2819 = vector.broadcast %transpose3A : vector<1x1024xf32> to vector<16x1024xf32>
    %sub3A_2820 = arith.subf %sub3A_2818, %sub3A_2819 : vector<16x1024xf32>
    %abs3A_2821 = math.absf %sub3A_2820 : vector<16x1024xf32>
    %sub3A_2822 = vector.broadcast %get3A_2817 : vector<16x1xf32> to vector<16x1024xf32>
    %sub3A_2823 = vector.broadcast %transpose3A_9 : vector<1x1024xf32> to vector<16x1024xf32>
    %sub3A_2824 = arith.subf %sub3A_2822, %sub3A_2823 : vector<16x1024xf32>
    %abs3A_2825 = math.absf %sub3A_2824 : vector<16x1024xf32>
    %add3A_2826 = arith.addf %abs3A_2821, %abs3A_2825 : vector<16x1024xf32>
    %lt3A_2827 = arith.cmpf olt, %add3A_2826, %select_n3A_2803 : vector<16x1024xf32>
    %select_n3A_2828 = arith.select %lt3A_2827, %add3A_2826, %select_n3A_2803 : vector<16x1024xi1>, vector<16x1024xf32>
    %add3A_2829 = arith.constant 1792 : i32
    %add3A_2830 = vector.broadcast %add3A_2829 : i32 to vector<16x1024xi32>
    %add3A_2831 = arith.addi %iota3A, %add3A_2830 : vector<16x1024xi32>
    %select_n3A_2832 = arith.select %lt3A_2827, %add3A_2831, %select_n3A_2807 : vector<16x1024xi1>, vector<16x1024xi32>
    %get3A_2833 = arith.constant 0 : index
    %get3A_2834 = arith.constant 1808 : index
    %get3A_2835 = arith.constant 0 : index
    %get3A_2836 = vector.load %arg3[%get3A_2833, %get3A_2834, %get3A_2835] : memref<1x2048x2xf32, #tpu.memory_space<vmem>>, vector<1x16x1xf32>
    %get3A_2837 = vector.shape_cast %get3A_2836 : vector<1x16x1xf32> to vector<16x1xf32>
    %get3A_2838 = arith.constant 0 : index
    %get3A_2839 = arith.constant 1808 : index
    %get3A_2840 = arith.constant 1 : index
    %get3A_2841 = vector.load %arg3[%get3A_2838, %get3A_2839, %get3A_2840] : memref<1x2048x2xf32, #tpu.memory_space<vmem>>, vector<1x16x1xf32>
    %get3A_2842 = vector.shape_cast %get3A_2841 : vector<1x16x1xf32> to vector<16x1xf32>
    %sub3A_2843 = vector.broadcast %get3A_2837 : vector<16x1xf32> to vector<16x1024xf32>
    %sub3A_2844 = vector.broadcast %transpose3A : vector<1x1024xf32> to vector<16x1024xf32>
    %sub3A_2845 = arith.subf %sub3A_2843, %sub3A_2844 : vector<16x1024xf32>
    %abs3A_2846 = math.absf %sub3A_2845 : vector<16x1024xf32>
    %sub3A_2847 = vector.broadcast %get3A_2842 : vector<16x1xf32> to vector<16x1024xf32>
    %sub3A_2848 = vector.broadcast %transpose3A_9 : vector<1x1024xf32> to vector<16x1024xf32>
    %sub3A_2849 = arith.subf %sub3A_2847, %sub3A_2848 : vector<16x1024xf32>
    %abs3A_2850 = math.absf %sub3A_2849 : vector<16x1024xf32>
    %add3A_2851 = arith.addf %abs3A_2846, %abs3A_2850 : vector<16x1024xf32>
    %lt3A_2852 = arith.cmpf olt, %add3A_2851, %select_n3A_2828 : vector<16x1024xf32>
    %select_n3A_2853 = arith.select %lt3A_2852, %add3A_2851, %select_n3A_2828 : vector<16x1024xi1>, vector<16x1024xf32>
    %add3A_2854 = arith.constant 1808 : i32
    %add3A_2855 = vector.broadcast %add3A_2854 : i32 to vector<16x1024xi32>
    %add3A_2856 = arith.addi %iota3A, %add3A_2855 : vector<16x1024xi32>
    %select_n3A_2857 = arith.select %lt3A_2852, %add3A_2856, %select_n3A_2832 : vector<16x1024xi1>, vector<16x1024xi32>
    %get3A_2858 = arith.constant 0 : index
    %get3A_2859 = arith.constant 1824 : index
    %get3A_2860 = arith.constant 0 : index
    %get3A_2861 = vector.load %arg3[%get3A_2858, %get3A_2859, %get3A_2860] : memref<1x2048x2xf32, #tpu.memory_space<vmem>>, vector<1x16x1xf32>
    %get3A_2862 = vector.shape_cast %get3A_2861 : vector<1x16x1xf32> to vector<16x1xf32>
    %get3A_2863 = arith.constant 0 : index
    %get3A_2864 = arith.constant 1824 : index
    %get3A_2865 = arith.constant 1 : index
    %get3A_2866 = vector.load %arg3[%get3A_2863, %get3A_2864, %get3A_2865] : memref<1x2048x2xf32, #tpu.memory_space<vmem>>, vector<1x16x1xf32>
    %get3A_2867 = vector.shape_cast %get3A_2866 : vector<1x16x1xf32> to vector<16x1xf32>
    %sub3A_2868 = vector.broadcast %get3A_2862 : vector<16x1xf32> to vector<16x1024xf32>
    %sub3A_2869 = vector.broadcast %transpose3A : vector<1x1024xf32> to vector<16x1024xf32>
    %sub3A_2870 = arith.subf %sub3A_2868, %sub3A_2869 : vector<16x1024xf32>
    %abs3A_2871 = math.absf %sub3A_2870 : vector<16x1024xf32>
    %sub3A_2872 = vector.broadcast %get3A_2867 : vector<16x1xf32> to vector<16x1024xf32>
    %sub3A_2873 = vector.broadcast %transpose3A_9 : vector<1x1024xf32> to vector<16x1024xf32>
    %sub3A_2874 = arith.subf %sub3A_2872, %sub3A_2873 : vector<16x1024xf32>
    %abs3A_2875 = math.absf %sub3A_2874 : vector<16x1024xf32>
    %add3A_2876 = arith.addf %abs3A_2871, %abs3A_2875 : vector<16x1024xf32>
    %lt3A_2877 = arith.cmpf olt, %add3A_2876, %select_n3A_2853 : vector<16x1024xf32>
    %select_n3A_2878 = arith.select %lt3A_2877, %add3A_2876, %select_n3A_2853 : vector<16x1024xi1>, vector<16x1024xf32>
    %add3A_2879 = arith.constant 1824 : i32
    %add3A_2880 = vector.broadcast %add3A_2879 : i32 to vector<16x1024xi32>
    %add3A_2881 = arith.addi %iota3A, %add3A_2880 : vector<16x1024xi32>
    %select_n3A_2882 = arith.select %lt3A_2877, %add3A_2881, %select_n3A_2857 : vector<16x1024xi1>, vector<16x1024xi32>
    %get3A_2883 = arith.constant 0 : index
    %get3A_2884 = arith.constant 1840 : index
    %get3A_2885 = arith.constant 0 : index
    %get3A_2886 = vector.load %arg3[%get3A_2883, %get3A_2884, %get3A_2885] : memref<1x2048x2xf32, #tpu.memory_space<vmem>>, vector<1x16x1xf32>
    %get3A_2887 = vector.shape_cast %get3A_2886 : vector<1x16x1xf32> to vector<16x1xf32>
    %get3A_2888 = arith.constant 0 : index
    %get3A_2889 = arith.constant 1840 : index
    %get3A_2890 = arith.constant 1 : index
    %get3A_2891 = vector.load %arg3[%get3A_2888, %get3A_2889, %get3A_2890] : memref<1x2048x2xf32, #tpu.memory_space<vmem>>, vector<1x16x1xf32>
    %get3A_2892 = vector.shape_cast %get3A_2891 : vector<1x16x1xf32> to vector<16x1xf32>
    %sub3A_2893 = vector.broadcast %get3A_2887 : vector<16x1xf32> to vector<16x1024xf32>
    %sub3A_2894 = vector.broadcast %transpose3A : vector<1x1024xf32> to vector<16x1024xf32>
    %sub3A_2895 = arith.subf %sub3A_2893, %sub3A_2894 : vector<16x1024xf32>
    %abs3A_2896 = math.absf %sub3A_2895 : vector<16x1024xf32>
    %sub3A_2897 = vector.broadcast %get3A_2892 : vector<16x1xf32> to vector<16x1024xf32>
    %sub3A_2898 = vector.broadcast %transpose3A_9 : vector<1x1024xf32> to vector<16x1024xf32>
    %sub3A_2899 = arith.subf %sub3A_2897, %sub3A_2898 : vector<16x1024xf32>
    %abs3A_2900 = math.absf %sub3A_2899 : vector<16x1024xf32>
    %add3A_2901 = arith.addf %abs3A_2896, %abs3A_2900 : vector<16x1024xf32>
    %lt3A_2902 = arith.cmpf olt, %add3A_2901, %select_n3A_2878 : vector<16x1024xf32>
    %select_n3A_2903 = arith.select %lt3A_2902, %add3A_2901, %select_n3A_2878 : vector<16x1024xi1>, vector<16x1024xf32>
    %add3A_2904 = arith.constant 1840 : i32
    %add3A_2905 = vector.broadcast %add3A_2904 : i32 to vector<16x1024xi32>
    %add3A_2906 = arith.addi %iota3A, %add3A_2905 : vector<16x1024xi32>
    %select_n3A_2907 = arith.select %lt3A_2902, %add3A_2906, %select_n3A_2882 : vector<16x1024xi1>, vector<16x1024xi32>
    %get3A_2908 = arith.constant 0 : index
    %get3A_2909 = arith.constant 1856 : index
    %get3A_2910 = arith.constant 0 : index
    %get3A_2911 = vector.load %arg3[%get3A_2908, %get3A_2909, %get3A_2910] : memref<1x2048x2xf32, #tpu.memory_space<vmem>>, vector<1x16x1xf32>
    %get3A_2912 = vector.shape_cast %get3A_2911 : vector<1x16x1xf32> to vector<16x1xf32>
    %get3A_2913 = arith.constant 0 : index
    %get3A_2914 = arith.constant 1856 : index
    %get3A_2915 = arith.constant 1 : index
    %get3A_2916 = vector.load %arg3[%get3A_2913, %get3A_2914, %get3A_2915] : memref<1x2048x2xf32, #tpu.memory_space<vmem>>, vector<1x16x1xf32>
    %get3A_2917 = vector.shape_cast %get3A_2916 : vector<1x16x1xf32> to vector<16x1xf32>
    %sub3A_2918 = vector.broadcast %get3A_2912 : vector<16x1xf32> to vector<16x1024xf32>
    %sub3A_2919 = vector.broadcast %transpose3A : vector<1x1024xf32> to vector<16x1024xf32>
    %sub3A_2920 = arith.subf %sub3A_2918, %sub3A_2919 : vector<16x1024xf32>
    %abs3A_2921 = math.absf %sub3A_2920 : vector<16x1024xf32>
    %sub3A_2922 = vector.broadcast %get3A_2917 : vector<16x1xf32> to vector<16x1024xf32>
    %sub3A_2923 = vector.broadcast %transpose3A_9 : vector<1x1024xf32> to vector<16x1024xf32>
    %sub3A_2924 = arith.subf %sub3A_2922, %sub3A_2923 : vector<16x1024xf32>
    %abs3A_2925 = math.absf %sub3A_2924 : vector<16x1024xf32>
    %add3A_2926 = arith.addf %abs3A_2921, %abs3A_2925 : vector<16x1024xf32>
    %lt3A_2927 = arith.cmpf olt, %add3A_2926, %select_n3A_2903 : vector<16x1024xf32>
    %select_n3A_2928 = arith.select %lt3A_2927, %add3A_2926, %select_n3A_2903 : vector<16x1024xi1>, vector<16x1024xf32>
    %add3A_2929 = arith.constant 1856 : i32
    %add3A_2930 = vector.broadcast %add3A_2929 : i32 to vector<16x1024xi32>
    %add3A_2931 = arith.addi %iota3A, %add3A_2930 : vector<16x1024xi32>
    %select_n3A_2932 = arith.select %lt3A_2927, %add3A_2931, %select_n3A_2907 : vector<16x1024xi1>, vector<16x1024xi32>
    %get3A_2933 = arith.constant 0 : index
    %get3A_2934 = arith.constant 1872 : index
    %get3A_2935 = arith.constant 0 : index
    %get3A_2936 = vector.load %arg3[%get3A_2933, %get3A_2934, %get3A_2935] : memref<1x2048x2xf32, #tpu.memory_space<vmem>>, vector<1x16x1xf32>
    %get3A_2937 = vector.shape_cast %get3A_2936 : vector<1x16x1xf32> to vector<16x1xf32>
    %get3A_2938 = arith.constant 0 : index
    %get3A_2939 = arith.constant 1872 : index
    %get3A_2940 = arith.constant 1 : index
    %get3A_2941 = vector.load %arg3[%get3A_2938, %get3A_2939, %get3A_2940] : memref<1x2048x2xf32, #tpu.memory_space<vmem>>, vector<1x16x1xf32>
    %get3A_2942 = vector.shape_cast %get3A_2941 : vector<1x16x1xf32> to vector<16x1xf32>
    %sub3A_2943 = vector.broadcast %get3A_2937 : vector<16x1xf32> to vector<16x1024xf32>
    %sub3A_2944 = vector.broadcast %transpose3A : vector<1x1024xf32> to vector<16x1024xf32>
    %sub3A_2945 = arith.subf %sub3A_2943, %sub3A_2944 : vector<16x1024xf32>
    %abs3A_2946 = math.absf %sub3A_2945 : vector<16x1024xf32>
    %sub3A_2947 = vector.broadcast %get3A_2942 : vector<16x1xf32> to vector<16x1024xf32>
    %sub3A_2948 = vector.broadcast %transpose3A_9 : vector<1x1024xf32> to vector<16x1024xf32>
    %sub3A_2949 = arith.subf %sub3A_2947, %sub3A_2948 : vector<16x1024xf32>
    %abs3A_2950 = math.absf %sub3A_2949 : vector<16x1024xf32>
    %add3A_2951 = arith.addf %abs3A_2946, %abs3A_2950 : vector<16x1024xf32>
    %lt3A_2952 = arith.cmpf olt, %add3A_2951, %select_n3A_2928 : vector<16x1024xf32>
    %select_n3A_2953 = arith.select %lt3A_2952, %add3A_2951, %select_n3A_2928 : vector<16x1024xi1>, vector<16x1024xf32>
    %add3A_2954 = arith.constant 1872 : i32
    %add3A_2955 = vector.broadcast %add3A_2954 : i32 to vector<16x1024xi32>
    %add3A_2956 = arith.addi %iota3A, %add3A_2955 : vector<16x1024xi32>
    %select_n3A_2957 = arith.select %lt3A_2952, %add3A_2956, %select_n3A_2932 : vector<16x1024xi1>, vector<16x1024xi32>
    %get3A_2958 = arith.constant 0 : index
    %get3A_2959 = arith.constant 1888 : index
    %get3A_2960 = arith.constant 0 : index
    %get3A_2961 = vector.load %arg3[%get3A_2958, %get3A_2959, %get3A_2960] : memref<1x2048x2xf32, #tpu.memory_space<vmem>>, vector<1x16x1xf32>
    %get3A_2962 = vector.shape_cast %get3A_2961 : vector<1x16x1xf32> to vector<16x1xf32>
    %get3A_2963 = arith.constant 0 : index
    %get3A_2964 = arith.constant 1888 : index
    %get3A_2965 = arith.constant 1 : index
    %get3A_2966 = vector.load %arg3[%get3A_2963, %get3A_2964, %get3A_2965] : memref<1x2048x2xf32, #tpu.memory_space<vmem>>, vector<1x16x1xf32>
    %get3A_2967 = vector.shape_cast %get3A_2966 : vector<1x16x1xf32> to vector<16x1xf32>
    %sub3A_2968 = vector.broadcast %get3A_2962 : vector<16x1xf32> to vector<16x1024xf32>
    %sub3A_2969 = vector.broadcast %transpose3A : vector<1x1024xf32> to vector<16x1024xf32>
    %sub3A_2970 = arith.subf %sub3A_2968, %sub3A_2969 : vector<16x1024xf32>
    %abs3A_2971 = math.absf %sub3A_2970 : vector<16x1024xf32>
    %sub3A_2972 = vector.broadcast %get3A_2967 : vector<16x1xf32> to vector<16x1024xf32>
    %sub3A_2973 = vector.broadcast %transpose3A_9 : vector<1x1024xf32> to vector<16x1024xf32>
    %sub3A_2974 = arith.subf %sub3A_2972, %sub3A_2973 : vector<16x1024xf32>
    %abs3A_2975 = math.absf %sub3A_2974 : vector<16x1024xf32>
    %add3A_2976 = arith.addf %abs3A_2971, %abs3A_2975 : vector<16x1024xf32>
    %lt3A_2977 = arith.cmpf olt, %add3A_2976, %select_n3A_2953 : vector<16x1024xf32>
    %select_n3A_2978 = arith.select %lt3A_2977, %add3A_2976, %select_n3A_2953 : vector<16x1024xi1>, vector<16x1024xf32>
    %add3A_2979 = arith.constant 1888 : i32
    %add3A_2980 = vector.broadcast %add3A_2979 : i32 to vector<16x1024xi32>
    %add3A_2981 = arith.addi %iota3A, %add3A_2980 : vector<16x1024xi32>
    %select_n3A_2982 = arith.select %lt3A_2977, %add3A_2981, %select_n3A_2957 : vector<16x1024xi1>, vector<16x1024xi32>
    %get3A_2983 = arith.constant 0 : index
    %get3A_2984 = arith.constant 1904 : index
    %get3A_2985 = arith.constant 0 : index
    %get3A_2986 = vector.load %arg3[%get3A_2983, %get3A_2984, %get3A_2985] : memref<1x2048x2xf32, #tpu.memory_space<vmem>>, vector<1x16x1xf32>
    %get3A_2987 = vector.shape_cast %get3A_2986 : vector<1x16x1xf32> to vector<16x1xf32>
    %get3A_2988 = arith.constant 0 : index
    %get3A_2989 = arith.constant 1904 : index
    %get3A_2990 = arith.constant 1 : index
    %get3A_2991 = vector.load %arg3[%get3A_2988, %get3A_2989, %get3A_2990] : memref<1x2048x2xf32, #tpu.memory_space<vmem>>, vector<1x16x1xf32>
    %get3A_2992 = vector.shape_cast %get3A_2991 : vector<1x16x1xf32> to vector<16x1xf32>
    %sub3A_2993 = vector.broadcast %get3A_2987 : vector<16x1xf32> to vector<16x1024xf32>
    %sub3A_2994 = vector.broadcast %transpose3A : vector<1x1024xf32> to vector<16x1024xf32>
    %sub3A_2995 = arith.subf %sub3A_2993, %sub3A_2994 : vector<16x1024xf32>
    %abs3A_2996 = math.absf %sub3A_2995 : vector<16x1024xf32>
    %sub3A_2997 = vector.broadcast %get3A_2992 : vector<16x1xf32> to vector<16x1024xf32>
    %sub3A_2998 = vector.broadcast %transpose3A_9 : vector<1x1024xf32> to vector<16x1024xf32>
    %sub3A_2999 = arith.subf %sub3A_2997, %sub3A_2998 : vector<16x1024xf32>
    %abs3A_3000 = math.absf %sub3A_2999 : vector<16x1024xf32>
    %add3A_3001 = arith.addf %abs3A_2996, %abs3A_3000 : vector<16x1024xf32>
    %lt3A_3002 = arith.cmpf olt, %add3A_3001, %select_n3A_2978 : vector<16x1024xf32>
    %select_n3A_3003 = arith.select %lt3A_3002, %add3A_3001, %select_n3A_2978 : vector<16x1024xi1>, vector<16x1024xf32>
    %add3A_3004 = arith.constant 1904 : i32
    %add3A_3005 = vector.broadcast %add3A_3004 : i32 to vector<16x1024xi32>
    %add3A_3006 = arith.addi %iota3A, %add3A_3005 : vector<16x1024xi32>
    %select_n3A_3007 = arith.select %lt3A_3002, %add3A_3006, %select_n3A_2982 : vector<16x1024xi1>, vector<16x1024xi32>
    %get3A_3008 = arith.constant 0 : index
    %get3A_3009 = arith.constant 1920 : index
    %get3A_3010 = arith.constant 0 : index
    %get3A_3011 = vector.load %arg3[%get3A_3008, %get3A_3009, %get3A_3010] : memref<1x2048x2xf32, #tpu.memory_space<vmem>>, vector<1x16x1xf32>
    %get3A_3012 = vector.shape_cast %get3A_3011 : vector<1x16x1xf32> to vector<16x1xf32>
    %get3A_3013 = arith.constant 0 : index
    %get3A_3014 = arith.constant 1920 : index
    %get3A_3015 = arith.constant 1 : index
    %get3A_3016 = vector.load %arg3[%get3A_3013, %get3A_3014, %get3A_3015] : memref<1x2048x2xf32, #tpu.memory_space<vmem>>, vector<1x16x1xf32>
    %get3A_3017 = vector.shape_cast %get3A_3016 : vector<1x16x1xf32> to vector<16x1xf32>
    %sub3A_3018 = vector.broadcast %get3A_3012 : vector<16x1xf32> to vector<16x1024xf32>
    %sub3A_3019 = vector.broadcast %transpose3A : vector<1x1024xf32> to vector<16x1024xf32>
    %sub3A_3020 = arith.subf %sub3A_3018, %sub3A_3019 : vector<16x1024xf32>
    %abs3A_3021 = math.absf %sub3A_3020 : vector<16x1024xf32>
    %sub3A_3022 = vector.broadcast %get3A_3017 : vector<16x1xf32> to vector<16x1024xf32>
    %sub3A_3023 = vector.broadcast %transpose3A_9 : vector<1x1024xf32> to vector<16x1024xf32>
    %sub3A_3024 = arith.subf %sub3A_3022, %sub3A_3023 : vector<16x1024xf32>
    %abs3A_3025 = math.absf %sub3A_3024 : vector<16x1024xf32>
    %add3A_3026 = arith.addf %abs3A_3021, %abs3A_3025 : vector<16x1024xf32>
    %lt3A_3027 = arith.cmpf olt, %add3A_3026, %select_n3A_3003 : vector<16x1024xf32>
    %select_n3A_3028 = arith.select %lt3A_3027, %add3A_3026, %select_n3A_3003 : vector<16x1024xi1>, vector<16x1024xf32>
    %add3A_3029 = arith.constant 1920 : i32
    %add3A_3030 = vector.broadcast %add3A_3029 : i32 to vector<16x1024xi32>
    %add3A_3031 = arith.addi %iota3A, %add3A_3030 : vector<16x1024xi32>
    %select_n3A_3032 = arith.select %lt3A_3027, %add3A_3031, %select_n3A_3007 : vector<16x1024xi1>, vector<16x1024xi32>
    %get3A_3033 = arith.constant 0 : index
    %get3A_3034 = arith.constant 1936 : index
    %get3A_3035 = arith.constant 0 : index
    %get3A_3036 = vector.load %arg3[%get3A_3033, %get3A_3034, %get3A_3035] : memref<1x2048x2xf32, #tpu.memory_space<vmem>>, vector<1x16x1xf32>
    %get3A_3037 = vector.shape_cast %get3A_3036 : vector<1x16x1xf32> to vector<16x1xf32>
    %get3A_3038 = arith.constant 0 : index
    %get3A_3039 = arith.constant 1936 : index
    %get3A_3040 = arith.constant 1 : index
    %get3A_3041 = vector.load %arg3[%get3A_3038, %get3A_3039, %get3A_3040] : memref<1x2048x2xf32, #tpu.memory_space<vmem>>, vector<1x16x1xf32>
    %get3A_3042 = vector.shape_cast %get3A_3041 : vector<1x16x1xf32> to vector<16x1xf32>
    %sub3A_3043 = vector.broadcast %get3A_3037 : vector<16x1xf32> to vector<16x1024xf32>
    %sub3A_3044 = vector.broadcast %transpose3A : vector<1x1024xf32> to vector<16x1024xf32>
    %sub3A_3045 = arith.subf %sub3A_3043, %sub3A_3044 : vector<16x1024xf32>
    %abs3A_3046 = math.absf %sub3A_3045 : vector<16x1024xf32>
    %sub3A_3047 = vector.broadcast %get3A_3042 : vector<16x1xf32> to vector<16x1024xf32>
    %sub3A_3048 = vector.broadcast %transpose3A_9 : vector<1x1024xf32> to vector<16x1024xf32>
    %sub3A_3049 = arith.subf %sub3A_3047, %sub3A_3048 : vector<16x1024xf32>
    %abs3A_3050 = math.absf %sub3A_3049 : vector<16x1024xf32>
    %add3A_3051 = arith.addf %abs3A_3046, %abs3A_3050 : vector<16x1024xf32>
    %lt3A_3052 = arith.cmpf olt, %add3A_3051, %select_n3A_3028 : vector<16x1024xf32>
    %select_n3A_3053 = arith.select %lt3A_3052, %add3A_3051, %select_n3A_3028 : vector<16x1024xi1>, vector<16x1024xf32>
    %add3A_3054 = arith.constant 1936 : i32
    %add3A_3055 = vector.broadcast %add3A_3054 : i32 to vector<16x1024xi32>
    %add3A_3056 = arith.addi %iota3A, %add3A_3055 : vector<16x1024xi32>
    %select_n3A_3057 = arith.select %lt3A_3052, %add3A_3056, %select_n3A_3032 : vector<16x1024xi1>, vector<16x1024xi32>
    %get3A_3058 = arith.constant 0 : index
    %get3A_3059 = arith.constant 1952 : index
    %get3A_3060 = arith.constant 0 : index
    %get3A_3061 = vector.load %arg3[%get3A_3058, %get3A_3059, %get3A_3060] : memref<1x2048x2xf32, #tpu.memory_space<vmem>>, vector<1x16x1xf32>
    %get3A_3062 = vector.shape_cast %get3A_3061 : vector<1x16x1xf32> to vector<16x1xf32>
    %get3A_3063 = arith.constant 0 : index
    %get3A_3064 = arith.constant 1952 : index
    %get3A_3065 = arith.constant 1 : index
    %get3A_3066 = vector.load %arg3[%get3A_3063, %get3A_3064, %get3A_3065] : memref<1x2048x2xf32, #tpu.memory_space<vmem>>, vector<1x16x1xf32>
    %get3A_3067 = vector.shape_cast %get3A_3066 : vector<1x16x1xf32> to vector<16x1xf32>
    %sub3A_3068 = vector.broadcast %get3A_3062 : vector<16x1xf32> to vector<16x1024xf32>
    %sub3A_3069 = vector.broadcast %transpose3A : vector<1x1024xf32> to vector<16x1024xf32>
    %sub3A_3070 = arith.subf %sub3A_3068, %sub3A_3069 : vector<16x1024xf32>
    %abs3A_3071 = math.absf %sub3A_3070 : vector<16x1024xf32>
    %sub3A_3072 = vector.broadcast %get3A_3067 : vector<16x1xf32> to vector<16x1024xf32>
    %sub3A_3073 = vector.broadcast %transpose3A_9 : vector<1x1024xf32> to vector<16x1024xf32>
    %sub3A_3074 = arith.subf %sub3A_3072, %sub3A_3073 : vector<16x1024xf32>
    %abs3A_3075 = math.absf %sub3A_3074 : vector<16x1024xf32>
    %add3A_3076 = arith.addf %abs3A_3071, %abs3A_3075 : vector<16x1024xf32>
    %lt3A_3077 = arith.cmpf olt, %add3A_3076, %select_n3A_3053 : vector<16x1024xf32>
    %select_n3A_3078 = arith.select %lt3A_3077, %add3A_3076, %select_n3A_3053 : vector<16x1024xi1>, vector<16x1024xf32>
    %add3A_3079 = arith.constant 1952 : i32
    %add3A_3080 = vector.broadcast %add3A_3079 : i32 to vector<16x1024xi32>
    %add3A_3081 = arith.addi %iota3A, %add3A_3080 : vector<16x1024xi32>
    %select_n3A_3082 = arith.select %lt3A_3077, %add3A_3081, %select_n3A_3057 : vector<16x1024xi1>, vector<16x1024xi32>
    %get3A_3083 = arith.constant 0 : index
    %get3A_3084 = arith.constant 1968 : index
    %get3A_3085 = arith.constant 0 : index
    %get3A_3086 = vector.load %arg3[%get3A_3083, %get3A_3084, %get3A_3085] : memref<1x2048x2xf32, #tpu.memory_space<vmem>>, vector<1x16x1xf32>
    %get3A_3087 = vector.shape_cast %get3A_3086 : vector<1x16x1xf32> to vector<16x1xf32>
    %get3A_3088 = arith.constant 0 : index
    %get3A_3089 = arith.constant 1968 : index
    %get3A_3090 = arith.constant 1 : index
    %get3A_3091 = vector.load %arg3[%get3A_3088, %get3A_3089, %get3A_3090] : memref<1x2048x2xf32, #tpu.memory_space<vmem>>, vector<1x16x1xf32>
    %get3A_3092 = vector.shape_cast %get3A_3091 : vector<1x16x1xf32> to vector<16x1xf32>
    %sub3A_3093 = vector.broadcast %get3A_3087 : vector<16x1xf32> to vector<16x1024xf32>
    %sub3A_3094 = vector.broadcast %transpose3A : vector<1x1024xf32> to vector<16x1024xf32>
    %sub3A_3095 = arith.subf %sub3A_3093, %sub3A_3094 : vector<16x1024xf32>
    %abs3A_3096 = math.absf %sub3A_3095 : vector<16x1024xf32>
    %sub3A_3097 = vector.broadcast %get3A_3092 : vector<16x1xf32> to vector<16x1024xf32>
    %sub3A_3098 = vector.broadcast %transpose3A_9 : vector<1x1024xf32> to vector<16x1024xf32>
    %sub3A_3099 = arith.subf %sub3A_3097, %sub3A_3098 : vector<16x1024xf32>
    %abs3A_3100 = math.absf %sub3A_3099 : vector<16x1024xf32>
    %add3A_3101 = arith.addf %abs3A_3096, %abs3A_3100 : vector<16x1024xf32>
    %lt3A_3102 = arith.cmpf olt, %add3A_3101, %select_n3A_3078 : vector<16x1024xf32>
    %select_n3A_3103 = arith.select %lt3A_3102, %add3A_3101, %select_n3A_3078 : vector<16x1024xi1>, vector<16x1024xf32>
    %add3A_3104 = arith.constant 1968 : i32
    %add3A_3105 = vector.broadcast %add3A_3104 : i32 to vector<16x1024xi32>
    %add3A_3106 = arith.addi %iota3A, %add3A_3105 : vector<16x1024xi32>
    %select_n3A_3107 = arith.select %lt3A_3102, %add3A_3106, %select_n3A_3082 : vector<16x1024xi1>, vector<16x1024xi32>
    %get3A_3108 = arith.constant 0 : index
    %get3A_3109 = arith.constant 1984 : index
    %get3A_3110 = arith.constant 0 : index
    %get3A_3111 = vector.load %arg3[%get3A_3108, %get3A_3109, %get3A_3110] : memref<1x2048x2xf32, #tpu.memory_space<vmem>>, vector<1x16x1xf32>
    %get3A_3112 = vector.shape_cast %get3A_3111 : vector<1x16x1xf32> to vector<16x1xf32>
    %get3A_3113 = arith.constant 0 : index
    %get3A_3114 = arith.constant 1984 : index
    %get3A_3115 = arith.constant 1 : index
    %get3A_3116 = vector.load %arg3[%get3A_3113, %get3A_3114, %get3A_3115] : memref<1x2048x2xf32, #tpu.memory_space<vmem>>, vector<1x16x1xf32>
    %get3A_3117 = vector.shape_cast %get3A_3116 : vector<1x16x1xf32> to vector<16x1xf32>
    %sub3A_3118 = vector.broadcast %get3A_3112 : vector<16x1xf32> to vector<16x1024xf32>
    %sub3A_3119 = vector.broadcast %transpose3A : vector<1x1024xf32> to vector<16x1024xf32>
    %sub3A_3120 = arith.subf %sub3A_3118, %sub3A_3119 : vector<16x1024xf32>
    %abs3A_3121 = math.absf %sub3A_3120 : vector<16x1024xf32>
    %sub3A_3122 = vector.broadcast %get3A_3117 : vector<16x1xf32> to vector<16x1024xf32>
    %sub3A_3123 = vector.broadcast %transpose3A_9 : vector<1x1024xf32> to vector<16x1024xf32>
    %sub3A_3124 = arith.subf %sub3A_3122, %sub3A_3123 : vector<16x1024xf32>
    %abs3A_3125 = math.absf %sub3A_3124 : vector<16x1024xf32>
    %add3A_3126 = arith.addf %abs3A_3121, %abs3A_3125 : vector<16x1024xf32>
    %lt3A_3127 = arith.cmpf olt, %add3A_3126, %select_n3A_3103 : vector<16x1024xf32>
    %select_n3A_3128 = arith.select %lt3A_3127, %add3A_3126, %select_n3A_3103 : vector<16x1024xi1>, vector<16x1024xf32>
    %add3A_3129 = arith.constant 1984 : i32
    %add3A_3130 = vector.broadcast %add3A_3129 : i32 to vector<16x1024xi32>
    %add3A_3131 = arith.addi %iota3A, %add3A_3130 : vector<16x1024xi32>
    %select_n3A_3132 = arith.select %lt3A_3127, %add3A_3131, %select_n3A_3107 : vector<16x1024xi1>, vector<16x1024xi32>
    %get3A_3133 = arith.constant 0 : index
    %get3A_3134 = arith.constant 2000 : index
    %get3A_3135 = arith.constant 0 : index
    %get3A_3136 = vector.load %arg3[%get3A_3133, %get3A_3134, %get3A_3135] : memref<1x2048x2xf32, #tpu.memory_space<vmem>>, vector<1x16x1xf32>
    %get3A_3137 = vector.shape_cast %get3A_3136 : vector<1x16x1xf32> to vector<16x1xf32>
    %get3A_3138 = arith.constant 0 : index
    %get3A_3139 = arith.constant 2000 : index
    %get3A_3140 = arith.constant 1 : index
    %get3A_3141 = vector.load %arg3[%get3A_3138, %get3A_3139, %get3A_3140] : memref<1x2048x2xf32, #tpu.memory_space<vmem>>, vector<1x16x1xf32>
    %get3A_3142 = vector.shape_cast %get3A_3141 : vector<1x16x1xf32> to vector<16x1xf32>
    %sub3A_3143 = vector.broadcast %get3A_3137 : vector<16x1xf32> to vector<16x1024xf32>
    %sub3A_3144 = vector.broadcast %transpose3A : vector<1x1024xf32> to vector<16x1024xf32>
    %sub3A_3145 = arith.subf %sub3A_3143, %sub3A_3144 : vector<16x1024xf32>
    %abs3A_3146 = math.absf %sub3A_3145 : vector<16x1024xf32>
    %sub3A_3147 = vector.broadcast %get3A_3142 : vector<16x1xf32> to vector<16x1024xf32>
    %sub3A_3148 = vector.broadcast %transpose3A_9 : vector<1x1024xf32> to vector<16x1024xf32>
    %sub3A_3149 = arith.subf %sub3A_3147, %sub3A_3148 : vector<16x1024xf32>
    %abs3A_3150 = math.absf %sub3A_3149 : vector<16x1024xf32>
    %add3A_3151 = arith.addf %abs3A_3146, %abs3A_3150 : vector<16x1024xf32>
    %lt3A_3152 = arith.cmpf olt, %add3A_3151, %select_n3A_3128 : vector<16x1024xf32>
    %select_n3A_3153 = arith.select %lt3A_3152, %add3A_3151, %select_n3A_3128 : vector<16x1024xi1>, vector<16x1024xf32>
    %add3A_3154 = arith.constant 2000 : i32
    %add3A_3155 = vector.broadcast %add3A_3154 : i32 to vector<16x1024xi32>
    %add3A_3156 = arith.addi %iota3A, %add3A_3155 : vector<16x1024xi32>
    %select_n3A_3157 = arith.select %lt3A_3152, %add3A_3156, %select_n3A_3132 : vector<16x1024xi1>, vector<16x1024xi32>
    %get3A_3158 = arith.constant 0 : index
    %get3A_3159 = arith.constant 2016 : index
    %get3A_3160 = arith.constant 0 : index
    %get3A_3161 = vector.load %arg3[%get3A_3158, %get3A_3159, %get3A_3160] : memref<1x2048x2xf32, #tpu.memory_space<vmem>>, vector<1x16x1xf32>
    %get3A_3162 = vector.shape_cast %get3A_3161 : vector<1x16x1xf32> to vector<16x1xf32>
    %get3A_3163 = arith.constant 0 : index
    %get3A_3164 = arith.constant 2016 : index
    %get3A_3165 = arith.constant 1 : index
    %get3A_3166 = vector.load %arg3[%get3A_3163, %get3A_3164, %get3A_3165] : memref<1x2048x2xf32, #tpu.memory_space<vmem>>, vector<1x16x1xf32>
    %get3A_3167 = vector.shape_cast %get3A_3166 : vector<1x16x1xf32> to vector<16x1xf32>
    %sub3A_3168 = vector.broadcast %get3A_3162 : vector<16x1xf32> to vector<16x1024xf32>
    %sub3A_3169 = vector.broadcast %transpose3A : vector<1x1024xf32> to vector<16x1024xf32>
    %sub3A_3170 = arith.subf %sub3A_3168, %sub3A_3169 : vector<16x1024xf32>
    %abs3A_3171 = math.absf %sub3A_3170 : vector<16x1024xf32>
    %sub3A_3172 = vector.broadcast %get3A_3167 : vector<16x1xf32> to vector<16x1024xf32>
    %sub3A_3173 = vector.broadcast %transpose3A_9 : vector<1x1024xf32> to vector<16x1024xf32>
    %sub3A_3174 = arith.subf %sub3A_3172, %sub3A_3173 : vector<16x1024xf32>
    %abs3A_3175 = math.absf %sub3A_3174 : vector<16x1024xf32>
    %add3A_3176 = arith.addf %abs3A_3171, %abs3A_3175 : vector<16x1024xf32>
    %lt3A_3177 = arith.cmpf olt, %add3A_3176, %select_n3A_3153 : vector<16x1024xf32>
    %select_n3A_3178 = arith.select %lt3A_3177, %add3A_3176, %select_n3A_3153 : vector<16x1024xi1>, vector<16x1024xf32>
    %add3A_3179 = arith.constant 2016 : i32
    %add3A_3180 = vector.broadcast %add3A_3179 : i32 to vector<16x1024xi32>
    %add3A_3181 = arith.addi %iota3A, %add3A_3180 : vector<16x1024xi32>
    %select_n3A_3182 = arith.select %lt3A_3177, %add3A_3181, %select_n3A_3157 : vector<16x1024xi1>, vector<16x1024xi32>
    %get3A_3183 = arith.constant 0 : index
    %get3A_3184 = arith.constant 2032 : index
    %get3A_3185 = arith.constant 0 : index
    %get3A_3186 = vector.load %arg3[%get3A_3183, %get3A_3184, %get3A_3185] : memref<1x2048x2xf32, #tpu.memory_space<vmem>>, vector<1x16x1xf32>
    %get3A_3187 = vector.shape_cast %get3A_3186 : vector<1x16x1xf32> to vector<16x1xf32>
    %get3A_3188 = arith.constant 0 : index
    %get3A_3189 = arith.constant 2032 : index
    %get3A_3190 = arith.constant 1 : index
    %get3A_3191 = vector.load %arg3[%get3A_3188, %get3A_3189, %get3A_3190] : memref<1x2048x2xf32, #tpu.memory_space<vmem>>, vector<1x16x1xf32>
    %get3A_3192 = vector.shape_cast %get3A_3191 : vector<1x16x1xf32> to vector<16x1xf32>
    %sub3A_3193 = vector.broadcast %get3A_3187 : vector<16x1xf32> to vector<16x1024xf32>
    %sub3A_3194 = vector.broadcast %transpose3A : vector<1x1024xf32> to vector<16x1024xf32>
    %sub3A_3195 = arith.subf %sub3A_3193, %sub3A_3194 : vector<16x1024xf32>
    %abs3A_3196 = math.absf %sub3A_3195 : vector<16x1024xf32>
    %sub3A_3197 = vector.broadcast %get3A_3192 : vector<16x1xf32> to vector<16x1024xf32>
    %sub3A_3198 = vector.broadcast %transpose3A_9 : vector<1x1024xf32> to vector<16x1024xf32>
    %sub3A_3199 = arith.subf %sub3A_3197, %sub3A_3198 : vector<16x1024xf32>
    %abs3A_3200 = math.absf %sub3A_3199 : vector<16x1024xf32>
    %add3A_3201 = arith.addf %abs3A_3196, %abs3A_3200 : vector<16x1024xf32>
    %lt3A_3202 = arith.cmpf olt, %add3A_3201, %select_n3A_3178 : vector<16x1024xf32>
    %select_n3A_3203 = arith.select %lt3A_3202, %add3A_3201, %select_n3A_3178 : vector<16x1024xi1>, vector<16x1024xf32>
    %add3A_3204 = arith.constant 2032 : i32
    %add3A_3205 = vector.broadcast %add3A_3204 : i32 to vector<16x1024xi32>
    %add3A_3206 = arith.addi %iota3A, %add3A_3205 : vector<16x1024xi32>
    %select_n3A_3207 = arith.select %lt3A_3202, %add3A_3206, %select_n3A_3182 : vector<16x1024xi1>, vector<16x1024xi32>
    %reduce_min3A = arith.constant dense<0x7F800000> : vector<1024xf32>
    %reduce_min3A_3208 = vector.multi_reduction <minimumf>, %select_n3A_3203, %reduce_min3A [0] : vector<16x1024xf32> to vector<1024xf32>
    %broadcast_in_dim3A_3209 = vector.shape_cast %reduce_min3A_3208 : vector<1024xf32> to vector<1x1024xf32>
    %eq3A = vector.broadcast %broadcast_in_dim3A_3209 : vector<1x1024xf32> to vector<16x1024xf32>
    %eq3A_3210 = arith.cmpf oeq, %select_n3A_3203, %eq3A : vector<16x1024xf32>
    %jit3A = arith.constant 2048 : i32
    %broadcast_in_dim3A_3211 = vector.broadcast %jit3A : i32 to vector<16x1024xi32>
    %select_n3A_3212 = arith.select %eq3A_3210, %select_n3A_3207, %broadcast_in_dim3A_3211 : vector<16x1024xi1>, vector<16x1024xi32>
    %reduce_min3A_3213 = arith.constant dense<2147483647> : vector<1024xi32>
    %reduce_min3A_3214 = vector.multi_reduction <minsi>, %select_n3A_3212, %reduce_min3A_3213 [0] : vector<16x1024xi32> to vector<1024xi32>
    %swap3A = arith.constant 0 : index
    %swap3A_3215 = arith.constant 0 : index
    %swap3A_3216 = arith.constant 0 : index
    %swap3A_3217 = vector.load %arg5[%swap3A, %swap3A_3215, %swap3A_3216] : memref<1x1x1024xi32, #tpu.memory_space<vmem>>, vector<1x1x1024xi32>
    %swap3A_3218 = vector.shape_cast %swap3A_3217 : vector<1x1x1024xi32> to vector<1024xi32>
    %swap3A_3219 = vector.shape_cast %reduce_min3A_3214 : vector<1024xi32> to vector<1x1x1024xi32>
    tpu.vector_store %arg5[%swap3A, %swap3A_3215, %swap3A_3216], %swap3A_3219 {strides = array<i32>} : memref<1x1x1024xi32, #tpu.memory_space<vmem>>, vector<1x1x1024xi32>,
    %eq3A_3220 = arith.constant 0 : i32
    %eq3A_3221 = arith.cmpi eq, %arg1, %eq3A_3220 : i32
    %convert_element_type3A = arith.extui %eq3A_3221 : i1 to i32
    %cond3A = arith.constant 0 : i32
    %cond3A_3222 = arith.cmpi ne, %convert_element_type3A, %cond3A : i32
    scf.if %cond3A_3222 {
      %broadcast_in_dim3A_3242 = arith.constant 0.000000e+00 : f32
      %broadcast_in_dim3A_3243 = vector.broadcast %broadcast_in_dim3A_3242 : f32 to vector<1x1x768xf32>
      %swap3A_3244 = arith.constant 0 : index
      %swap3A_3245 = arith.constant 0 : index
      %swap3A_3246 = arith.constant 0 : index
      %swap3A_3247 = vector.load %arg6[%swap3A_3244, %swap3A_3245, %swap3A_3246] : memref<1x1x768xf32, #tpu.memory_space<vmem>>, vector<1x1x768xf32>
      tpu.vector_store %arg6[%swap3A_3244, %swap3A_3245, %swap3A_3246], %broadcast_in_dim3A_3243 {strides = array<i32>} : memref<1x1x768xf32, #tpu.memory_space<vmem>>, vector<1x1x768xf32>,
    } else {
    }
    %get3A_3223 = arith.constant 0 : index
    %get3A_3224 = arith.constant 0 : index
    %get3A_3225 = arith.constant 0 : index
    %get3A_3226 = vector.load %arg6[%get3A_3223, %get3A_3224, %get3A_3225] : memref<1x1x768xf32, #tpu.memory_space<vmem>>, vector<1x1x768xf32>
    %get3A_3227 = vector.shape_cast %get3A_3226 : vector<1x1x768xf32> to vector<1x768xf32>
    %get3A_3228 = arith.constant 0 : index
    %get3A_3229 = arith.constant 0 : index
    %get3A_3230 = arith.constant 0 : index
    %get3A_3231 = vector.load %arg4[%get3A_3228, %get3A_3229, %get3A_3230] : memref<1x1024x768xf32, #tpu.memory_space<vmem>>, vector<1x1024x768xf32>
    %get3A_3232 = vector.shape_cast %get3A_3231 : vector<1x1024x768xf32> to vector<1024x768xf32>
    %reduce_sum3A = arith.constant dense<0.000000e+00> : vector<768xf32>
    %reduce_sum3A_3233 = vector.multi_reduction <add>, %get3A_3232, %reduce_sum3A [0] : vector<1024x768xf32> to vector<768xf32>
    %broadcast_in_dim3A_3234 = vector.shape_cast %reduce_sum3A_3233 : vector<768xf32> to vector<1x768xf32>
    %add3A_3235 = arith.addf %get3A_3227, %broadcast_in_dim3A_3234 : vector<1x768xf32>
    %swap3A_3236 = arith.constant 0 : index
    %swap3A_3237 = arith.constant 0 : index
    %swap3A_3238 = arith.constant 0 : index
    %swap3A_3239 = vector.load %arg6[%swap3A_3236, %swap3A_3237, %swap3A_3238] : memref<1x1x768xf32, #tpu.memory_space<vmem>>, vector<1x1x768xf32>
    %swap3A_3240 = vector.shape_cast %swap3A_3239 : vector<1x1x768xf32> to vector<1x768xf32>
    %swap3A_3241 = vector.shape_cast %add3A_3235 : vector<1x768xf32> to vector<1x1x768xf32>
    tpu.vector_store %arg6[%swap3A_3236, %swap3A_3237, %swap3A_3238], %swap3A_3241 {strides = array<i32>} : memref<1x1x768xf32, #tpu.memory_space<vmem>>, vector<1x1x768xf32>,
    return
  }
  func.func @transform_0(%arg0: i32, %arg1: i32) -> (i32, i32, i32) {
    %c0_i32 = arith.constant 0 : i32
    %c0_i32_0 = arith.constant 0 : i32
    return %arg0, %arg1, %c0_i32 : i32, i32, i32
  }
  func.func @transform_1(%arg0: i32, %arg1: i32) -> (i32, i32, i32) {
    %c0_i32 = arith.constant 0 : i32
    %c0_i32_0 = arith.constant 0 : i32
    %c0_i32_1 = arith.constant 0 : i32
    return %arg0, %c0_i32, %c0_i32_0 : i32, i32, i32
  }
  func.func @transform_2(%arg0: i32, %arg1: i32) -> (i32, i32, i32) {
    %c0_i32 = arith.constant 0 : i32
    %c0_i32_0 = arith.constant 0 : i32
    return %arg0, %arg1, %c0_i32 : i32, i32, i32
  }
  func.func @transform_3(%arg0: i32, %arg1: i32) -> (i32, i32, i32) {
    %c0_i32 = arith.constant 0 : i32
    %c0_i32_0 = arith.constant 0 : i32
    return %arg0, %c0_i32, %arg1 : i32, i32, i32
  }
  func.func @transform_4(%arg0: i32, %arg1: i32) -> (i32, i32, i32) {
    %c0_i32 = arith.constant 0 : i32
    %c0_i32_0 = arith.constant 0 : i32
    %c0_i32_1 = arith.constant 0 : i32
    return %arg0, %c0_i32, %c0_i32_0 : i32, i32, i32
  }
}

module attributes {stable_mosaic.version = 14 : i64} {
  func.func @_proj_mlp_body(%arg0: i32, %arg1: i32, %arg2: memref<1x2048x768xf32, #tpu.memory_space<vmem>>, %arg3: memref<768x768xf32, #tpu.memory_space<vmem>>, %arg4: memref<1x768xf32, #tpu.memory_space<vmem>>, %arg5: memref<1x768xf32, #tpu.memory_space<vmem>>, %arg6: memref<1x768xf32, #tpu.memory_space<vmem>>, %arg7: memref<1x1x2048xf32, #tpu.memory_space<vmem>>, %arg8: memref<4x1x768xf32, #tpu.memory_space<vmem>>, %arg9: memref<1536x768xf32, #tpu.memory_space<vmem>>, %arg10: memref<1x768xf32, #tpu.memory_space<vmem>>, %arg11: memref<768x768xf32, #tpu.memory_space<vmem>>, %arg12: memref<1x768xf32, #tpu.memory_space<vmem>>, %arg13: memref<768x1000xf32, #tpu.memory_space<vmem>>, %arg14: memref<1x1000xf32, #tpu.memory_space<vmem>>, %arg15: memref<4x1000xf32, #tpu.memory_space<vmem>>, %arg16: memref<4x768xf32, #tpu.memory_space<vmem>>) attributes {dimension_semantics = [#tpu.dimension_semantics<arbitrary>, #tpu.dimension_semantics<arbitrary>], iteration_bounds = array<i64: 4, 1>, scalar_prefetch = 0 : i64, scratch_operands = 1 : i64, tpu.core_type = #tpu.core_type<tc>, window_params = [{transform_indices = @transform_0, window_bounds = array<i64: 1, 2048, 768>}, {pipeline_mode = #tpu.pipeline_mode<synchronous>, transform_indices = @transform_1, window_bounds = array<i64: 768, 768>}, {pipeline_mode = #tpu.pipeline_mode<synchronous>, transform_indices = @transform_2, window_bounds = array<i64: 1, 768>}, {pipeline_mode = #tpu.pipeline_mode<synchronous>, transform_indices = @transform_3, window_bounds = array<i64: 1, 768>}, {pipeline_mode = #tpu.pipeline_mode<synchronous>, transform_indices = @transform_4, window_bounds = array<i64: 1, 768>}, {transform_indices = @transform_5, window_bounds = array<i64: 1, 1, 2048>}, {pipeline_mode = #tpu.pipeline_mode<synchronous>, transform_indices = @transform_6, window_bounds = array<i64: 4, 1, 768>}, {pipeline_mode = #tpu.pipeline_mode<synchronous>, transform_indices = @transform_7, window_bounds = array<i64: 1536, 768>}, {pipeline_mode = #tpu.pipeline_mode<synchronous>, transform_indices = @transform_8, window_bounds = array<i64: 1, 768>}, {pipeline_mode = #tpu.pipeline_mode<synchronous>, transform_indices = @transform_9, window_bounds = array<i64: 768, 768>}, {pipeline_mode = #tpu.pipeline_mode<synchronous>, transform_indices = @transform_10, window_bounds = array<i64: 1, 768>}, {pipeline_mode = #tpu.pipeline_mode<synchronous>, transform_indices = @transform_11, window_bounds = array<i64: 768, 1000>}, {pipeline_mode = #tpu.pipeline_mode<synchronous>, transform_indices = @transform_12, window_bounds = array<i64: 1, 1000>}, {pipeline_mode = #tpu.pipeline_mode<synchronous>, transform_indices = @transform_13, window_bounds = array<i64: 4, 1000>}]} {
    %eq3A = arith.constant 0 : i32
    %eq3A_0 = arith.cmpi eq, %arg0, %eq3A : i32
    %eq3A_1 = arith.constant 0 : i32
    %eq3A_2 = arith.cmpi eq, %arg1, %eq3A_1 : i32
    %and3A = arith.andi %eq3A_0, %eq3A_2 : i1
    %convert_element_type3A = arith.extui %and3A : i1 to i32
    %cond3A = arith.constant 0 : i32
    %cond3A_3 = arith.cmpi ne, %convert_element_type3A, %cond3A : i32
    scf.if %cond3A_3 {
      %broadcast_in_dim3A_73 = arith.constant 0.000000e+00 : f32
      %broadcast_in_dim3A_74 = vector.broadcast %broadcast_in_dim3A_73 : f32 to vector<4x768xf32>
      %swap3A_75 = arith.constant 0 : index
      %swap3A_76 = arith.constant 0 : index
      %swap3A_77 = vector.load %arg16[%swap3A_75, %swap3A_76] : memref<4x768xf32, #tpu.memory_space<vmem>>, vector<4x768xf32>
      tpu.vector_store %arg16[%swap3A_75, %swap3A_76], %broadcast_in_dim3A_74 {strides = array<i32>} : memref<4x768xf32, #tpu.memory_space<vmem>>, vector<4x768xf32>,
    } else {
    }
    %get3A = arith.constant 0 : index
    %get3A_4 = arith.constant 0 : index
    %get3A_5 = arith.constant 0 : index
    %get3A_6 = vector.load %arg2[%get3A, %get3A_4, %get3A_5] : memref<1x2048x768xf32, #tpu.memory_space<vmem>>, vector<1x2048x768xf32>
    %get3A_7 = vector.shape_cast %get3A_6 : vector<1x2048x768xf32> to vector<2048x768xf32>
    %get3A_8 = arith.constant 0 : index
    %get3A_9 = arith.constant 0 : index
    %get3A_10 = vector.load %arg3[%get3A_8, %get3A_9] : memref<768x768xf32, #tpu.memory_space<vmem>>, vector<768x768xf32>
    %dot_general3A = arith.constant dense<0.000000e+00> : vector<2048x768xf32>
    %dot_general3A_11 = tpu.matmul %get3A_7, %get3A_10, %dot_general3A {dimension_numbers = #tpu.dot_dimension_numbers<[1], [0], [0], [1], [0, 0, 1, 1], [], []>, transpose_lhs_hint = false} : vector<2048x768xf32>, vector<768x768xf32>, vector<2048x768xf32> -> vector<2048x768xf32>
    %get3A_12 = arith.constant 0 : index
    %get3A_13 = arith.constant 0 : index
    %get3A_14 = vector.load %arg4[%get3A_12, %get3A_13] : memref<1x768xf32, #tpu.memory_space<vmem>>, vector<1x768xf32>
    %add3A = vector.broadcast %get3A_14 : vector<1x768xf32> to vector<2048x768xf32>
    %add3A_15 = arith.addf %dot_general3A_11, %add3A : vector<2048x768xf32>
    %reduce_sum3A = arith.constant dense<0.000000e+00> : vector<2048xf32>
    %reduce_sum3A_16 = vector.multi_reduction <add>, %add3A_15, %reduce_sum3A [1] : vector<2048x768xf32> to vector<2048xf32>
    %broadcast_in_dim3A = vector.shape_cast %reduce_sum3A_16 : vector<2048xf32> to vector<2048x1xf32>
    %div3A = arith.constant 7.680000e+02 : f32
    %div3A_17 = vector.broadcast %div3A : f32 to vector<2048x1xf32>
    %div3A_18 = arith.divf %broadcast_in_dim3A, %div3A_17 : vector<2048x1xf32>
    %sub3A = vector.broadcast %div3A_18 : vector<2048x1xf32> to vector<2048x768xf32>
    %sub3A_19 = arith.subf %add3A_15, %sub3A : vector<2048x768xf32>
    %integer_pow3A = arith.mulf %sub3A_19, %sub3A_19 : vector<2048x768xf32>
    %reduce_sum3A_20 = arith.constant dense<0.000000e+00> : vector<2048xf32>
    %reduce_sum3A_21 = vector.multi_reduction <add>, %integer_pow3A, %reduce_sum3A_20 [1] : vector<2048x768xf32> to vector<2048xf32>
    %broadcast_in_dim3A_22 = vector.shape_cast %reduce_sum3A_21 : vector<2048xf32> to vector<2048x1xf32>
    %div3A_23 = arith.constant 7.680000e+02 : f32
    %div3A_24 = vector.broadcast %div3A_23 : f32 to vector<2048x1xf32>
    %div3A_25 = arith.divf %broadcast_in_dim3A_22, %div3A_24 : vector<2048x1xf32>
    %sub3A_26 = vector.broadcast %div3A_18 : vector<2048x1xf32> to vector<2048x768xf32>
    %sub3A_27 = arith.subf %add3A_15, %sub3A_26 : vector<2048x768xf32>
    %add3A_28 = arith.constant 9.99999974E-6 : f32
    %add3A_29 = vector.broadcast %add3A_28 : f32 to vector<2048x1xf32>
    %add3A_30 = arith.addf %div3A_25, %add3A_29 : vector<2048x1xf32>
    %sqrt3A = math.sqrt %add3A_30 : vector<2048x1xf32>
    %div3A_31 = vector.broadcast %sqrt3A : vector<2048x1xf32> to vector<2048x768xf32>
    %div3A_32 = arith.divf %sub3A_27, %div3A_31 : vector<2048x768xf32>
    %get3A_33 = arith.constant 0 : index
    %get3A_34 = arith.constant 0 : index
    %get3A_35 = vector.load %arg5[%get3A_33, %get3A_34] : memref<1x768xf32, #tpu.memory_space<vmem>>, vector<1x768xf32>
    %mul3A = vector.broadcast %get3A_35 : vector<1x768xf32> to vector<2048x768xf32>
    %mul3A_36 = arith.mulf %div3A_32, %mul3A : vector<2048x768xf32>
    %get3A_37 = arith.constant 0 : index
    %get3A_38 = arith.constant 0 : index
    %get3A_39 = vector.load %arg6[%get3A_37, %get3A_38] : memref<1x768xf32, #tpu.memory_space<vmem>>, vector<1x768xf32>
    %add3A_40 = vector.broadcast %get3A_39 : vector<1x768xf32> to vector<2048x768xf32>
    %add3A_41 = arith.addf %mul3A_36, %add3A_40 : vector<2048x768xf32>
    %get3A_42 = arith.constant 0 : index
    %get3A_43 = arith.constant 0 : index
    %get3A_44 = arith.constant 0 : index
    %get3A_45 = vector.load %arg7[%get3A_42, %get3A_43, %get3A_44] : memref<1x1x2048xf32, #tpu.memory_space<vmem>>, vector<1x1x2048xf32>
    %get3A_46 = vector.shape_cast %get3A_45 : vector<1x1x2048xf32> to vector<1x2048xf32>
    %dot_general3A_47 = arith.constant dense<0.000000e+00> : vector<1x768xf32>
    %dot_general3A_48 = tpu.matmul %get3A_46, %add3A_41, %dot_general3A_47 {dimension_numbers = #tpu.dot_dimension_numbers<[1], [0], [0], [1], [0, 0, 1, 1], [], []>, transpose_lhs_hint = false} : vector<1x2048xf32>, vector<2048x768xf32>, vector<1x768xf32> -> vector<1x768xf32>
    %iota3A = tpu.iota {dimensions = array<i32: 0>} : vector<4x1xi32>
    %get3A_49 = arith.constant 0 : index
    %get3A_50 = arith.constant 0 : index
    %get3A_51 = vector.load %arg16[%get3A_49, %get3A_50] : memref<4x768xf32, #tpu.memory_space<vmem>>, vector<4x768xf32>
    %eq3A_52 = vector.broadcast %arg0 : i32 to vector<4x1xi32>
    %eq3A_53 = arith.cmpi eq, %iota3A, %eq3A_52 : vector<4x1xi32>
    %mul3A_54 = arith.constant 4.8828125E-4 : f32
    %mul3A_55 = vector.broadcast %mul3A_54 : f32 to vector<1x768xf32>
    %mul3A_56 = arith.mulf %dot_general3A_48, %mul3A_55 : vector<1x768xf32>
    %jit3A = arith.constant 0.000000e+00 : f32
    %broadcast_in_dim3A_57 = vector.shape_cast %eq3A_53 : vector<4x1xi1> to vector<4x1xi1>
    %broadcast_in_dim3A_58 = vector.broadcast %broadcast_in_dim3A_57 : vector<4x1xi1> to vector<4x768xi1>
    %broadcast_in_dim3A_59 = vector.shape_cast %mul3A_56 : vector<1x768xf32> to vector<1x768xf32>
    %broadcast_in_dim3A_60 = vector.broadcast %broadcast_in_dim3A_59 : vector<1x768xf32> to vector<4x768xf32>
    %broadcast_in_dim3A_61 = vector.broadcast %jit3A : f32 to vector<4x768xf32>
    %select_n3A = arith.select %broadcast_in_dim3A_58, %broadcast_in_dim3A_60, %broadcast_in_dim3A_61 : vector<4x768xi1>, vector<4x768xf32>
    %add3A_62 = arith.addf %get3A_51, %select_n3A : vector<4x768xf32>
    %swap3A = arith.constant 0 : index
    %swap3A_63 = arith.constant 0 : index
    %swap3A_64 = vector.load %arg16[%swap3A, %swap3A_63] : memref<4x768xf32, #tpu.memory_space<vmem>>, vector<4x768xf32>
    tpu.vector_store %arg16[%swap3A, %swap3A_63], %add3A_62 {strides = array<i32>} : memref<4x768xf32, #tpu.memory_space<vmem>>, vector<4x768xf32>,
    %eq3A_65 = arith.constant 3 : i32
    %eq3A_66 = arith.cmpi eq, %arg0, %eq3A_65 : i32
    %eq3A_67 = arith.constant 0 : i32
    %eq3A_68 = arith.cmpi eq, %arg1, %eq3A_67 : i32
    %and3A_69 = arith.andi %eq3A_66, %eq3A_68 : i1
    %convert_element_type3A_70 = arith.extui %and3A_69 : i1 to i32
    %cond3A_71 = arith.constant 0 : i32
    %cond3A_72 = arith.cmpi ne, %convert_element_type3A_70, %cond3A_71 : i32
    scf.if %cond3A_72 {
      %get3A_73 = arith.constant 0 : index
      %get3A_74 = arith.constant 0 : index
      %get3A_75 = arith.constant 0 : index
      %get3A_76 = vector.load %arg8[%get3A_73, %get3A_74, %get3A_75] : memref<4x1x768xf32, #tpu.memory_space<vmem>>, vector<4x1x768xf32>
      %get3A_77 = vector.shape_cast %get3A_76 : vector<4x1x768xf32> to vector<4x768xf32>
      %mul3A_78 = arith.constant 4.8828125E-4 : f32
      %mul3A_79 = vector.broadcast %mul3A_78 : f32 to vector<4x768xf32>
      %mul3A_80 = arith.mulf %get3A_77, %mul3A_79 : vector<4x768xf32>
      %get3A_81 = arith.constant 0 : index
      %get3A_82 = arith.constant 0 : index
      %get3A_83 = vector.load %arg16[%get3A_81, %get3A_82] : memref<4x768xf32, #tpu.memory_space<vmem>>, vector<4x768xf32>
      %add3A_84 = arith.addf %get3A_83, %mul3A_80 : vector<4x768xf32>
      %concatenate3A = tpu.concatenate %add3A_84, %mul3A_80 in 1 : vector<4x768xf32>, vector<4x768xf32> -> vector<4x1536xf32>
      %get3A_85 = arith.constant 0 : index
      %get3A_86 = arith.constant 0 : index
      %get3A_87 = vector.load %arg9[%get3A_85, %get3A_86] : memref<1536x768xf32, #tpu.memory_space<vmem>>, vector<1536x768xf32>
      %dot_general3A_88 = arith.constant dense<0.000000e+00> : vector<4x768xf32>
      %dot_general3A_89 = tpu.matmul %concatenate3A, %get3A_87, %dot_general3A_88 {dimension_numbers = #tpu.dot_dimension_numbers<[1], [0], [0], [1], [0, 0, 1, 1], [], []>, transpose_lhs_hint = false} : vector<4x1536xf32>, vector<1536x768xf32>, vector<4x768xf32> -> vector<4x768xf32>
      %get3A_90 = arith.constant 0 : index
      %get3A_91 = arith.constant 0 : index
      %get3A_92 = vector.load %arg10[%get3A_90, %get3A_91] : memref<1x768xf32, #tpu.memory_space<vmem>>, vector<1x768xf32>
      %add3A_93 = vector.broadcast %get3A_92 : vector<1x768xf32> to vector<4x768xf32>
      %add3A_94 = arith.addf %dot_general3A_89, %add3A_93 : vector<4x768xf32>
      %max3A = arith.constant 0.000000e+00 : f32
      %max3A_95 = vector.broadcast %max3A : f32 to vector<4x768xf32>
      %max3A_96 = arith.maximumf %add3A_94, %max3A_95 : vector<4x768xf32>
      %get3A_97 = arith.constant 0 : index
      %get3A_98 = arith.constant 0 : index
      %get3A_99 = vector.load %arg11[%get3A_97, %get3A_98] : memref<768x768xf32, #tpu.memory_space<vmem>>, vector<768x768xf32>
      %dot_general3A_100 = arith.constant dense<0.000000e+00> : vector<4x768xf32>
      %dot_general3A_101 = tpu.matmul %max3A_96, %get3A_99, %dot_general3A_100 {dimension_numbers = #tpu.dot_dimension_numbers<[1], [0], [0], [1], [0, 0, 1, 1], [], []>, transpose_lhs_hint = false} : vector<4x768xf32>, vector<768x768xf32>, vector<4x768xf32> -> vector<4x768xf32>
      %get3A_102 = arith.constant 0 : index
      %get3A_103 = arith.constant 0 : index
      %get3A_104 = vector.load %arg12[%get3A_102, %get3A_103] : memref<1x768xf32, #tpu.memory_space<vmem>>, vector<1x768xf32>
      %add3A_105 = vector.broadcast %get3A_104 : vector<1x768xf32> to vector<4x768xf32>
      %add3A_106 = arith.addf %dot_general3A_101, %add3A_105 : vector<4x768xf32>
      %max3A_107 = arith.constant 0.000000e+00 : f32
      %max3A_108 = vector.broadcast %max3A_107 : f32 to vector<4x768xf32>
      %max3A_109 = arith.maximumf %add3A_106, %max3A_108 : vector<4x768xf32>
      %get3A_110 = arith.constant 0 : index
      %get3A_111 = arith.constant 0 : index
      %get3A_112 = vector.load %arg13[%get3A_110, %get3A_111] : memref<768x1000xf32, #tpu.memory_space<vmem>>, vector<768x1000xf32>
      %dot_general3A_113 = arith.constant dense<0.000000e+00> : vector<4x1000xf32>
      %dot_general3A_114 = tpu.matmul %max3A_109, %get3A_112, %dot_general3A_113 {dimension_numbers = #tpu.dot_dimension_numbers<[1], [0], [0], [1], [0, 0, 1, 1], [], []>, transpose_lhs_hint = false} : vector<4x768xf32>, vector<768x1000xf32>, vector<4x1000xf32> -> vector<4x1000xf32>
      %get3A_115 = arith.constant 0 : index
      %get3A_116 = arith.constant 0 : index
      %get3A_117 = vector.load %arg14[%get3A_115, %get3A_116] : memref<1x1000xf32, #tpu.memory_space<vmem>>, vector<1x1000xf32>
      %add3A_118 = vector.broadcast %get3A_117 : vector<1x1000xf32> to vector<4x1000xf32>
      %add3A_119 = arith.addf %dot_general3A_114, %add3A_118 : vector<4x1000xf32>
      %swap3A_120 = arith.constant 0 : index
      %swap3A_121 = arith.constant 0 : index
      %swap3A_122 = vector.load %arg15[%swap3A_120, %swap3A_121] : memref<4x1000xf32, #tpu.memory_space<vmem>>, vector<4x1000xf32>
      tpu.vector_store %arg15[%swap3A_120, %swap3A_121], %add3A_119 {strides = array<i32>} : memref<4x1000xf32, #tpu.memory_space<vmem>>, vector<4x1000xf32>,
    } else {
    }
    return
  }
  func.func @transform_0(%arg0: i32, %arg1: i32) -> (i32, i32, i32) {
    %c0_i32 = arith.constant 0 : i32
    %c0_i32_0 = arith.constant 0 : i32
    return %arg0, %arg1, %c0_i32 : i32, i32, i32
  }
  func.func @transform_1(%arg0: i32, %arg1: i32) -> (i32, i32) {
    %c0_i32 = arith.constant 0 : i32
    %c0_i32_0 = arith.constant 0 : i32
    %c0_i32_1 = arith.constant 0 : i32
    return %c0_i32, %c0_i32_0 : i32, i32
  }
  func.func @transform_2(%arg0: i32, %arg1: i32) -> (i32, i32) {
    %c0_i32 = arith.constant 0 : i32
    %c0_i32_0 = arith.constant 0 : i32
    %c0_i32_1 = arith.constant 0 : i32
    return %c0_i32, %c0_i32_0 : i32, i32
  }
  func.func @transform_3(%arg0: i32, %arg1: i32) -> (i32, i32) {
    %c0_i32 = arith.constant 0 : i32
    %c0_i32_0 = arith.constant 0 : i32
    %c0_i32_1 = arith.constant 0 : i32
    return %c0_i32, %c0_i32_0 : i32, i32
  }
  func.func @transform_4(%arg0: i32, %arg1: i32) -> (i32, i32) {
    %c0_i32 = arith.constant 0 : i32
    %c0_i32_0 = arith.constant 0 : i32
    %c0_i32_1 = arith.constant 0 : i32
    return %c0_i32, %c0_i32_0 : i32, i32
  }
  func.func @transform_5(%arg0: i32, %arg1: i32) -> (i32, i32, i32) {
    %c0_i32 = arith.constant 0 : i32
    %c0_i32_0 = arith.constant 0 : i32
    return %arg0, %c0_i32, %arg1 : i32, i32, i32
  }
  func.func @transform_6(%arg0: i32, %arg1: i32) -> (i32, i32, i32) {
    %c0_i32 = arith.constant 0 : i32
    %c0_i32_0 = arith.constant 0 : i32
    %c0_i32_1 = arith.constant 0 : i32
    %c0_i32_2 = arith.constant 0 : i32
    return %c0_i32, %c0_i32_0, %c0_i32_1 : i32, i32, i32
  }
  func.func @transform_7(%arg0: i32, %arg1: i32) -> (i32, i32) {
    %c0_i32 = arith.constant 0 : i32
    %c0_i32_0 = arith.constant 0 : i32
    %c0_i32_1 = arith.constant 0 : i32
    return %c0_i32, %c0_i32_0 : i32, i32
  }
  func.func @transform_8(%arg0: i32, %arg1: i32) -> (i32, i32) {
    %c0_i32 = arith.constant 0 : i32
    %c0_i32_0 = arith.constant 0 : i32
    %c0_i32_1 = arith.constant 0 : i32
    return %c0_i32, %c0_i32_0 : i32, i32
  }
  func.func @transform_9(%arg0: i32, %arg1: i32) -> (i32, i32) {
    %c0_i32 = arith.constant 0 : i32
    %c0_i32_0 = arith.constant 0 : i32
    %c0_i32_1 = arith.constant 0 : i32
    return %c0_i32, %c0_i32_0 : i32, i32
  }
  func.func @transform_10(%arg0: i32, %arg1: i32) -> (i32, i32) {
    %c0_i32 = arith.constant 0 : i32
    %c0_i32_0 = arith.constant 0 : i32
    %c0_i32_1 = arith.constant 0 : i32
    return %c0_i32, %c0_i32_0 : i32, i32
  }
  func.func @transform_11(%arg0: i32, %arg1: i32) -> (i32, i32) {
    %c0_i32 = arith.constant 0 : i32
    %c0_i32_0 = arith.constant 0 : i32
    %c0_i32_1 = arith.constant 0 : i32
    return %c0_i32, %c0_i32_0 : i32, i32
  }
  func.func @transform_12(%arg0: i32, %arg1: i32) -> (i32, i32) {
    %c0_i32 = arith.constant 0 : i32
    %c0_i32_0 = arith.constant 0 : i32
    %c0_i32_1 = arith.constant 0 : i32
    return %c0_i32, %c0_i32_0 : i32, i32
  }
  func.func @transform_13(%arg0: i32, %arg1: i32) -> (i32, i32) {
    %c0_i32 = arith.constant 0 : i32
    %c0_i32_0 = arith.constant 0 : i32
    %c0_i32_1 = arith.constant 0 : i32
    return %c0_i32, %c0_i32_0 : i32, i32
  }
}

</mosaic_0001>

<sc_bundles>
// kernel: kernel.5.cloned.1.call-start
scs
__scs_entry_jumppad:
0x0: {  	(pc) =	sbr.rel $0x88, $3  }
0x1: {  	(tag) =	ssettag $0x0;
	lr =	simm.s32 $0x1  }
0x2: {  	[smem:$0x3F93] =	sst lr;
	_ =	strace $0xD0000000  }
0x3: {  	_ = 	snop  }
0x4: {  	_ = 	snop  }
0x5: {  	_ = 	snop  }
0x6: {  	_ = 	snop  }
0x7: {  	_ = 	snop  }
__scs_overlays_trampoline_lowered:
0x8: {  	[smem:$0x3FA2] =	sst s0  }
0x9: {  	[smem:$0x3FA3] =	sst s1  }
0xa: {  	[smem:$0x3FA4] =	sst s2  }
0xb: {  	[smem:$0x3FA5] =	sst s3  }
0xc: {  	[smem:$0x3FA6] =	sst s4  }
0xd: {  	[smem:$0x3FA7] =	sst s5  }
0xe: {  	[smem:$0x3FA8] =	sst s6  }
0xf: {  	[smem:$0x3FA9] =	sst s7  }
0x10: {  	[smem:$0x3FAA] =	sst s8  }
0x11: {  	[smem:$0x3FAB] =	sst s9;
	s0 =	simm.s32 @!p0 $0x0  }
0x12: {  	s1 =	sld [smem:$0x3F91];
	s0 =	simm.s32 @p0 $0x1  }
0x13: {  	[smem:$0x3FAC] =	sst s0;
	s0 =	simm.s32 @!p1 $0x0  }
0x14: {  	s2 =	sld [smem:$0x3F90];
	s0 =	simm.s32 @p1 $0x1  }
0x15: {  	[smem:$0x3FAD] =	sst s0;
	s0 =	simm.s32 @!p2 $0x0  }
0x16: {  	s3 =	sld [smem:$0x3FDB];
	s0 =	simm.s32 @p2 $0x1  }
0x17: {  	s4 =	simm.s32 $0x1BF5;
	[smem:$0x3FAF] =	sst s0  }
0x18: {  	s0 =	sld [smem:$0x3F92];
	_ =	swait.ge [sflag:s4], $0x0  }
0x19: {  	s7 =	sld [smem:$0x3F93]  }
0x1a: {  	s8 =	sadd.s32 $0xFFFFE003, lr  }
0x1b: {  	s9 =	sadd.s32 $0xFFFFFEF7, lr;
	s5 =	simm.s32 $0xFFFFFFFF;
	p2 =	slt.u32 s8, $0xFFFFF086  }
0x1c: {  	p1 =	slt.u32 s9, $0xF7A;
	s5 =	simm.s32 @!p2 $0x0  }
0x1d: {  	s5 =	simm.s32 @p1 $0x1;
	p0 =	seq.s32 s7, s2  }
0x1e: {  	s7 =	smul.u32 @!p0 $0xF7A, s2;
	p2 =	seq.s32 @!p0 s5, $0x0  }
0x1f: {  	s9 =	smul.u32 $0xF7A, s1;
	s8 =	simm.s32 @!p0 $0x1BF5;
	p2 =	por !p2, p0  }
0x20: {  	[sflag:s8] =	ssyncset.s32 @!p0 $0xFFFFF086;
	s6 =	sadd.s32 @!p0 s3, s7;
	s7 =	simm.s32 @!p0 $0x108  }
0x21: {  	s3 =	sadd.s32 s3, s9;
	s6 =	sadd.s32 @!p0 $0x88, s6;
	s7 =	simm.s32 @p2 $0x1082  }
0x22: {  	[simem:s7], [sflag:s8] =	dma.local @!p0 [hbm:s6], $0xF7A  }
0x23: {  	s9 =	sor.u32 $0xD0000000, s2;
	s6 =	simm.s32 $0x108;
	_ =	swait.ge @!p0 [sflag:s8], $0x0  }
0x24: {  	s3 =	sadd.s32 $0x88, s3;
	s6 =	simm.s32 @!p1 $0x1082;
	[sflag:s4] =	ssyncset.s32 $0xFFFFF086  }
0x25: {  	[simem:s6], [sflag:s4] =	dma.local [hbm:s3], $0xF7A  }
0x26: {  	[smem:$0x3F93] =	sst s1;
	(tag) =	ssettag s2;
	_ =	strace s9  }
0x27: {  	s1 =	sld [smem:$0x3FA3]  }
0x28: {  	s2 =	sld [smem:$0x3FA4]  }
0x29: {  	s4 =	sld [smem:$0x3FA6]  }
0x2a: {  	p0 =	seq.s32 s5, $0x0;
	s5 =	sld [smem:$0x3FA7]  }
0x2b: {  	s6 =	sld [smem:$0x3FA8]  }
0x2c: {  	s7 =	sld [smem:$0x3FA9]  }
0x2d: {  	s3 =	simm.s32 $0x108;
	s8 =	sld [smem:$0x3FAA]  }
0x2e: {  	s3 =	simm.s32 @!p0 $0x1082;
	s9 =	sld [smem:$0x3FAB]  }
0x2f: {  	lr =	sadd.s32 s0, s3;
	s0 =	sld [smem:$0x3FA2]  }
0x30: {  	s3 =	sld [smem:$0x3FA5]  }
0x31: {  	[smem:$0x3FAE] =	sst s10  }
0x32: {  	s10 =	sld [smem:$0x3FAC];
	_ =	sdelay $0x3  }
0x33: {  	p0 =	seq.s32 s10, $0x1;
	s10 =	sld [smem:$0x3FAE];
	_ =	sdelay $0x3  }
0x34: {  	[smem:$0x3FAE] =	sst s10  }
0x35: {  	s10 =	sld [smem:$0x3FAD];
	_ =	sdelay $0x3  }
0x36: {  	p1 =	seq.s32 s10, $0x1;
	s10 =	sld [smem:$0x3FAE];
	_ =	sdelay $0x3  }
0x37: {  	[smem:$0x3FAE] =	sst s10  }
0x38: {  	s10 =	sld [smem:$0x3FAF]  }
0x39: {  	_ = 	snop;
	(pc) =	sbr.ind lr, $3  }
0x3a: {  	_ = 	snop  }
0x3b: {  	_ = 	snop  }
0x3c: {  	p2 =	seq.s32 s10, $0x1;
	s10 =	sld [smem:$0x3FAE]  }
0x3d: {  	_ =	shalt  }
0x3e: {  	_ =	shalt  }
0x3f: {  	_ =	shalt  }
0x40: {  	_ =	shalt  }
0x41: {  	_ =	shalt  }
0x42: {  	_ =	shalt  }
0x43: {  	_ =	shalt  }
0x44: {  	_ =	shalt  }
0x45: {  	_ =	shalt  }
0x46: {  	_ =	shalt  }
0x47: {  	_ =	shalt  }
0x48: {  	_ =	shalt  }
0x49: {  	_ =	shalt  }
0x4a: {  	_ =	shalt  }
0x4b: {  	_ =	shalt  }
0x4c: {  	_ =	shalt  }
0x4d: {  	_ =	shalt  }
0x4e: {  	_ =	shalt  }
0x4f: {  	_ =	shalt  }
0x50: {  	_ =	shalt  }
0x51: {  	_ =	shalt  }
0x52: {  	_ =	shalt  }
0x53: {  	_ =	shalt  }
0x54: {  	_ =	shalt  }
0x55: {  	_ =	shalt  }
0x56: {  	_ =	shalt  }
0x57: {  	_ =	shalt  }
0x58: {  	_ =	shalt  }
0x59: {  	_ =	shalt  }
0x5a: {  	_ =	shalt  }
0x5b: {  	_ =	shalt  }
0x5c: {  	_ =	shalt  }
0x5d: {  	_ =	shalt  }
0x5e: {  	_ =	shalt  }
0x5f: {  	_ =	shalt  }
0x60: {  	_ =	shalt  }
0x61: {  	_ =	shalt  }
0x62: {  	_ =	shalt  }
0x63: {  	_ =	shalt  }
0x64: {  	_ =	shalt  }
0x65: {  	_ =	shalt  }
0x66: {  	_ =	shalt  }
0x67: {  	_ =	shalt  }
0x68: {  	_ =	shalt  }
0x69: {  	_ =	shalt  }
0x6a: {  	_ =	shalt  }
0x6b: {  	_ =	shalt  }
0x6c: {  	_ =	shalt  }
0x6d: {  	_ =	shalt  }
0x6e: {  	_ =	shalt  }
0x6f: {  	_ =	shalt  }
0x70: {  	_ =	shalt  }
0x71: {  	_ =	shalt  }
0x72: {  	_ =	shalt  }
0x73: {  	_ =	shalt  }
0x74: {  	_ =	shalt  }
0x75: {  	_ =	shalt  }
0x76: {  	_ =	shalt  }
0x77: {  	_ =	shalt  }
0x78: {  	_ =	shalt  }
0x79: {  	_ =	shalt  }
0x7a: {  	_ =	shalt  }
0x7b: {  	_ =	shalt  }
0x7c: {  	_ =	shalt  }
0x7d: {  	_ =	shalt  }
0x7e: {  	_ =	shalt  }
0x7f: {  	_ =	shalt  }
0x80: {  	_ =	shalt  }
0x81: {  	_ =	shalt  }
0x82: {  	_ =	shalt  }
0x83: {  	_ =	shalt  }
0x84: {  	_ =	shalt  }
0x85: {  	_ =	shalt  }
0x86: {  	_ =	shalt  }
0x87: {  	_ =	shalt  }
.Lfunc_end0:
.L_simem_size_0:
called_computation_lowered:
.L_overlay_start_0:
0x88: {  	s2 =	sld [smem:$0x3FD9]  }
0x89: {  	s3 =	sld [smem:$0x3FFE];
	_ =	sdelay $0x1  }
0x8a: {  	s1 =	srdreg.scid  }
0x8b: {  	s0 =	sand.u32 $0x1, s1  }
0x8c: {  	s16 =	sshll.u32 s0, $0xA;
	s2 =	sadd.s32 s3, s2  }
0x8d: {  	s2 =	sadd.s32 s2, s16  }
0x8e: {  	[smem:$0x3FBA] =	sst s2  }
0x8f: {  	_ = 	snop  }
0x90: {  	(tm) =	ssettm $0x1  }
0x91: {  	s17 =	sld [smem:$0x3FFB];
	_ =	sdelay $0x3  }
0x92: {  	_ =	strace s17  }
0x93: {  	s2 =	sld [smem:$0x3FFC];
	_ =	sdelay $0x3  }
0x94: {  	_ =	strace s2  }
0x95: {  	s2 =	sld [smem:$0x3FFD];
	_ =	sdelay $0x3  }
0x96: {  	_ =	strace s2  }
0x97: {  	_ =	strace $0x8FFFFFFF  }
0x98: {  	s18 =	sld [smem:$0x3FDB];
	_ =	sdelay $0x1  }
0x99: {  	s19 =	simm.s32 $_scs_section_size  }
0x9a: {  	s4 =	simm.s32 $_size__tile_overlayer_lowered;
	s5 =	simm.s32 $_tile_overlayer_lowered  }
0x9b: {  	s22 =	simm.s32 $0x1BFF;
	s21 =	sshll.u32 s5, $0x1;
	s2 =	sadd.s32 s19, s18  }
0x9c: {  	s6 =	simm.s32 $0x0;
	s20 =	sshll.u32 s4, $0x1;
	s4 =	sadd.s32 s21, s2  }
0x9d: {  	[timem:s6], [sflag:s22] =	dma.local [hbm:s4], s20  }
0x9e: {  	_ =	swait.ge [sflag:s22], s20  }
0x9f: {  	s3 =	ssub.s32 $0x0, s20;
	[sflag:s22] =	ssyncset.done $0x0  }
0xa0: {  	[sflag:s22] =	ssyncadd.s32 s3;
	_ =	sdelay $0x1  }
0xa1: {  	s23 =	simm.s32 $0x1B8B  }
0xa2: {  	_ =	swait.ge [sflag:s23], $0x1  }
0xa3: {  	[sflag:s23] =	ssyncset.done $0x0  }
0xa4: {  	s25 =	simm.s32 $0x1B8E;
	s24 =	sld [smem:$0x3FFE];
	[sflag:s23] =	ssyncadd.s32 $0xFFFFFFFF  }
0xa5: {  	s26 =	simm.s32 $execute0_lowered;
	[smem:$0x3FD2] =	sst s25  }
0xa6: {  	s4 =	sshll.u32 s26, $0x1;
	_ =	strace $0x80000046;
	[dreg:$0x1] =	wrdreg $0xFFFFFFFF  }
0xa7: {  	s28 =	simm.s32 $_size_execute0_lowered;
	s2 =	sadd.s32 s2, s4;
	[dreg:$0x0] =	wrdreg $0x0  }
0xa8: {  	s4 =	sshll.u32 s28, $0x1;
	[dreg:$0x2] =	wrdreg s2  }
0xa9: {  	[dreg:$0x3] =	wrdreg s4  }
0xaa: {  	[dreg:$0x4] =	wrdreg $0xC0  }
0xab: {  	_ =	task [dreg:s6], $0x5FFFF  }
0xac: {  	[dreg:$0x1] =	wrdreg $0xFFFFFFFF  }
0xad: {  	[dreg:$0x0] =	wrdreg $0x60  }
0xae: {  	[dreg:$0x2] =	wrdreg s24  }
0xaf: {  	[dreg:$0x3] =	wrdreg $0x9  }
0xb0: {  	_ =	task.clear_ibuf [dreg:s6], $0x4FFFF;
	_ =	strace $0x90000046  }
0xb1: {  	s29 =	simm.s32 $0x9;
	_ =	strace $0x80000048  }
0xb2: {  	_ =	swait.ge [sflag:s29], $0x1  }
0xb3: {  	[sflag:s29] =	ssyncadd.s32 $0xFFFFFFFF  }
0xb4: {  	_ =	strace $0x90000048  }
0xb5: {  	_ =	sfence  }
0xb6: {  	s30 =	sld [smem:$0x0];
	_ =	sdelay $0x2  }
0xb7: {  	s31 =	sshll.u32 s1, $0xD;
	s1 =	sshrl.u32 s1, $0x2  }
0xb8: {  	s3 =	sand.u32 $0x4000, s31;
	s1 =	sadd.s32 s1, s30  }
0xb9: {  	s0 =	sor.u32 s3, s0;
	s1 =	sshll.u32 s1, $0x11  }
0xba: {  	s0 =	sor.u32 s1, s0  }
0xbb: {  	s0 =	sadd.s32 $0x8F2B, s0  }
0xbc: {  	[sflag:s0] =	ssyncadd.remote.s32 $0x1  }
0xbd: {  	_ =	sfence.sel $0xFFFF  }
0xbe: {  	[dreg:$0x0] =	wrdreg $0xFFFFFFFF;
	(pc) =	sbr.abs _section_cstart, $3  }
0xbf: {  	[dreg:$0x1] =	wrdreg $0xFFFFFFFF  }
0xc0: {  	_ =	task.clear_ibuf [dreg:s6], $0x2FFFF;
	_ =	strace $0x9FFFFFFF  }
0xc1: {  	(tm) =	ssettm $0x7FFFFFFF  }
tec
execute0_lowered:
.L_overlay_start_1:
0x0: {  	(tag) =	ssettag $0x1  }
0x1: {  	s1 =	stileid.u32  }
0x2: {  	p0 =	sgt.u32 s1, $0x1  }
.Ltmp0:
0x3: {  	_ = 	snop;
	(pc) =	sbr.rel @p0 .LBB2_7-.Ltmp0, $4  }
0x4: {  	_ = 	snop  }
0x5: {  	s3 =	rddreg [dreg:$0x0];
	s2 =	simm.s32 $0x0  }
0x6: {  	[smem:$0x7FF] =	sst s2  }
0x7: {  	s0 =	rddreg [dreg:$0x1];
	_ =	strace $0x80000047  }
0x8: {  	s4 =	srdreg.scid  }
0x9: {  	s4 =	sand.u32 $0x1, s4  }
0xa: {  	s5 =	sshll.u32 s1, $0x5;
	s6 =	sshll.u32 s4, $0x4;
	s4 =	ssub.s32 $0x2, s4  }
0xb: {  	s8 =	sadd.s32 $0x2200, s3;
	s5 =	sor.u32 s6, s5;
	s7 =	sshrl.u32 s4, $0x1  }
0xc: {  	s9 =	simm.s32 $0x800;
	s6 =	sadd.s32 s5, s3;
	s31 =	ssub.s32 s4, s7  }
0xd: {  	s4 =	sadd.s32 s8, s5;
	s7 =	simm.s32 $0x200;
	s8 =	simm.s32 $0x1  }
0xe: {  	v0 =	vimm.f32 $0.0e+00;
	v1 =	vimm.f32 $1.000000000e+00;
	s3 =	sadd.s32 $0x2600, s6;
	s5 =	smax.u32 s31, $0x1;
	s6 =	simm.s32 $0x80  }
.LBB2_2:
0xf: {  	s10 =	simm.s32 $0x0  }
0x10: {  	[tilespmem:s10], [sflag:$0x1] =	stream.strided.gather [hbm4b:s4+s6], $0x800, s7, s6, $0x38;
	[tilespmem:$0x1000] =	vst v63  }
0x11: {  	_ =	swait.ge [sflag:s8], $0x800  }
0x12: {  	[sflag:s8] =	ssyncset.done $0x0  }
0x13: {  	s11 =	simm.s32 $0x0;
	s10 =	simm.s32 $0x40;
	[sflag:s8] =	ssyncadd.s32 $0xFFFFF800  }
.LBB2_3:
0x14: {  	p0 =	sne.s32 s10, $0x1FC0;
	[tilespmem:s11+$0x800] =	vst v0;
	s11 =	smov.u32 s10;
	s10 =	sadd.s32 $0x40, s10  }
.Ltmp1:
0x15: {  	(pc) =	sbr.rel @p0 .LBB2_3-.Ltmp1, $2  }
0x16: {  	_ =	sdelay $0x2  }
0x17: {  	s11 =	sshra.s32 s11, $0x2  }
0x18: {  	[tilespmem:s11+$0x800] =	vst v0;
	s11 =	simm.s32 $0x0;
	s10 =	simm.s32 $0x40  }
.LBB2_5:
0x19: {  	p0 =	sne.s32 s10, $0x1FC0;
	v2 =	vld [tilespmem:s11+$0x0];
	_ =	sdelay $0x3  }
.Ltmp2:
0x1a: {  	(pc) =	sbr.rel @p0 .LBB2_5-.Ltmp2, $2  }
0x1b: {  	_ =	sdelay $0x2  }
0x1c: {  	s11 =	sshra.s32 s10, $0x2;
	s10 =	sadd.s32 $0x40, s10;
	[tilespmem:v2+s9+$0x0] =	vst.idx.add.f32.msk $0xffff, v1  }
0x1d: {  	v2 =	vld [tilespmem:s11+$0x0];
	_ =	sdelay $0x5  }
0x1e: {  	s2 =	sadd.s32 $0x1, s2  }
0x1f: {  	p0 =	sne.s32 s2, s5  }
.Ltmp3:
0x20: {  	[tilespmem:v2+s9+$0x0] =	vst.idx.add.f32.msk $0xffff, v1;
	(pc) =	sbr.rel @p0 .LBB2_2-.Ltmp3, $4  }
0x21: {  	[hbm4b:s3+s6] =	stream.strided.scatter [tilespmem:s9], [sflag:$0x1], $0x800, s7, s6, $0x38;
	[tilespmem:$0x1000] =	vst v63  }
0x22: {  	_ =	swait.ge [sflag:s8], $0x800  }
0x23: {  	[sflag:s8] =	ssyncset.done $0x0  }
0x24: {  	[sflag:s8] =	ssyncadd.s32 $0xFFFFF800  }
.LBB2_7:
0x25: {  	_ =	sfence.sel $0x180000  }
0x26: {  	[bflag:$0x0] =	sbarrier.arrive $0xFFFF  }
0x27: {  	p0 =	sne.s32 s1, $0x0;
	_ =	strace $0x90000047  }
0x28: {  	s0 =	sadd.s32 @!p0 $0x100000, s0;
	[bflag:$0x2] =	sbarrier.arrive $0xFFFF  }
0x29: {  	[sflag:s0] =	ssyncadd.tile.s32 @!p0 $0x1;
	_ =	shalt  }
.Lfunc_end2:
_tile_overlayer_lowered:
.L_overlay_start_2:
0x2a: {  	(tag) =	ssettag $0x2  }
0x2b: {  	s0 =	rddreg [dreg:$0x0];
	s2 =	stileid.u32  }
0x2c: {  	s1 =	rddreg [dreg:$0x1];
	p0 =	sne.s32 s2, $0x0  }
0x2d: {  	s3 =	rddreg [dreg:$0x2];
	[bflag:$0x3] =	sbarrier.arrive $0xFFFF;
	s2 =	simm.s32 @!p0 $0x1C01  }
0x2e: {  	[timem:s3], [sflag:s2] =	dma.local @!p0 [hbm:s0], s1  }
0x2f: {  	s0 =	simm.s32 @!p0 $0x1  }
0x30: {  	_ =	swait.ge @!p0 [sflag:s0], s1  }
0x31: {  	s1 =	ssub.s32 @!p0 $0x0, s1;
	[sflag:s0] =	ssyncset.done @!p0 $0x0  }
0x32: {  	[sflag:s0] =	ssyncadd.s32 @!p0 s1  }
0x33: {  	[bflag:$0x3] =	sbarrier.arrive $0xFFFF  }
0x34: {  	_ =	shalt  }

</sc_bundles>
